<compile_context>
chip_gen: v7x
topology: tpu7x:2x2x1
jax: 0.10.2.dev20260603
libtpu: 0.0.44.dev20260713+nightly
codegen_flags: <defaults>
</compile_context>

<pallas_src>
import functools

import jax
import jax.numpy as jnp
from jax import lax
from jax.experimental import pallas as pl
from jax.experimental.pallas import tpu as pltpu
from jax.experimental.pallas import tpu_sc as plsc

N = 10000
E = 320000
D = 128

NC = 2
NS = 16
NP = N + 112
RSPL = NP // NS
EPT = 10240
EP = EPT * NC * NS

_mesh = plsc.VectorSubcoreMesh(core_axis_name="c", subcore_axis_name="s")


def _ring3_edge_loop(nch, src_load, src_wait, dst_load, dst_wait,
                     g_start, g_wait, s_start, s_wait, after_prologue=None):
    def make_iter(k, b, static):
        def when(cond, fn):
            if static:
                if cond:
                    fn()
            else:
                pl.when(cond)(fn)

        when(k >= 1, lambda: s_wait((b + 2) % 3))
        when(k + 2 < nch, lambda: dst_load(k + 2, (b + 2) % 3))
        when(k + 2 < nch, lambda: src_wait((b + 2) % 3))
        when(k + 2 < nch, lambda: g_start(k + 2, (b + 2) % 3))
        g_wait(b)
        when(k + 3 < nch, lambda: src_load(k + 3, b))
        dst_wait(b)
        s_start(k, b)

    src_load(0, 0)
    dst_load(0, 0)
    src_load(1, 1)
    dst_load(1, 1)
    src_wait(0)
    src_wait(1)
    g_start(0, 0)
    g_start(1, 1)
    if nch > 2:
        src_load(2, 2)
    if after_prologue is not None:
        after_prologue()

    ngroups = nch // 3

    def body(j, carry):
        for t in range(3):
            make_iter(3 * j + t, t, static=False)
        return carry

    lax.fori_loop(0, ngroups, body, 0)
    for k in range(3 * ngroups, nch):
        make_iter(k, k % 3, static=True)
    s_wait((nch - 1) % 3)


def _edge_scatter_kernel(gv, src_hbm, dst_hbm, z_hbm, out_hbm,
                         src_v, dst_v, rows_v, sr, sd, sg, ss, sz,
                         acc_sh, pc, nch, c, s, split_io):
    if split_io:
        zinit = pltpu.async_copy(z_hbm.at[pl.ds(s * RSPL, RSPL)],
                                 acc_sh.at[pl.ds(s * RSPL, RSPL)], sz)
    else:
        zinit = None

        @pl.when(s == 0)
        def _():
            pltpu.async_copy(z_hbm, acc_sh, sz)

    def after_prologue():
        if split_io:
            zinit.wait()
        else:
            @pl.when(s == 0)
            def _():
                pltpu.make_async_copy(z_hbm, acc_sh, sz).wait()
        plsc.subcore_barrier()

    base0 = (c * NS + s) * EPT

    def src_load(k, b):
        pltpu.async_copy(src_hbm.at[pl.ds(base0 + k * pc, pc)], src_v[b], sr[b])

    def src_wait(b):
        pltpu.make_async_copy(src_hbm.at[pl.ds(base0, pc)], src_v[b], sr[b]).wait()

    def dst_load(k, b):
        pltpu.async_copy(dst_hbm.at[pl.ds(base0 + k * pc, pc)], dst_v[b], sd[b])

    def dst_wait(b):
        pltpu.make_async_copy(dst_hbm.at[pl.ds(base0, pc)], dst_v[b], sd[b]).wait()

    def g_start(k, b):
        pltpu.async_copy(gv.at[src_v[b]], rows_v[b], sg[b])

    def g_wait(b):
        pltpu.make_async_copy(gv.at[src_v[b]], rows_v[b], sg[b]).wait()

    def s_start(k, b):
        pltpu.async_copy(rows_v[b], acc_sh.at[dst_v[b]], ss[b], add=True)

    def s_wait(b):
        pltpu.make_async_copy(rows_v[b], acc_sh.at[dst_v[b]], ss[b]).wait()

    _ring3_edge_loop(nch, src_load, src_wait, dst_load, dst_wait,
                     g_start, g_wait, s_start, s_wait, after_prologue)

    plsc.subcore_barrier()
    if split_io:
        pltpu.sync_copy(acc_sh.at[pl.ds(s * RSPL, RSPL)],
                        out_hbm.at[c].at[pl.ds(s * RSPL, RSPL)])
    else:
        @pl.when(s == 0)
        def _():
            pltpu.sync_copy(acc_sh, out_hbm.at[c])


DEG_CHUNK = 512
DEG_NCHUNKS = EPT // DEG_CHUNK


@functools.partial(
    pl.kernel,
    mesh=_mesh,
    out_type=jax.ShapeDtypeStruct((NC, NP), jnp.float32),
    scratch_types=[
        pltpu.VMEM((DEG_CHUNK,), jnp.int32),
        pltpu.VMEM((DEG_CHUNK,), jnp.float32),
        pltpu.VMEM_SHARED((NP,), jnp.float32),
    ],
)
def _deg_kernel(dst_hbm, z_hbm, out_hbm, dst_v, ones_v, acc_sh):
    c = lax.axis_index("c")
    s = lax.axis_index("s")

    @pl.when(s == 0)
    def _():
        pltpu.sync_copy(z_hbm, acc_sh)

    def fill_ones(j, carry):
        ones_v[pl.ds(j * 16, 16)] = jnp.ones((16,), jnp.float32)
        return carry

    lax.fori_loop(0, DEG_CHUNK // 16, fill_ones, 0)
    plsc.subcore_barrier()

    base0 = (c * NS + s) * EPT

    def chunk(k, carry):
        base = base0 + k * DEG_CHUNK
        pltpu.sync_copy(dst_hbm.at[pl.ds(base, DEG_CHUNK)], dst_v)
        pltpu.sync_copy(ones_v, acc_sh.at[dst_v], add=True)
        return carry

    lax.fori_loop(0, DEG_NCHUNKS, chunk, 0)
    plsc.subcore_barrier()

    @pl.when(s == 0)
    def _():
        pltpu.sync_copy(acc_sh, out_hbm.at[c])


PC = 128
PNCH = EPT // PC


@functools.partial(
    pl.kernel,
    mesh=_mesh,
    out_type=jax.ShapeDtypeStruct((NC, NP, D), jnp.float32),
    scratch_types=(
        [pltpu.VMEM((PC,), jnp.int32)] * 3
        + [pltpu.VMEM((PC,), jnp.int32)] * 3
        + [pltpu.VMEM((PC, D), jnp.float32)] * 3
        + [pltpu.VMEM_SHARED((NP, D), jnp.float32)]
        + [pltpu.SemaphoreType.DMA] * 13
    ),
)
def _prop_kernel(g_hbm, src_hbm, dst_hbm, z_hbm, out_hbm,
                 s0, s1, s2, d0, d1, d2, r0, r1, r2, acc_sh, *sems):
    c = lax.axis_index("c")
    s = lax.axis_index("s")
    _edge_scatter_kernel(g_hbm, src_hbm, dst_hbm, z_hbm, out_hbm,
                         [s0, s1, s2], [d0, d1, d2], [r0, r1, r2],
                         list(sems[0:3]), list(sems[3:6]), list(sems[6:9]),
                         list(sems[9:12]), sems[12], acc_sh, PC, PNCH, c, s, split_io=True)


P1C = 2048
P1NCH = EPT // P1C


@functools.partial(
    pl.kernel,
    mesh=_mesh,
    out_type=jax.ShapeDtypeStruct((NC, NP), jnp.float32),
    scratch_types=(
        [pltpu.VMEM((P1C,), jnp.int32)] * 3
        + [pltpu.VMEM((P1C,), jnp.int32)] * 3
        + [pltpu.VMEM((P1C,), jnp.float32)] * 3
        + [pltpu.VMEM_SHARED((NP,), jnp.float32)]
        + [pltpu.SemaphoreType.DMA] * 13
    ),
)
def _prop1_kernel(g_hbm, src_hbm, dst_hbm, z_hbm, out_hbm,
                  s0, s1, s2, d0, d1, d2, r0, r1, r2, acc_sh, *sems):
    c = lax.axis_index("c")
    s = lax.axis_index("s")
    _edge_scatter_kernel(g_hbm, src_hbm, dst_hbm, z_hbm, out_hbm,
                         [s0, s1, s2], [d0, d1, d2], [r0, r1, r2],
                         list(sems[0:3]), list(sems[3:6]), list(sems[6:9]),
                         list(sems[9:12]), sems[12], acc_sh, P1C, P1NCH, c, s, split_io=False)


ROWS = 1000


def _tc1_body(degp_ref, x_ref, w_ref, g_ref, dinv_ref):
    d = degp_ref[0] + degp_ref[1] + 1.0
    dinv = lax.rsqrt(d)
    dinv_ref[...] = dinv
    h = jnp.dot(x_ref[...], w_ref[...], preferred_element_type=jnp.float32)
    g_ref[...] = h * dinv


def _tc_layer_body(p_ref, g_ref, dinv_ref, b_ref, w_ref, out_ref):
    s = p_ref[0] + p_ref[1] + g_ref[...]
    a = jnp.maximum(s * dinv_ref[...] + b_ref[...], 0.0)
    h = jnp.dot(a, w_ref[...], preferred_element_type=jnp.float32)
    out_ref[...] = h * dinv_ref[...]


def _tc_out_body(p_ref, g_ref, dinv_ref, b_ref, out_ref):
    out_ref[...] = (p_ref[0] + p_ref[1] + g_ref[...]) * dinv_ref[...] + b_ref[...]


def _tc1(degp, x, w0):
    return pl.pallas_call(
        _tc1_body,
        grid=(N // ROWS,),
        in_specs=[
            pl.BlockSpec((NC, ROWS, 1), lambda i: (0, i, 0)),
            pl.BlockSpec((ROWS, D), lambda i: (i, 0)),
            pl.BlockSpec((D, D), lambda i: (0, 0)),
        ],
        out_specs=[
            pl.BlockSpec((ROWS, D), lambda i: (i, 0)),
            pl.BlockSpec((ROWS, 1), lambda i: (i, 0)),
        ],
        out_shape=[
            jax.ShapeDtypeStruct((NP, D), jnp.float32),
            jax.ShapeDtypeStruct((N, 1), jnp.float32),
        ],
    )(degp, x, w0)


def _tc_layer(p, g, dinv, b, w):
    dout = w.shape[1]
    out_rows = NP if dout == D else N
    return pl.pallas_call(
        _tc_layer_body,
        grid=(N // ROWS,),
        in_specs=[
            pl.BlockSpec((NC, ROWS, D), lambda i: (0, i, 0)),
            pl.BlockSpec((ROWS, D), lambda i: (i, 0)),
            pl.BlockSpec((ROWS, 1), lambda i: (i, 0)),
            pl.BlockSpec((1, D), lambda i: (0, 0)),
            pl.BlockSpec((D, dout), lambda i: (0, 0)),
        ],
        out_specs=pl.BlockSpec((ROWS, dout), lambda i: (i, 0)),
        out_shape=jax.ShapeDtypeStruct((out_rows, dout), jnp.float32),
    )(p, g, dinv, b, w)


def _tc_out(p, g2, dinv, b2):
    return pl.pallas_call(
        _tc_out_body,
        grid=(N // ROWS,),
        in_specs=[
            pl.BlockSpec((NC, ROWS, 1), lambda i: (0, i, 0)),
            pl.BlockSpec((ROWS, 1), lambda i: (i, 0)),
            pl.BlockSpec((ROWS, 1), lambda i: (i, 0)),
            pl.BlockSpec((1, 1), lambda i: (0, 0)),
        ],
        out_specs=pl.BlockSpec((ROWS, 1), lambda i: (i, 0)),
        out_shape=jax.ShapeDtypeStruct((N, 1), jnp.float32),
    )(p, g2, dinv, b2)


def kernel(x, edge_index, W0, b0, W1, b1, W2, b2):
    src = edge_index[0].astype(jnp.int32)
    dst = edge_index[1].astype(jnp.int32)
    pad = (jnp.arange(EP - E, dtype=jnp.int32) % 16) + N
    srcp = jnp.concatenate([src, pad])
    dstp = jnp.concatenate([dst, pad])
    zNP = jnp.zeros((NP,), jnp.float32)
    zNPD = jnp.zeros((NP, D), jnp.float32)

    degp = _deg_kernel(dstp, zNP)
    g0, dinv = _tc1(degp.reshape(NC, NP, 1), x, W0)
    p0 = _prop_kernel(g0, srcp, dstp, zNPD)
    g1 = _tc_layer(p0, g0, dinv, b0.reshape(1, D), W1)
    p1 = _prop_kernel(g1, srcp, dstp, zNPD)
    g2 = _tc_layer(p1, g1, dinv, b1.reshape(1, D), W2)
    g2p = jnp.concatenate([g2.reshape(N), jnp.zeros((16,), jnp.float32)])
    p2 = _prop1_kernel(g2p, srcp, dstp, zNP)
    out = _tc_out(p2.reshape(NC, NP, 1), g2, dinv, b2.reshape(1, 1))
    return out

# --- scband reference (transcript-rebuilt; emitter-appended) ---
"""Pipeline reference for scband-gcn-53755810677007 (READ-ONLY COPY).

The authoritative reference and input builder live on the scoring server;
editing this copy changes nothing except your own understanding.
"""

import jax, jax.numpy as jnp
import numpy as np

N = 10000
E = 320000
DF = 128
DH = 128


def _glorot(key, fan_in, fan_out):
    limit = float(np.sqrt(6.0 / (fan_in + fan_out)))
    return jax.random.uniform(key, (fan_in, fan_out), jnp.float32, -limit, limit)


def setup_inputs(seed: int = 0) -> dict:
    key = jax.random.key(seed)
    k1, k2, k3, k4, k5 = jax.random.split(key, 5)
    x = jax.random.normal(k1, (N, DF), dtype=jnp.float32)
    edge_index = jax.random.randint(k2, (2, E), 0, N)
    W0 = _glorot(k3, DF, DH)
    b0 = jnp.zeros((DH,), jnp.float32)
    W1 = _glorot(k4, DH, DH)
    b1 = jnp.zeros((DH,), jnp.float32)
    W2 = _glorot(k5, DH, 1)
    b2 = jnp.zeros((1,), jnp.float32)
    return {"x": x, "edge_index": edge_index, "W0": W0, "b0": b0, "W1": W1, "b1": b1, "W2": W2, "b2": b2}


def _gcn_conv(x, src, dst, norm, W, b):
    h = x @ W
    msg = h[src] * norm[:, None]
    out = jnp.zeros((N, W.shape[1]), x.dtype).at[dst].add(msg)
    return out + b


def reference(x, edge_index, W0, b0, W1, b1, W2, b2):
    # GCNConv with added self-loops and symmetric normalization D^-1/2 (A+I) D^-1/2 X W + b
    loop = jnp.arange(N, dtype=edge_index.dtype)
    src = jnp.concatenate([edge_index[0], loop])
    dst = jnp.concatenate([edge_index[1], loop])
    deg = jnp.zeros((N,), jnp.float32).at[dst].add(1.0)
    dinv = jnp.where(deg > 0, jax.lax.rsqrt(jnp.maximum(deg, 1e-12)), 0.0)
    norm = dinv[src] * dinv[dst]
    h = _gcn_conv(x, src, dst, norm, W0, b0)
    h = jax.nn.relu(h)  # dropout is identity in eval mode
    h = _gcn_conv(h, src, dst, norm, W1, b1)
    h = jax.nn.relu(h)
    out = _gcn_conv(h, src, dst, norm, W2, b2)
    return out

if __name__ == "__main__":
    import jax
    _d = setup_inputs()
    print(jax.jit(kernel)(*tuple(_d.values())))

</pallas_src>

<mosaic_0001>
#map = affine_map<(d0, d1) -> (0, 0)>
#map1 = affine_map<(d0, d1) -> (0)>
#map2 = affine_map<(d0, d1) -> (0, 0, 0)>
module attributes {stable_mosaic.version = 14 : i64} {
  func.func @_prop_kernel(%arg0: i32, %arg1: i32, %arg2: memref<10112x128xf32, #tpu.memory_space<hbm>>, %arg3: memref<327680xi32, #tpu.memory_space<hbm>>, %arg4: memref<327680xi32, #tpu.memory_space<hbm>>, %arg5: memref<10112x128xf32, #tpu.memory_space<hbm>>, %arg6: memref<2x10112x128xf32, #tpu.memory_space<hbm>>, %arg7: memref<128xi32, #tpu.memory_space<vmem>>, %arg8: memref<128xi32, #tpu.memory_space<vmem>>, %arg9: memref<128xi32, #tpu.memory_space<vmem>>, %arg10: memref<128xi32, #tpu.memory_space<vmem>>, %arg11: memref<128xi32, #tpu.memory_space<vmem>>, %arg12: memref<128xi32, #tpu.memory_space<vmem>>, %arg13: memref<128x128xf32, #tpu.memory_space<vmem>>, %arg14: memref<128x128xf32, #tpu.memory_space<vmem>>, %arg15: memref<128x128xf32, #tpu.memory_space<vmem>>, %arg16: memref<10112x128xf32, #tpu.memory_space<vmem_shared>>, %arg17: memref<!tpu.dma_semaphore, #tpu.memory_space<semaphore_mem>>, %arg18: memref<!tpu.dma_semaphore, #tpu.memory_space<semaphore_mem>>, %arg19: memref<!tpu.dma_semaphore, #tpu.memory_space<semaphore_mem>>, %arg20: memref<!tpu.dma_semaphore, #tpu.memory_space<semaphore_mem>>, %arg21: memref<!tpu.dma_semaphore, #tpu.memory_space<semaphore_mem>>, %arg22: memref<!tpu.dma_semaphore, #tpu.memory_space<semaphore_mem>>, %arg23: memref<!tpu.dma_semaphore, #tpu.memory_space<semaphore_mem>>, %arg24: memref<!tpu.dma_semaphore, #tpu.memory_space<semaphore_mem>>, %arg25: memref<!tpu.dma_semaphore, #tpu.memory_space<semaphore_mem>>, %arg26: memref<!tpu.dma_semaphore, #tpu.memory_space<semaphore_mem>>, %arg27: memref<!tpu.dma_semaphore, #tpu.memory_space<semaphore_mem>>, %arg28: memref<!tpu.dma_semaphore, #tpu.memory_space<semaphore_mem>>, %arg29: memref<!tpu.dma_semaphore, #tpu.memory_space<semaphore_mem>>) attributes {dimension_semantics = [#tpu.dimension_semantics<core_parallel>, #tpu.dimension_semantics<subcore_parallel>], iteration_bounds = array<i64: 2, 16>, scalar_prefetch = 0 : i64, scratch_operands = 23 : i64, tpu.core_type = #tpu.core_type<sc_vector_subcore>, window_params = [{transform_indices = #map}, {transform_indices = #map1}, {transform_indices = #map1}, {transform_indices = #map}, {transform_indices = #map2}]} {
    %mul3A = arith.constant 632 : i32
    %mul3A_0 = arith.muli %arg1, %mul3A : i32
    %mul3A_1 = arith.constant 632 : i32
    %mul3A_2 = arith.muli %arg1, %mul3A_1 : i32
    %dma_start3A = arith.constant 0 : i32
    %dma_start3A_3 = tpu.memref_slice %arg16[%mul3A_2, %dma_start3A] : memref<10112x128xf32, #tpu.memory_space<vmem_shared>> -> memref<632x128xf32, #tpu.memory_space<vmem_shared>>
    %dma_start3A_4 = arith.constant 0 : i32
    %dma_start3A_5 = tpu.memref_slice %arg5[%mul3A_0, %dma_start3A_4] : memref<10112x128xf32, #tpu.memory_space<hbm>> -> memref<632x128xf32, #tpu.memory_space<hbm>>
    tpu.enqueue_dma source(%dma_start3A_5 : memref<632x128xf32, #tpu.memory_space<hbm>>) target(%dma_start3A_3 : memref<632x128xf32, #tpu.memory_space<vmem_shared>>) target_semaphore(%arg29 : memref<!tpu.dma_semaphore, #tpu.memory_space<semaphore_mem>>)
    %mul3A_6 = arith.constant 16 : i32
    %mul3A_7 = arith.muli %arg0, %mul3A_6 : i32
    %add3A = arith.addi %mul3A_7, %arg1 : i32
    %mul3A_8 = arith.constant 10240 : i32
    %mul3A_9 = arith.muli %add3A, %mul3A_8 : i32
    %add3A_10 = arith.constant 0 : i32
    %add3A_11 = arith.addi %mul3A_9, %add3A_10 : i32
    %dma_start3A_12 = tpu.memref_slice %arg3[%add3A_11] : memref<327680xi32, #tpu.memory_space<hbm>> -> memref<128xi32, #tpu.memory_space<hbm>>
    %dma_start3A_13 = tpu.memref_slice %arg3[%add3A_11] : memref<327680xi32, #tpu.memory_space<hbm>> -> memref<128xi32, #tpu.memory_space<hbm>>
    tpu.enqueue_dma source(%dma_start3A_13 : memref<128xi32, #tpu.memory_space<hbm>>) target(%arg7 : memref<128xi32, #tpu.memory_space<vmem>>) target_semaphore(%arg17 : memref<!tpu.dma_semaphore, #tpu.memory_space<semaphore_mem>>)
    %add3A_14 = arith.constant 0 : i32
    %add3A_15 = arith.addi %mul3A_9, %add3A_14 : i32
    %dma_start3A_16 = tpu.memref_slice %arg4[%add3A_15] : memref<327680xi32, #tpu.memory_space<hbm>> -> memref<128xi32, #tpu.memory_space<hbm>>
    %dma_start3A_17 = tpu.memref_slice %arg4[%add3A_15] : memref<327680xi32, #tpu.memory_space<hbm>> -> memref<128xi32, #tpu.memory_space<hbm>>
    tpu.enqueue_dma source(%dma_start3A_17 : memref<128xi32, #tpu.memory_space<hbm>>) target(%arg10 : memref<128xi32, #tpu.memory_space<vmem>>) target_semaphore(%arg20 : memref<!tpu.dma_semaphore, #tpu.memory_space<semaphore_mem>>)
    %add3A_18 = arith.constant 128 : i32
    %add3A_19 = arith.addi %mul3A_9, %add3A_18 : i32
    %dma_start3A_20 = tpu.memref_slice %arg3[%add3A_19] : memref<327680xi32, #tpu.memory_space<hbm>> -> memref<128xi32, #tpu.memory_space<hbm>>
    %dma_start3A_21 = tpu.memref_slice %arg3[%add3A_19] : memref<327680xi32, #tpu.memory_space<hbm>> -> memref<128xi32, #tpu.memory_space<hbm>>
    tpu.enqueue_dma source(%dma_start3A_21 : memref<128xi32, #tpu.memory_space<hbm>>) target(%arg8 : memref<128xi32, #tpu.memory_space<vmem>>) target_semaphore(%arg18 : memref<!tpu.dma_semaphore, #tpu.memory_space<semaphore_mem>>)
    %add3A_22 = arith.constant 128 : i32
    %add3A_23 = arith.addi %mul3A_9, %add3A_22 : i32
    %dma_start3A_24 = tpu.memref_slice %arg4[%add3A_23] : memref<327680xi32, #tpu.memory_space<hbm>> -> memref<128xi32, #tpu.memory_space<hbm>>
    %dma_start3A_25 = tpu.memref_slice %arg4[%add3A_23] : memref<327680xi32, #tpu.memory_space<hbm>> -> memref<128xi32, #tpu.memory_space<hbm>>
    tpu.enqueue_dma source(%dma_start3A_25 : memref<128xi32, #tpu.memory_space<hbm>>) target(%arg11 : memref<128xi32, #tpu.memory_space<vmem>>) target_semaphore(%arg21 : memref<!tpu.dma_semaphore, #tpu.memory_space<semaphore_mem>>)
    %dma_wait3A = tpu.memref_slice %arg3[%mul3A_9] : memref<327680xi32, #tpu.memory_space<hbm>> -> memref<128xi32, #tpu.memory_space<hbm>>
    %dma_wait3A_26 = tpu.memref_slice %arg3[%mul3A_9] : memref<327680xi32, #tpu.memory_space<hbm>> -> memref<128xi32, #tpu.memory_space<hbm>>
    tpu.wait_dma2 semaphore(%arg17 : memref<!tpu.dma_semaphore, #tpu.memory_space<semaphore_mem>>) src(%dma_wait3A_26 : memref<128xi32, #tpu.memory_space<hbm>>) dst(%arg7 : memref<128xi32, #tpu.memory_space<vmem>>)
    %dma_wait3A_27 = tpu.memref_slice %arg3[%mul3A_9] : memref<327680xi32, #tpu.memory_space<hbm>> -> memref<128xi32, #tpu.memory_space<hbm>>
    %dma_wait3A_28 = tpu.memref_slice %arg3[%mul3A_9] : memref<327680xi32, #tpu.memory_space<hbm>> -> memref<128xi32, #tpu.memory_space<hbm>>
    tpu.wait_dma2 semaphore(%arg18 : memref<!tpu.dma_semaphore, #tpu.memory_space<semaphore_mem>>) src(%dma_wait3A_28 : memref<128xi32, #tpu.memory_space<hbm>>) dst(%arg8 : memref<128xi32, #tpu.memory_space<vmem>>)
    %dma_start3A_29 = arith.constant 0 : i32
    %dma_start3A_30 = arith.constant 0 : i32
    %dma_start3A_31 = tpu.memref_slice %arg2[%dma_start3A_29, %dma_start3A_30] : memref<10112x128xf32, #tpu.memory_space<hbm>> -> memref<10112x128xf32, #tpu.memory_space<hbm>>
    tpu.enqueue_indirect_dma source(%dma_start3A_31 : memref<10112x128xf32, #tpu.memory_space<hbm>>) target(%arg13 : memref<128x128xf32, #tpu.memory_space<vmem>>) offsets(%arg7 : memref<128xi32, #tpu.memory_space<vmem>>) semaphore(%arg23 : memref<!tpu.dma_semaphore, #tpu.memory_space<semaphore_mem>>)
    %dma_start3A_32 = arith.constant 0 : i32
    %dma_start3A_33 = arith.constant 0 : i32
    %dma_start3A_34 = tpu.memref_slice %arg2[%dma_start3A_32, %dma_start3A_33] : memref<10112x128xf32, #tpu.memory_space<hbm>> -> memref<10112x128xf32, #tpu.memory_space<hbm>>
    tpu.enqueue_indirect_dma source(%dma_start3A_34 : memref<10112x128xf32, #tpu.memory_space<hbm>>) target(%arg14 : memref<128x128xf32, #tpu.memory_space<vmem>>) offsets(%arg8 : memref<128xi32, #tpu.memory_space<vmem>>) semaphore(%arg24 : memref<!tpu.dma_semaphore, #tpu.memory_space<semaphore_mem>>)
    %add3A_35 = arith.constant 256 : i32
    %add3A_36 = arith.addi %mul3A_9, %add3A_35 : i32
    %dma_start3A_37 = tpu.memref_slice %arg3[%add3A_36] : memref<327680xi32, #tpu.memory_space<hbm>> -> memref<128xi32, #tpu.memory_space<hbm>>
    %dma_start3A_38 = tpu.memref_slice %arg3[%add3A_36] : memref<327680xi32, #tpu.memory_space<hbm>> -> memref<128xi32, #tpu.memory_space<hbm>>
    tpu.enqueue_dma source(%dma_start3A_38 : memref<128xi32, #tpu.memory_space<hbm>>) target(%arg9 : memref<128xi32, #tpu.memory_space<vmem>>) target_semaphore(%arg19 : memref<!tpu.dma_semaphore, #tpu.memory_space<semaphore_mem>>)
    %dma_wait3A_39 = arith.constant 0 : i32
    %dma_wait3A_40 = tpu.memref_slice %arg16[%mul3A_2, %dma_wait3A_39] : memref<10112x128xf32, #tpu.memory_space<vmem_shared>> -> memref<632x128xf32, #tpu.memory_space<vmem_shared>>
    %dma_wait3A_41 = arith.constant 0 : i32
    %dma_wait3A_42 = tpu.memref_slice %arg5[%mul3A_0, %dma_wait3A_41] : memref<10112x128xf32, #tpu.memory_space<hbm>> -> memref<632x128xf32, #tpu.memory_space<hbm>>
    tpu.wait_dma2 semaphore(%arg29 : memref<!tpu.dma_semaphore, #tpu.memory_space<semaphore_mem>>) src(%dma_wait3A_42 : memref<632x128xf32, #tpu.memory_space<hbm>>) dst(%dma_wait3A_40 : memref<632x128xf32, #tpu.memory_space<vmem_shared>>)
    %barrier3A = arith.constant 0 : index
    tpu.barrier barrier_id(%barrier3A)
    %scan3A = arith.constant 0 : i32
    %scan3A_43 = arith.constant 0 : i32
    %scan3A_44 = arith.constant 26 : i32
    %scan3A_45 = arith.addi %scan3A_43, %scan3A_44 : i32
    %scan3A_46 = arith.constant 1 : i32
    scf.for %scan3A_78 = %scan3A_43 to %scan3A_45 step %scan3A_46  : i32 {
      %mul3A_79 = arith.constant 3 : i32
      %mul3A_80 = arith.muli %mul3A_79, %scan3A_78 : i32
      %add3A_81 = arith.constant 0 : i32
      %add3A_82 = arith.addi %mul3A_80, %add3A_81 : i32
      %ge3A = arith.constant 1 : i32
      %ge3A_83 = arith.cmpi sge, %add3A_82, %ge3A : i32
      %convert_element_type3A = arith.extui %ge3A_83 : i1 to i32
      %cond3A = arith.constant 0 : i32
      %cond3A_84 = arith.cmpi ne, %convert_element_type3A, %cond3A : i32
      scf.if %cond3A_84 {
        %dma_wait3A_210 = arith.constant 0 : i32
        %dma_wait3A_211 = arith.constant 0 : i32
        %dma_wait3A_212 = tpu.memref_slice %arg16[%dma_wait3A_210, %dma_wait3A_211] : memref<10112x128xf32, #tpu.memory_space<vmem_shared>> -> memref<10112x128xf32, #tpu.memory_space<vmem_shared>>
        tpu.wait_indirect_dma semaphore(%arg28 : memref<!tpu.dma_semaphore, #tpu.memory_space<semaphore_mem>>) src(%arg15 : memref<128x128xf32, #tpu.memory_space<vmem>>) dst(%dma_wait3A_212 : memref<10112x128xf32, #tpu.memory_space<vmem_shared>>)
      } else {
      }
      %add3A_85 = arith.constant 2 : i32
      %add3A_86 = arith.addi %add3A_82, %add3A_85 : i32
      %lt3A = arith.constant 80 : i32
      %lt3A_87 = arith.cmpi slt, %add3A_86, %lt3A : i32
      %convert_element_type3A_88 = arith.extui %lt3A_87 : i1 to i32
      %cond3A_89 = arith.constant 0 : i32
      %cond3A_90 = arith.cmpi ne, %convert_element_type3A_88, %cond3A_89 : i32
      scf.if %cond3A_90 {
        %add3A_210 = arith.constant 2 : i32
        %add3A_211 = arith.addi %add3A_82, %add3A_210 : i32
        %mul3A_212 = arith.constant 128 : i32
        %mul3A_213 = arith.muli %add3A_211, %mul3A_212 : i32
        %add3A_214 = arith.addi %mul3A_9, %mul3A_213 : i32
        %dma_start3A_215 = tpu.memref_slice %arg4[%add3A_214] : memref<327680xi32, #tpu.memory_space<hbm>> -> memref<128xi32, #tpu.memory_space<hbm>>
        %dma_start3A_216 = tpu.memref_slice %arg4[%add3A_214] : memref<327680xi32, #tpu.memory_space<hbm>> -> memref<128xi32, #tpu.memory_space<hbm>>
        tpu.enqueue_dma source(%dma_start3A_216 : memref<128xi32, #tpu.memory_space<hbm>>) target(%arg12 : memref<128xi32, #tpu.memory_space<vmem>>) target_semaphore(%arg22 : memref<!tpu.dma_semaphore, #tpu.memory_space<semaphore_mem>>)
      } else {
      }
      %add3A_91 = arith.constant 2 : i32
      %add3A_92 = arith.addi %add3A_82, %add3A_91 : i32
      %lt3A_93 = arith.constant 80 : i32
      %lt3A_94 = arith.cmpi slt, %add3A_92, %lt3A_93 : i32
      %convert_element_type3A_95 = arith.extui %lt3A_94 : i1 to i32
      %cond3A_96 = arith.constant 0 : i32
      %cond3A_97 = arith.cmpi ne, %convert_element_type3A_95, %cond3A_96 : i32
      scf.if %cond3A_97 {
        %dma_wait3A_210 = tpu.memref_slice %arg3[%mul3A_9] : memref<327680xi32, #tpu.memory_space<hbm>> -> memref<128xi32, #tpu.memory_space<hbm>>
        %dma_wait3A_211 = tpu.memref_slice %arg3[%mul3A_9] : memref<327680xi32, #tpu.memory_space<hbm>> -> memref<128xi32, #tpu.memory_space<hbm>>
        tpu.wait_dma2 semaphore(%arg19 : memref<!tpu.dma_semaphore, #tpu.memory_space<semaphore_mem>>) src(%dma_wait3A_211 : memref<128xi32, #tpu.memory_space<hbm>>) dst(%arg9 : memref<128xi32, #tpu.memory_space<vmem>>)
      } else {
      }
      %add3A_98 = arith.constant 2 : i32
      %add3A_99 = arith.addi %add3A_82, %add3A_98 : i32
      %lt3A_100 = arith.constant 80 : i32
      %lt3A_101 = arith.cmpi slt, %add3A_99, %lt3A_100 : i32
      %convert_element_type3A_102 = arith.extui %lt3A_101 : i1 to i32
      %cond3A_103 = arith.constant 0 : i32
      %cond3A_104 = arith.cmpi ne, %convert_element_type3A_102, %cond3A_103 : i32
      scf.if %cond3A_104 {
        %add3A_210 = arith.constant 2 : i32
        %add3A_211 = arith.addi %add3A_82, %add3A_210 : i32
        %dma_start3A_212 = arith.constant 0 : i32
        %dma_start3A_213 = arith.constant 0 : i32
        %dma_start3A_214 = tpu.memref_slice %arg2[%dma_start3A_212, %dma_start3A_213] : memref<10112x128xf32, #tpu.memory_space<hbm>> -> memref<10112x128xf32, #tpu.memory_space<hbm>>
        tpu.enqueue_indirect_dma source(%dma_start3A_214 : memref<10112x128xf32, #tpu.memory_space<hbm>>) target(%arg15 : memref<128x128xf32, #tpu.memory_space<vmem>>) offsets(%arg9 : memref<128xi32, #tpu.memory_space<vmem>>) semaphore(%arg25 : memref<!tpu.dma_semaphore, #tpu.memory_space<semaphore_mem>>)
      } else {
      }
      %dma_wait3A_105 = arith.constant 0 : i32
      %dma_wait3A_106 = arith.constant 0 : i32
      %dma_wait3A_107 = tpu.memref_slice %arg2[%dma_wait3A_105, %dma_wait3A_106] : memref<10112x128xf32, #tpu.memory_space<hbm>> -> memref<10112x128xf32, #tpu.memory_space<hbm>>
      tpu.wait_indirect_dma semaphore(%arg23 : memref<!tpu.dma_semaphore, #tpu.memory_space<semaphore_mem>>) src(%dma_wait3A_107 : memref<10112x128xf32, #tpu.memory_space<hbm>>) dst(%arg13 : memref<128x128xf32, #tpu.memory_space<vmem>>)
      %add3A_108 = arith.constant 3 : i32
      %add3A_109 = arith.addi %add3A_82, %add3A_108 : i32
      %lt3A_110 = arith.constant 80 : i32
      %lt3A_111 = arith.cmpi slt, %add3A_109, %lt3A_110 : i32
      %convert_element_type3A_112 = arith.extui %lt3A_111 : i1 to i32
      %cond3A_113 = arith.constant 0 : i32
      %cond3A_114 = arith.cmpi ne, %convert_element_type3A_112, %cond3A_113 : i32
      scf.if %cond3A_114 {
        %add3A_210 = arith.constant 3 : i32
        %add3A_211 = arith.addi %add3A_82, %add3A_210 : i32
        %mul3A_212 = arith.constant 128 : i32
        %mul3A_213 = arith.muli %add3A_211, %mul3A_212 : i32
        %add3A_214 = arith.addi %mul3A_9, %mul3A_213 : i32
        %dma_start3A_215 = tpu.memref_slice %arg3[%add3A_214] : memref<327680xi32, #tpu.memory_space<hbm>> -> memref<128xi32, #tpu.memory_space<hbm>>
        %dma_start3A_216 = tpu.memref_slice %arg3[%add3A_214] : memref<327680xi32, #tpu.memory_space<hbm>> -> memref<128xi32, #tpu.memory_space<hbm>>
        tpu.enqueue_dma source(%dma_start3A_216 : memref<128xi32, #tpu.memory_space<hbm>>) target(%arg7 : memref<128xi32, #tpu.memory_space<vmem>>) target_semaphore(%arg17 : memref<!tpu.dma_semaphore, #tpu.memory_space<semaphore_mem>>)
      } else {
      }
      %dma_wait3A_115 = tpu.memref_slice %arg4[%mul3A_9] : memref<327680xi32, #tpu.memory_space<hbm>> -> memref<128xi32, #tpu.memory_space<hbm>>
      %dma_wait3A_116 = tpu.memref_slice %arg4[%mul3A_9] : memref<327680xi32, #tpu.memory_space<hbm>> -> memref<128xi32, #tpu.memory_space<hbm>>
      tpu.wait_dma2 semaphore(%arg20 : memref<!tpu.dma_semaphore, #tpu.memory_space<semaphore_mem>>) src(%dma_wait3A_116 : memref<128xi32, #tpu.memory_space<hbm>>) dst(%arg10 : memref<128xi32, #tpu.memory_space<vmem>>)
      %dma_start3A_117 = arith.constant 0 : i32
      %dma_start3A_118 = arith.constant 0 : i32
      %dma_start3A_119 = tpu.memref_slice %arg16[%dma_start3A_117, %dma_start3A_118] : memref<10112x128xf32, #tpu.memory_space<vmem_shared>> -> memref<10112x128xf32, #tpu.memory_space<vmem_shared>>
      tpu.enqueue_indirect_dma source(%arg13 : memref<128x128xf32, #tpu.memory_space<vmem>>) target(%dma_start3A_119 : memref<10112x128xf32, #tpu.memory_space<vmem_shared>>) offsets(%arg10 : memref<128xi32, #tpu.memory_space<vmem>>) semaphore(%arg26 : memref<!tpu.dma_semaphore, #tpu.memory_space<semaphore_mem>>) {add = true}
      %mul3A_120 = arith.constant 3 : i32
      %mul3A_121 = arith.muli %mul3A_120, %scan3A_78 : i32
      %add3A_122 = arith.constant 1 : i32
      %add3A_123 = arith.addi %mul3A_121, %add3A_122 : i32
      %ge3A_124 = arith.constant 1 : i32
      %ge3A_125 = arith.cmpi sge, %add3A_123, %ge3A_124 : i32
      %convert_element_type3A_126 = arith.extui %ge3A_125 : i1 to i32
      %cond3A_127 = arith.constant 0 : i32
      %cond3A_128 = arith.cmpi ne, %convert_element_type3A_126, %cond3A_127 : i32
      scf.if %cond3A_128 {
        %dma_wait3A_210 = arith.constant 0 : i32
        %dma_wait3A_211 = arith.constant 0 : i32
        %dma_wait3A_212 = tpu.memref_slice %arg16[%dma_wait3A_210, %dma_wait3A_211] : memref<10112x128xf32, #tpu.memory_space<vmem_shared>> -> memref<10112x128xf32, #tpu.memory_space<vmem_shared>>
        tpu.wait_indirect_dma semaphore(%arg26 : memref<!tpu.dma_semaphore, #tpu.memory_space<semaphore_mem>>) src(%arg13 : memref<128x128xf32, #tpu.memory_space<vmem>>) dst(%dma_wait3A_212 : memref<10112x128xf32, #tpu.memory_space<vmem_shared>>)
      } else {
      }
      %add3A_129 = arith.constant 2 : i32
      %add3A_130 = arith.addi %add3A_123, %add3A_129 : i32
      %lt3A_131 = arith.constant 80 : i32
      %lt3A_132 = arith.cmpi slt, %add3A_130, %lt3A_131 : i32
      %convert_element_type3A_133 = arith.extui %lt3A_132 : i1 to i32
      %cond3A_134 = arith.constant 0 : i32
      %cond3A_135 = arith.cmpi ne, %convert_element_type3A_133, %cond3A_134 : i32
      scf.if %cond3A_135 {
        %add3A_210 = arith.constant 2 : i32
        %add3A_211 = arith.addi %add3A_123, %add3A_210 : i32
        %mul3A_212 = arith.constant 128 : i32
        %mul3A_213 = arith.muli %add3A_211, %mul3A_212 : i32
        %add3A_214 = arith.addi %mul3A_9, %mul3A_213 : i32
        %dma_start3A_215 = tpu.memref_slice %arg4[%add3A_214] : memref<327680xi32, #tpu.memory_space<hbm>> -> memref<128xi32, #tpu.memory_space<hbm>>
        %dma_start3A_216 = tpu.memref_slice %arg4[%add3A_214] : memref<327680xi32, #tpu.memory_space<hbm>> -> memref<128xi32, #tpu.memory_space<hbm>>
        tpu.enqueue_dma source(%dma_start3A_216 : memref<128xi32, #tpu.memory_space<hbm>>) target(%arg10 : memref<128xi32, #tpu.memory_space<vmem>>) target_semaphore(%arg20 : memref<!tpu.dma_semaphore, #tpu.memory_space<semaphore_mem>>)
      } else {
      }
      %add3A_136 = arith.constant 2 : i32
      %add3A_137 = arith.addi %add3A_123, %add3A_136 : i32
      %lt3A_138 = arith.constant 80 : i32
      %lt3A_139 = arith.cmpi slt, %add3A_137, %lt3A_138 : i32
      %convert_element_type3A_140 = arith.extui %lt3A_139 : i1 to i32
      %cond3A_141 = arith.constant 0 : i32
      %cond3A_142 = arith.cmpi ne, %convert_element_type3A_140, %cond3A_141 : i32
      scf.if %cond3A_142 {
        %dma_wait3A_210 = tpu.memref_slice %arg3[%mul3A_9] : memref<327680xi32, #tpu.memory_space<hbm>> -> memref<128xi32, #tpu.memory_space<hbm>>
        %dma_wait3A_211 = tpu.memref_slice %arg3[%mul3A_9] : memref<327680xi32, #tpu.memory_space<hbm>> -> memref<128xi32, #tpu.memory_space<hbm>>
        tpu.wait_dma2 semaphore(%arg17 : memref<!tpu.dma_semaphore, #tpu.memory_space<semaphore_mem>>) src(%dma_wait3A_211 : memref<128xi32, #tpu.memory_space<hbm>>) dst(%arg7 : memref<128xi32, #tpu.memory_space<vmem>>)
      } else {
      }
      %add3A_143 = arith.constant 2 : i32
      %add3A_144 = arith.addi %add3A_123, %add3A_143 : i32
      %lt3A_145 = arith.constant 80 : i32
      %lt3A_146 = arith.cmpi slt, %add3A_144, %lt3A_145 : i32
      %convert_element_type3A_147 = arith.extui %lt3A_146 : i1 to i32
      %cond3A_148 = arith.constant 0 : i32
      %cond3A_149 = arith.cmpi ne, %convert_element_type3A_147, %cond3A_148 : i32
      scf.if %cond3A_149 {
        %add3A_210 = arith.constant 2 : i32
        %add3A_211 = arith.addi %add3A_123, %add3A_210 : i32
        %dma_start3A_212 = arith.constant 0 : i32
        %dma_start3A_213 = arith.constant 0 : i32
        %dma_start3A_214 = tpu.memref_slice %arg2[%dma_start3A_212, %dma_start3A_213] : memref<10112x128xf32, #tpu.memory_space<hbm>> -> memref<10112x128xf32, #tpu.memory_space<hbm>>
        tpu.enqueue_indirect_dma source(%dma_start3A_214 : memref<10112x128xf32, #tpu.memory_space<hbm>>) target(%arg13 : memref<128x128xf32, #tpu.memory_space<vmem>>) offsets(%arg7 : memref<128xi32, #tpu.memory_space<vmem>>) semaphore(%arg23 : memref<!tpu.dma_semaphore, #tpu.memory_space<semaphore_mem>>)
      } else {
      }
      %dma_wait3A_150 = arith.constant 0 : i32
      %dma_wait3A_151 = arith.constant 0 : i32
      %dma_wait3A_152 = tpu.memref_slice %arg2[%dma_wait3A_150, %dma_wait3A_151] : memref<10112x128xf32, #tpu.memory_space<hbm>> -> memref<10112x128xf32, #tpu.memory_space<hbm>>
      tpu.wait_indirect_dma semaphore(%arg24 : memref<!tpu.dma_semaphore, #tpu.memory_space<semaphore_mem>>) src(%dma_wait3A_152 : memref<10112x128xf32, #tpu.memory_space<hbm>>) dst(%arg14 : memref<128x128xf32, #tpu.memory_space<vmem>>)
      %add3A_153 = arith.constant 3 : i32
      %add3A_154 = arith.addi %add3A_123, %add3A_153 : i32
      %lt3A_155 = arith.constant 80 : i32
      %lt3A_156 = arith.cmpi slt, %add3A_154, %lt3A_155 : i32
      %convert_element_type3A_157 = arith.extui %lt3A_156 : i1 to i32
      %cond3A_158 = arith.constant 0 : i32
      %cond3A_159 = arith.cmpi ne, %convert_element_type3A_157, %cond3A_158 : i32
      scf.if %cond3A_159 {
        %add3A_210 = arith.constant 3 : i32
        %add3A_211 = arith.addi %add3A_123, %add3A_210 : i32
        %mul3A_212 = arith.constant 128 : i32
        %mul3A_213 = arith.muli %add3A_211, %mul3A_212 : i32
        %add3A_214 = arith.addi %mul3A_9, %mul3A_213 : i32
        %dma_start3A_215 = tpu.memref_slice %arg3[%add3A_214] : memref<327680xi32, #tpu.memory_space<hbm>> -> memref<128xi32, #tpu.memory_space<hbm>>
        %dma_start3A_216 = tpu.memref_slice %arg3[%add3A_214] : memref<327680xi32, #tpu.memory_space<hbm>> -> memref<128xi32, #tpu.memory_space<hbm>>
        tpu.enqueue_dma source(%dma_start3A_216 : memref<128xi32, #tpu.memory_space<hbm>>) target(%arg8 : memref<128xi32, #tpu.memory_space<vmem>>) target_semaphore(%arg18 : memref<!tpu.dma_semaphore, #tpu.memory_space<semaphore_mem>>)
      } else {
      }
      %dma_wait3A_160 = tpu.memref_slice %arg4[%mul3A_9] : memref<327680xi32, #tpu.memory_space<hbm>> -> memref<128xi32, #tpu.memory_space<hbm>>
      %dma_wait3A_161 = tpu.memref_slice %arg4[%mul3A_9] : memref<327680xi32, #tpu.memory_space<hbm>> -> memref<128xi32, #tpu.memory_space<hbm>>
      tpu.wait_dma2 semaphore(%arg21 : memref<!tpu.dma_semaphore, #tpu.memory_space<semaphore_mem>>) src(%dma_wait3A_161 : memref<128xi32, #tpu.memory_space<hbm>>) dst(%arg11 : memref<128xi32, #tpu.memory_space<vmem>>)
      %dma_start3A_162 = arith.constant 0 : i32
      %dma_start3A_163 = arith.constant 0 : i32
      %dma_start3A_164 = tpu.memref_slice %arg16[%dma_start3A_162, %dma_start3A_163] : memref<10112x128xf32, #tpu.memory_space<vmem_shared>> -> memref<10112x128xf32, #tpu.memory_space<vmem_shared>>
      tpu.enqueue_indirect_dma source(%arg14 : memref<128x128xf32, #tpu.memory_space<vmem>>) target(%dma_start3A_164 : memref<10112x128xf32, #tpu.memory_space<vmem_shared>>) offsets(%arg11 : memref<128xi32, #tpu.memory_space<vmem>>) semaphore(%arg27 : memref<!tpu.dma_semaphore, #tpu.memory_space<semaphore_mem>>) {add = true}
      %mul3A_165 = arith.constant 3 : i32
      %mul3A_166 = arith.muli %mul3A_165, %scan3A_78 : i32
      %add3A_167 = arith.constant 2 : i32
      %add3A_168 = arith.addi %mul3A_166, %add3A_167 : i32
      %ge3A_169 = arith.constant 1 : i32
      %ge3A_170 = arith.cmpi sge, %add3A_168, %ge3A_169 : i32
      %convert_element_type3A_171 = arith.extui %ge3A_170 : i1 to i32
      %cond3A_172 = arith.constant 0 : i32
      %cond3A_173 = arith.cmpi ne, %convert_element_type3A_171, %cond3A_172 : i32
      scf.if %cond3A_173 {
        %dma_wait3A_210 = arith.constant 0 : i32
        %dma_wait3A_211 = arith.constant 0 : i32
        %dma_wait3A_212 = tpu.memref_slice %arg16[%dma_wait3A_210, %dma_wait3A_211] : memref<10112x128xf32, #tpu.memory_space<vmem_shared>> -> memref<10112x128xf32, #tpu.memory_space<vmem_shared>>
        tpu.wait_indirect_dma semaphore(%arg27 : memref<!tpu.dma_semaphore, #tpu.memory_space<semaphore_mem>>) src(%arg14 : memref<128x128xf32, #tpu.memory_space<vmem>>) dst(%dma_wait3A_212 : memref<10112x128xf32, #tpu.memory_space<vmem_shared>>)
      } else {
      }
      %add3A_174 = arith.constant 2 : i32
      %add3A_175 = arith.addi %add3A_168, %add3A_174 : i32
      %lt3A_176 = arith.constant 80 : i32
      %lt3A_177 = arith.cmpi slt, %add3A_175, %lt3A_176 : i32
      %convert_element_type3A_178 = arith.extui %lt3A_177 : i1 to i32
      %cond3A_179 = arith.constant 0 : i32
      %cond3A_180 = arith.cmpi ne, %convert_element_type3A_178, %cond3A_179 : i32
      scf.if %cond3A_180 {
        %add3A_210 = arith.constant 2 : i32
        %add3A_211 = arith.addi %add3A_168, %add3A_210 : i32
        %mul3A_212 = arith.constant 128 : i32
        %mul3A_213 = arith.muli %add3A_211, %mul3A_212 : i32
        %add3A_214 = arith.addi %mul3A_9, %mul3A_213 : i32
        %dma_start3A_215 = tpu.memref_slice %arg4[%add3A_214] : memref<327680xi32, #tpu.memory_space<hbm>> -> memref<128xi32, #tpu.memory_space<hbm>>
        %dma_start3A_216 = tpu.memref_slice %arg4[%add3A_214] : memref<327680xi32, #tpu.memory_space<hbm>> -> memref<128xi32, #tpu.memory_space<hbm>>
        tpu.enqueue_dma source(%dma_start3A_216 : memref<128xi32, #tpu.memory_space<hbm>>) target(%arg11 : memref<128xi32, #tpu.memory_space<vmem>>) target_semaphore(%arg21 : memref<!tpu.dma_semaphore, #tpu.memory_space<semaphore_mem>>)
      } else {
      }
      %add3A_181 = arith.constant 2 : i32
      %add3A_182 = arith.addi %add3A_168, %add3A_181 : i32
      %lt3A_183 = arith.constant 80 : i32
      %lt3A_184 = arith.cmpi slt, %add3A_182, %lt3A_183 : i32
      %convert_element_type3A_185 = arith.extui %lt3A_184 : i1 to i32
      %cond3A_186 = arith.constant 0 : i32
      %cond3A_187 = arith.cmpi ne, %convert_element_type3A_185, %cond3A_186 : i32
      scf.if %cond3A_187 {
        %dma_wait3A_210 = tpu.memref_slice %arg3[%mul3A_9] : memref<327680xi32, #tpu.memory_space<hbm>> -> memref<128xi32, #tpu.memory_space<hbm>>
        %dma_wait3A_211 = tpu.memref_slice %arg3[%mul3A_9] : memref<327680xi32, #tpu.memory_space<hbm>> -> memref<128xi32, #tpu.memory_space<hbm>>
        tpu.wait_dma2 semaphore(%arg18 : memref<!tpu.dma_semaphore, #tpu.memory_space<semaphore_mem>>) src(%dma_wait3A_211 : memref<128xi32, #tpu.memory_space<hbm>>) dst(%arg8 : memref<128xi32, #tpu.memory_space<vmem>>)
      } else {
      }
      %add3A_188 = arith.constant 2 : i32
      %add3A_189 = arith.addi %add3A_168, %add3A_188 : i32
      %lt3A_190 = arith.constant 80 : i32
      %lt3A_191 = arith.cmpi slt, %add3A_189, %lt3A_190 : i32
      %convert_element_type3A_192 = arith.extui %lt3A_191 : i1 to i32
      %cond3A_193 = arith.constant 0 : i32
      %cond3A_194 = arith.cmpi ne, %convert_element_type3A_192, %cond3A_193 : i32
      scf.if %cond3A_194 {
        %add3A_210 = arith.constant 2 : i32
        %add3A_211 = arith.addi %add3A_168, %add3A_210 : i32
        %dma_start3A_212 = arith.constant 0 : i32
        %dma_start3A_213 = arith.constant 0 : i32
        %dma_start3A_214 = tpu.memref_slice %arg2[%dma_start3A_212, %dma_start3A_213] : memref<10112x128xf32, #tpu.memory_space<hbm>> -> memref<10112x128xf32, #tpu.memory_space<hbm>>
        tpu.enqueue_indirect_dma source(%dma_start3A_214 : memref<10112x128xf32, #tpu.memory_space<hbm>>) target(%arg14 : memref<128x128xf32, #tpu.memory_space<vmem>>) offsets(%arg8 : memref<128xi32, #tpu.memory_space<vmem>>) semaphore(%arg24 : memref<!tpu.dma_semaphore, #tpu.memory_space<semaphore_mem>>)
      } else {
      }
      %dma_wait3A_195 = arith.constant 0 : i32
      %dma_wait3A_196 = arith.constant 0 : i32
      %dma_wait3A_197 = tpu.memref_slice %arg2[%dma_wait3A_195, %dma_wait3A_196] : memref<10112x128xf32, #tpu.memory_space<hbm>> -> memref<10112x128xf32, #tpu.memory_space<hbm>>
      tpu.wait_indirect_dma semaphore(%arg25 : memref<!tpu.dma_semaphore, #tpu.memory_space<semaphore_mem>>) src(%dma_wait3A_197 : memref<10112x128xf32, #tpu.memory_space<hbm>>) dst(%arg15 : memref<128x128xf32, #tpu.memory_space<vmem>>)
      %add3A_198 = arith.constant 3 : i32
      %add3A_199 = arith.addi %add3A_168, %add3A_198 : i32
      %lt3A_200 = arith.constant 80 : i32
      %lt3A_201 = arith.cmpi slt, %add3A_199, %lt3A_200 : i32
      %convert_element_type3A_202 = arith.extui %lt3A_201 : i1 to i32
      %cond3A_203 = arith.constant 0 : i32
      %cond3A_204 = arith.cmpi ne, %convert_element_type3A_202, %cond3A_203 : i32
      scf.if %cond3A_204 {
        %add3A_210 = arith.constant 3 : i32
        %add3A_211 = arith.addi %add3A_168, %add3A_210 : i32
        %mul3A_212 = arith.constant 128 : i32
        %mul3A_213 = arith.muli %add3A_211, %mul3A_212 : i32
        %add3A_214 = arith.addi %mul3A_9, %mul3A_213 : i32
        %dma_start3A_215 = tpu.memref_slice %arg3[%add3A_214] : memref<327680xi32, #tpu.memory_space<hbm>> -> memref<128xi32, #tpu.memory_space<hbm>>
        %dma_start3A_216 = tpu.memref_slice %arg3[%add3A_214] : memref<327680xi32, #tpu.memory_space<hbm>> -> memref<128xi32, #tpu.memory_space<hbm>>
        tpu.enqueue_dma source(%dma_start3A_216 : memref<128xi32, #tpu.memory_space<hbm>>) target(%arg9 : memref<128xi32, #tpu.memory_space<vmem>>) target_semaphore(%arg19 : memref<!tpu.dma_semaphore, #tpu.memory_space<semaphore_mem>>)
      } else {
      }
      %dma_wait3A_205 = tpu.memref_slice %arg4[%mul3A_9] : memref<327680xi32, #tpu.memory_space<hbm>> -> memref<128xi32, #tpu.memory_space<hbm>>
      %dma_wait3A_206 = tpu.memref_slice %arg4[%mul3A_9] : memref<327680xi32, #tpu.memory_space<hbm>> -> memref<128xi32, #tpu.memory_space<hbm>>
      tpu.wait_dma2 semaphore(%arg22 : memref<!tpu.dma_semaphore, #tpu.memory_space<semaphore_mem>>) src(%dma_wait3A_206 : memref<128xi32, #tpu.memory_space<hbm>>) dst(%arg12 : memref<128xi32, #tpu.memory_space<vmem>>)
      %dma_start3A_207 = arith.constant 0 : i32
      %dma_start3A_208 = arith.constant 0 : i32
      %dma_start3A_209 = tpu.memref_slice %arg16[%dma_start3A_207, %dma_start3A_208] : memref<10112x128xf32, #tpu.memory_space<vmem_shared>> -> memref<10112x128xf32, #tpu.memory_space<vmem_shared>>
      tpu.enqueue_indirect_dma source(%arg15 : memref<128x128xf32, #tpu.memory_space<vmem>>) target(%dma_start3A_209 : memref<10112x128xf32, #tpu.memory_space<vmem_shared>>) offsets(%arg12 : memref<128xi32, #tpu.memory_space<vmem>>) semaphore(%arg28 : memref<!tpu.dma_semaphore, #tpu.memory_space<semaphore_mem>>) {add = true}
    }
    %scan3A_47 = arith.constant 26 : i32
    %dma_wait3A_48 = arith.constant 0 : i32
    %dma_wait3A_49 = arith.constant 0 : i32
    %dma_wait3A_50 = tpu.memref_slice %arg16[%dma_wait3A_48, %dma_wait3A_49] : memref<10112x128xf32, #tpu.memory_space<vmem_shared>> -> memref<10112x128xf32, #tpu.memory_space<vmem_shared>>
    tpu.wait_indirect_dma semaphore(%arg28 : memref<!tpu.dma_semaphore, #tpu.memory_space<semaphore_mem>>) src(%arg15 : memref<128x128xf32, #tpu.memory_space<vmem>>) dst(%dma_wait3A_50 : memref<10112x128xf32, #tpu.memory_space<vmem_shared>>)
    %dma_wait3A_51 = arith.constant 0 : i32
    %dma_wait3A_52 = arith.constant 0 : i32
    %dma_wait3A_53 = tpu.memref_slice %arg2[%dma_wait3A_51, %dma_wait3A_52] : memref<10112x128xf32, #tpu.memory_space<hbm>> -> memref<10112x128xf32, #tpu.memory_space<hbm>>
    tpu.wait_indirect_dma semaphore(%arg23 : memref<!tpu.dma_semaphore, #tpu.memory_space<semaphore_mem>>) src(%dma_wait3A_53 : memref<10112x128xf32, #tpu.memory_space<hbm>>) dst(%arg13 : memref<128x128xf32, #tpu.memory_space<vmem>>)
    %dma_wait3A_54 = tpu.memref_slice %arg4[%mul3A_9] : memref<327680xi32, #tpu.memory_space<hbm>> -> memref<128xi32, #tpu.memory_space<hbm>>
    %dma_wait3A_55 = tpu.memref_slice %arg4[%mul3A_9] : memref<327680xi32, #tpu.memory_space<hbm>> -> memref<128xi32, #tpu.memory_space<hbm>>
    tpu.wait_dma2 semaphore(%arg20 : memref<!tpu.dma_semaphore, #tpu.memory_space<semaphore_mem>>) src(%dma_wait3A_55 : memref<128xi32, #tpu.memory_space<hbm>>) dst(%arg10 : memref<128xi32, #tpu.memory_space<vmem>>)
    %dma_start3A_56 = arith.constant 0 : i32
    %dma_start3A_57 = arith.constant 0 : i32
    %dma_start3A_58 = tpu.memref_slice %arg16[%dma_start3A_56, %dma_start3A_57] : memref<10112x128xf32, #tpu.memory_space<vmem_shared>> -> memref<10112x128xf32, #tpu.memory_space<vmem_shared>>
    tpu.enqueue_indirect_dma source(%arg13 : memref<128x128xf32, #tpu.memory_space<vmem>>) target(%dma_start3A_58 : memref<10112x128xf32, #tpu.memory_space<vmem_shared>>) offsets(%arg10 : memref<128xi32, #tpu.memory_space<vmem>>) semaphore(%arg26 : memref<!tpu.dma_semaphore, #tpu.memory_space<semaphore_mem>>) {add = true}
    %dma_wait3A_59 = arith.constant 0 : i32
    %dma_wait3A_60 = arith.constant 0 : i32
    %dma_wait3A_61 = tpu.memref_slice %arg16[%dma_wait3A_59, %dma_wait3A_60] : memref<10112x128xf32, #tpu.memory_space<vmem_shared>> -> memref<10112x128xf32, #tpu.memory_space<vmem_shared>>
    tpu.wait_indirect_dma semaphore(%arg26 : memref<!tpu.dma_semaphore, #tpu.memory_space<semaphore_mem>>) src(%arg13 : memref<128x128xf32, #tpu.memory_space<vmem>>) dst(%dma_wait3A_61 : memref<10112x128xf32, #tpu.memory_space<vmem_shared>>)
    %dma_wait3A_62 = arith.constant 0 : i32
    %dma_wait3A_63 = arith.constant 0 : i32
    %dma_wait3A_64 = tpu.memref_slice %arg2[%dma_wait3A_62, %dma_wait3A_63] : memref<10112x128xf32, #tpu.memory_space<hbm>> -> memref<10112x128xf32, #tpu.memory_space<hbm>>
    tpu.wait_indirect_dma semaphore(%arg24 : memref<!tpu.dma_semaphore, #tpu.memory_space<semaphore_mem>>) src(%dma_wait3A_64 : memref<10112x128xf32, #tpu.memory_space<hbm>>) dst(%arg14 : memref<128x128xf32, #tpu.memory_space<vmem>>)
    %dma_wait3A_65 = tpu.memref_slice %arg4[%mul3A_9] : memref<327680xi32, #tpu.memory_space<hbm>> -> memref<128xi32, #tpu.memory_space<hbm>>
    %dma_wait3A_66 = tpu.memref_slice %arg4[%mul3A_9] : memref<327680xi32, #tpu.memory_space<hbm>> -> memref<128xi32, #tpu.memory_space<hbm>>
    tpu.wait_dma2 semaphore(%arg21 : memref<!tpu.dma_semaphore, #tpu.memory_space<semaphore_mem>>) src(%dma_wait3A_66 : memref<128xi32, #tpu.memory_space<hbm>>) dst(%arg11 : memref<128xi32, #tpu.memory_space<vmem>>)
    %dma_start3A_67 = arith.constant 0 : i32
    %dma_start3A_68 = arith.constant 0 : i32
    %dma_start3A_69 = tpu.memref_slice %arg16[%dma_start3A_67, %dma_start3A_68] : memref<10112x128xf32, #tpu.memory_space<vmem_shared>> -> memref<10112x128xf32, #tpu.memory_space<vmem_shared>>
    tpu.enqueue_indirect_dma source(%arg14 : memref<128x128xf32, #tpu.memory_space<vmem>>) target(%dma_start3A_69 : memref<10112x128xf32, #tpu.memory_space<vmem_shared>>) offsets(%arg11 : memref<128xi32, #tpu.memory_space<vmem>>) semaphore(%arg27 : memref<!tpu.dma_semaphore, #tpu.memory_space<semaphore_mem>>) {add = true}
    %dma_wait3A_70 = arith.constant 0 : i32
    %dma_wait3A_71 = arith.constant 0 : i32
    %dma_wait3A_72 = tpu.memref_slice %arg16[%dma_wait3A_70, %dma_wait3A_71] : memref<10112x128xf32, #tpu.memory_space<vmem_shared>> -> memref<10112x128xf32, #tpu.memory_space<vmem_shared>>
    tpu.wait_indirect_dma semaphore(%arg27 : memref<!tpu.dma_semaphore, #tpu.memory_space<semaphore_mem>>) src(%arg14 : memref<128x128xf32, #tpu.memory_space<vmem>>) dst(%dma_wait3A_72 : memref<10112x128xf32, #tpu.memory_space<vmem_shared>>)
    %barrier3A_73 = arith.constant 0 : index
    tpu.barrier barrier_id(%barrier3A_73)
    %mul3A_74 = arith.constant 632 : i32
    %mul3A_75 = arith.muli %arg1, %mul3A_74 : i32
    %mul3A_76 = arith.constant 632 : i32
    %mul3A_77 = arith.muli %arg1, %mul3A_76 : i32
    "tpu.region"() ({
      %run_scoped3A = tpu.sem_alloc : memref<!tpu.dma_semaphore, #tpu.memory_space<semaphore_mem>>
      %dma_start3A_78 = arith.constant 0 : i32
      %dma_start3A_79 = arith.constant 0 : i32
      %dma_start3A_80 = tpu.memref_slice %arg6[%arg0, %dma_start3A_78, %dma_start3A_79] : memref<2x10112x128xf32, #tpu.memory_space<hbm>> -> memref<1x10112x128xf32, #tpu.memory_space<hbm>>
      %dma_start3A_81 = tpu.memref_squeeze %dma_start3A_80 : memref<1x10112x128xf32, #tpu.memory_space<hbm>> -> memref<10112x128xf32, #tpu.memory_space<hbm>>
      %dma_start3A_82 = arith.constant 0 : i32
      %dma_start3A_83 = tpu.memref_slice %dma_start3A_81[%mul3A_77, %dma_start3A_82] : memref<10112x128xf32, #tpu.memory_space<hbm>> -> memref<632x128xf32, #tpu.memory_space<hbm>>
      %dma_start3A_84 = arith.constant 0 : i32
      %dma_start3A_85 = tpu.memref_slice %arg16[%mul3A_75, %dma_start3A_84] : memref<10112x128xf32, #tpu.memory_space<vmem_shared>> -> memref<632x128xf32, #tpu.memory_space<vmem_shared>>
      tpu.enqueue_dma source(%dma_start3A_85 : memref<632x128xf32, #tpu.memory_space<vmem_shared>>) target(%dma_start3A_83 : memref<632x128xf32, #tpu.memory_space<hbm>>) target_semaphore(%run_scoped3A : memref<!tpu.dma_semaphore, #tpu.memory_space<semaphore_mem>>)
      %dma_wait3A_86 = arith.constant 0 : i32
      %dma_wait3A_87 = arith.constant 0 : i32
      %dma_wait3A_88 = tpu.memref_slice %arg6[%arg0, %dma_wait3A_86, %dma_wait3A_87] : memref<2x10112x128xf32, #tpu.memory_space<hbm>> -> memref<1x10112x128xf32, #tpu.memory_space<hbm>>
      %dma_wait3A_89 = tpu.memref_squeeze %dma_wait3A_88 : memref<1x10112x128xf32, #tpu.memory_space<hbm>> -> memref<10112x128xf32, #tpu.memory_space<hbm>>
      %dma_wait3A_90 = arith.constant 0 : i32
      %dma_wait3A_91 = tpu.memref_slice %dma_wait3A_89[%mul3A_77, %dma_wait3A_90] : memref<10112x128xf32, #tpu.memory_space<hbm>> -> memref<632x128xf32, #tpu.memory_space<hbm>>
      %dma_wait3A_92 = arith.constant 0 : i32
      %dma_wait3A_93 = tpu.memref_slice %arg16[%mul3A_75, %dma_wait3A_92] : memref<10112x128xf32, #tpu.memory_space<vmem_shared>> -> memref<632x128xf32, #tpu.memory_space<vmem_shared>>
      tpu.wait_dma2 semaphore(%run_scoped3A : memref<!tpu.dma_semaphore, #tpu.memory_space<semaphore_mem>>) src(%dma_wait3A_93 : memref<632x128xf32, #tpu.memory_space<vmem_shared>>) dst(%dma_wait3A_91 : memref<632x128xf32, #tpu.memory_space<hbm>>)
      tpu.yield
    }) : () -> ()
    return
  }
}

#map = affine_map<(d0, d1) -> (0)>
#map1 = affine_map<(d0, d1) -> (0, 0)>
module attributes {stable_mosaic.version = 14 : i64} {
  func.func @_prop1_kernel(%arg0: i32, %arg1: i32, %arg2: memref<10016xf32, #tpu.memory_space<hbm>>, %arg3: memref<327680xi32, #tpu.memory_space<hbm>>, %arg4: memref<327680xi32, #tpu.memory_space<hbm>>, %arg5: memref<10112xf32, #tpu.memory_space<hbm>>, %arg6: memref<2x10112xf32, #tpu.memory_space<hbm>>, %arg7: memref<2048xi32, #tpu.memory_space<vmem>>, %arg8: memref<2048xi32, #tpu.memory_space<vmem>>, %arg9: memref<2048xi32, #tpu.memory_space<vmem>>, %arg10: memref<2048xi32, #tpu.memory_space<vmem>>, %arg11: memref<2048xi32, #tpu.memory_space<vmem>>, %arg12: memref<2048xi32, #tpu.memory_space<vmem>>, %arg13: memref<2048xf32, #tpu.memory_space<vmem>>, %arg14: memref<2048xf32, #tpu.memory_space<vmem>>, %arg15: memref<2048xf32, #tpu.memory_space<vmem>>, %arg16: memref<10112xf32, #tpu.memory_space<vmem_shared>>, %arg17: memref<!tpu.dma_semaphore, #tpu.memory_space<semaphore_mem>>, %arg18: memref<!tpu.dma_semaphore, #tpu.memory_space<semaphore_mem>>, %arg19: memref<!tpu.dma_semaphore, #tpu.memory_space<semaphore_mem>>, %arg20: memref<!tpu.dma_semaphore, #tpu.memory_space<semaphore_mem>>, %arg21: memref<!tpu.dma_semaphore, #tpu.memory_space<semaphore_mem>>, %arg22: memref<!tpu.dma_semaphore, #tpu.memory_space<semaphore_mem>>, %arg23: memref<!tpu.dma_semaphore, #tpu.memory_space<semaphore_mem>>, %arg24: memref<!tpu.dma_semaphore, #tpu.memory_space<semaphore_mem>>, %arg25: memref<!tpu.dma_semaphore, #tpu.memory_space<semaphore_mem>>, %arg26: memref<!tpu.dma_semaphore, #tpu.memory_space<semaphore_mem>>, %arg27: memref<!tpu.dma_semaphore, #tpu.memory_space<semaphore_mem>>, %arg28: memref<!tpu.dma_semaphore, #tpu.memory_space<semaphore_mem>>, %arg29: memref<!tpu.dma_semaphore, #tpu.memory_space<semaphore_mem>>) attributes {dimension_semantics = [#tpu.dimension_semantics<core_parallel>, #tpu.dimension_semantics<subcore_parallel>], iteration_bounds = array<i64: 2, 16>, scalar_prefetch = 0 : i64, scratch_operands = 23 : i64, tpu.core_type = #tpu.core_type<sc_vector_subcore>, window_params = [{transform_indices = #map}, {transform_indices = #map}, {transform_indices = #map}, {transform_indices = #map}, {transform_indices = #map1}]} {
    %eq3A = arith.constant 0 : i32
    %eq3A_0 = arith.cmpi eq, %arg1, %eq3A : i32
    %convert_element_type3A = arith.extui %eq3A_0 : i1 to i32
    %cond3A = arith.constant 0 : i32
    %cond3A_1 = arith.cmpi ne, %convert_element_type3A, %cond3A : i32
    scf.if %cond3A_1 {
      tpu.enqueue_dma source(%arg5 : memref<10112xf32, #tpu.memory_space<hbm>>) target(%arg16 : memref<10112xf32, #tpu.memory_space<vmem_shared>>) target_semaphore(%arg29 : memref<!tpu.dma_semaphore, #tpu.memory_space<semaphore_mem>>)
    } else {
    }
    %mul3A = arith.constant 16 : i32
    %mul3A_2 = arith.muli %arg0, %mul3A : i32
    %add3A = arith.addi %mul3A_2, %arg1 : i32
    %mul3A_3 = arith.constant 10240 : i32
    %mul3A_4 = arith.muli %add3A, %mul3A_3 : i32
    %add3A_5 = arith.constant 0 : i32
    %add3A_6 = arith.addi %mul3A_4, %add3A_5 : i32
    %dma_start3A = tpu.memref_slice %arg3[%add3A_6] : memref<327680xi32, #tpu.memory_space<hbm>> -> memref<2048xi32, #tpu.memory_space<hbm>>
    %dma_start3A_7 = tpu.memref_slice %arg3[%add3A_6] : memref<327680xi32, #tpu.memory_space<hbm>> -> memref<2048xi32, #tpu.memory_space<hbm>>
    tpu.enqueue_dma source(%dma_start3A_7 : memref<2048xi32, #tpu.memory_space<hbm>>) target(%arg7 : memref<2048xi32, #tpu.memory_space<vmem>>) target_semaphore(%arg17 : memref<!tpu.dma_semaphore, #tpu.memory_space<semaphore_mem>>)
    %add3A_8 = arith.constant 0 : i32
    %add3A_9 = arith.addi %mul3A_4, %add3A_8 : i32
    %dma_start3A_10 = tpu.memref_slice %arg4[%add3A_9] : memref<327680xi32, #tpu.memory_space<hbm>> -> memref<2048xi32, #tpu.memory_space<hbm>>
    %dma_start3A_11 = tpu.memref_slice %arg4[%add3A_9] : memref<327680xi32, #tpu.memory_space<hbm>> -> memref<2048xi32, #tpu.memory_space<hbm>>
    tpu.enqueue_dma source(%dma_start3A_11 : memref<2048xi32, #tpu.memory_space<hbm>>) target(%arg10 : memref<2048xi32, #tpu.memory_space<vmem>>) target_semaphore(%arg20 : memref<!tpu.dma_semaphore, #tpu.memory_space<semaphore_mem>>)
    %add3A_12 = arith.constant 2048 : i32
    %add3A_13 = arith.addi %mul3A_4, %add3A_12 : i32
    %dma_start3A_14 = tpu.memref_slice %arg3[%add3A_13] : memref<327680xi32, #tpu.memory_space<hbm>> -> memref<2048xi32, #tpu.memory_space<hbm>>
    %dma_start3A_15 = tpu.memref_slice %arg3[%add3A_13] : memref<327680xi32, #tpu.memory_space<hbm>> -> memref<2048xi32, #tpu.memory_space<hbm>>
    tpu.enqueue_dma source(%dma_start3A_15 : memref<2048xi32, #tpu.memory_space<hbm>>) target(%arg8 : memref<2048xi32, #tpu.memory_space<vmem>>) target_semaphore(%arg18 : memref<!tpu.dma_semaphore, #tpu.memory_space<semaphore_mem>>)
    %add3A_16 = arith.constant 2048 : i32
    %add3A_17 = arith.addi %mul3A_4, %add3A_16 : i32
    %dma_start3A_18 = tpu.memref_slice %arg4[%add3A_17] : memref<327680xi32, #tpu.memory_space<hbm>> -> memref<2048xi32, #tpu.memory_space<hbm>>
    %dma_start3A_19 = tpu.memref_slice %arg4[%add3A_17] : memref<327680xi32, #tpu.memory_space<hbm>> -> memref<2048xi32, #tpu.memory_space<hbm>>
    tpu.enqueue_dma source(%dma_start3A_19 : memref<2048xi32, #tpu.memory_space<hbm>>) target(%arg11 : memref<2048xi32, #tpu.memory_space<vmem>>) target_semaphore(%arg21 : memref<!tpu.dma_semaphore, #tpu.memory_space<semaphore_mem>>)
    %dma_wait3A = tpu.memref_slice %arg3[%mul3A_4] : memref<327680xi32, #tpu.memory_space<hbm>> -> memref<2048xi32, #tpu.memory_space<hbm>>
    %dma_wait3A_20 = tpu.memref_slice %arg3[%mul3A_4] : memref<327680xi32, #tpu.memory_space<hbm>> -> memref<2048xi32, #tpu.memory_space<hbm>>
    tpu.wait_dma2 semaphore(%arg17 : memref<!tpu.dma_semaphore, #tpu.memory_space<semaphore_mem>>) src(%dma_wait3A_20 : memref<2048xi32, #tpu.memory_space<hbm>>) dst(%arg7 : memref<2048xi32, #tpu.memory_space<vmem>>)
    %dma_wait3A_21 = tpu.memref_slice %arg3[%mul3A_4] : memref<327680xi32, #tpu.memory_space<hbm>> -> memref<2048xi32, #tpu.memory_space<hbm>>
    %dma_wait3A_22 = tpu.memref_slice %arg3[%mul3A_4] : memref<327680xi32, #tpu.memory_space<hbm>> -> memref<2048xi32, #tpu.memory_space<hbm>>
    tpu.wait_dma2 semaphore(%arg18 : memref<!tpu.dma_semaphore, #tpu.memory_space<semaphore_mem>>) src(%dma_wait3A_22 : memref<2048xi32, #tpu.memory_space<hbm>>) dst(%arg8 : memref<2048xi32, #tpu.memory_space<vmem>>)
    %dma_start3A_23 = arith.constant 0 : i32
    %dma_start3A_24 = tpu.memref_slice %arg2[%dma_start3A_23] : memref<10016xf32, #tpu.memory_space<hbm>> -> memref<10016xf32, #tpu.memory_space<hbm>>
    tpu.enqueue_indirect_dma source(%dma_start3A_24 : memref<10016xf32, #tpu.memory_space<hbm>>) target(%arg13 : memref<2048xf32, #tpu.memory_space<vmem>>) offsets(%arg7 : memref<2048xi32, #tpu.memory_space<vmem>>) semaphore(%arg23 : memref<!tpu.dma_semaphore, #tpu.memory_space<semaphore_mem>>)
    %dma_start3A_25 = arith.constant 0 : i32
    %dma_start3A_26 = tpu.memref_slice %arg2[%dma_start3A_25] : memref<10016xf32, #tpu.memory_space<hbm>> -> memref<10016xf32, #tpu.memory_space<hbm>>
    tpu.enqueue_indirect_dma source(%dma_start3A_26 : memref<10016xf32, #tpu.memory_space<hbm>>) target(%arg14 : memref<2048xf32, #tpu.memory_space<vmem>>) offsets(%arg8 : memref<2048xi32, #tpu.memory_space<vmem>>) semaphore(%arg24 : memref<!tpu.dma_semaphore, #tpu.memory_space<semaphore_mem>>)
    %add3A_27 = arith.constant 4096 : i32
    %add3A_28 = arith.addi %mul3A_4, %add3A_27 : i32
    %dma_start3A_29 = tpu.memref_slice %arg3[%add3A_28] : memref<327680xi32, #tpu.memory_space<hbm>> -> memref<2048xi32, #tpu.memory_space<hbm>>
    %dma_start3A_30 = tpu.memref_slice %arg3[%add3A_28] : memref<327680xi32, #tpu.memory_space<hbm>> -> memref<2048xi32, #tpu.memory_space<hbm>>
    tpu.enqueue_dma source(%dma_start3A_30 : memref<2048xi32, #tpu.memory_space<hbm>>) target(%arg9 : memref<2048xi32, #tpu.memory_space<vmem>>) target_semaphore(%arg19 : memref<!tpu.dma_semaphore, #tpu.memory_space<semaphore_mem>>)
    %eq3A_31 = arith.constant 0 : i32
    %eq3A_32 = arith.cmpi eq, %arg1, %eq3A_31 : i32
    %convert_element_type3A_33 = arith.extui %eq3A_32 : i1 to i32
    %cond3A_34 = arith.constant 0 : i32
    %cond3A_35 = arith.cmpi ne, %convert_element_type3A_33, %cond3A_34 : i32
    scf.if %cond3A_35 {
      tpu.wait_dma2 semaphore(%arg29 : memref<!tpu.dma_semaphore, #tpu.memory_space<semaphore_mem>>) src(%arg5 : memref<10112xf32, #tpu.memory_space<hbm>>) dst(%arg16 : memref<10112xf32, #tpu.memory_space<vmem_shared>>)
    } else {
    }
    %barrier3A = arith.constant 0 : index
    tpu.barrier barrier_id(%barrier3A)
    %scan3A = arith.constant 0 : i32
    %scan3A_36 = arith.constant 0 : i32
    %mul3A_37 = arith.constant 3 : i32
    %mul3A_38 = arith.muli %mul3A_37, %scan3A_36 : i32
    %add3A_39 = arith.constant 0 : i32
    %add3A_40 = arith.addi %mul3A_38, %add3A_39 : i32
    %ge3A = arith.constant 1 : i32
    %ge3A_41 = arith.cmpi sge, %add3A_40, %ge3A : i32
    %convert_element_type3A_42 = arith.extui %ge3A_41 : i1 to i32
    %cond3A_43 = arith.constant 0 : i32
    %cond3A_44 = arith.cmpi ne, %convert_element_type3A_42, %cond3A_43 : i32
    scf.if %cond3A_44 {
      %dma_wait3A_189 = arith.constant 0 : i32
      %dma_wait3A_190 = tpu.memref_slice %arg16[%dma_wait3A_189] : memref<10112xf32, #tpu.memory_space<vmem_shared>> -> memref<10112xf32, #tpu.memory_space<vmem_shared>>
      tpu.wait_indirect_dma semaphore(%arg28 : memref<!tpu.dma_semaphore, #tpu.memory_space<semaphore_mem>>) src(%arg15 : memref<2048xf32, #tpu.memory_space<vmem>>) dst(%dma_wait3A_190 : memref<10112xf32, #tpu.memory_space<vmem_shared>>)
    } else {
    }
    %add3A_45 = arith.constant 2 : i32
    %add3A_46 = arith.addi %add3A_40, %add3A_45 : i32
    %lt3A = arith.constant 5 : i32
    %lt3A_47 = arith.cmpi slt, %add3A_46, %lt3A : i32
    %convert_element_type3A_48 = arith.extui %lt3A_47 : i1 to i32
    %cond3A_49 = arith.constant 0 : i32
    %cond3A_50 = arith.cmpi ne, %convert_element_type3A_48, %cond3A_49 : i32
    scf.if %cond3A_50 {
      %add3A_189 = arith.constant 2 : i32
      %add3A_190 = arith.addi %add3A_40, %add3A_189 : i32
      %mul3A_191 = arith.constant 2048 : i32
      %mul3A_192 = arith.muli %add3A_190, %mul3A_191 : i32
      %add3A_193 = arith.addi %mul3A_4, %mul3A_192 : i32
      %dma_start3A_194 = tpu.memref_slice %arg4[%add3A_193] : memref<327680xi32, #tpu.memory_space<hbm>> -> memref<2048xi32, #tpu.memory_space<hbm>>
      %dma_start3A_195 = tpu.memref_slice %arg4[%add3A_193] : memref<327680xi32, #tpu.memory_space<hbm>> -> memref<2048xi32, #tpu.memory_space<hbm>>
      tpu.enqueue_dma source(%dma_start3A_195 : memref<2048xi32, #tpu.memory_space<hbm>>) target(%arg12 : memref<2048xi32, #tpu.memory_space<vmem>>) target_semaphore(%arg22 : memref<!tpu.dma_semaphore, #tpu.memory_space<semaphore_mem>>)
    } else {
    }
    %add3A_51 = arith.constant 2 : i32
    %add3A_52 = arith.addi %add3A_40, %add3A_51 : i32
    %lt3A_53 = arith.constant 5 : i32
    %lt3A_54 = arith.cmpi slt, %add3A_52, %lt3A_53 : i32
    %convert_element_type3A_55 = arith.extui %lt3A_54 : i1 to i32
    %cond3A_56 = arith.constant 0 : i32
    %cond3A_57 = arith.cmpi ne, %convert_element_type3A_55, %cond3A_56 : i32
    scf.if %cond3A_57 {
      %dma_wait3A_189 = tpu.memref_slice %arg3[%mul3A_4] : memref<327680xi32, #tpu.memory_space<hbm>> -> memref<2048xi32, #tpu.memory_space<hbm>>
      %dma_wait3A_190 = tpu.memref_slice %arg3[%mul3A_4] : memref<327680xi32, #tpu.memory_space<hbm>> -> memref<2048xi32, #tpu.memory_space<hbm>>
      tpu.wait_dma2 semaphore(%arg19 : memref<!tpu.dma_semaphore, #tpu.memory_space<semaphore_mem>>) src(%dma_wait3A_190 : memref<2048xi32, #tpu.memory_space<hbm>>) dst(%arg9 : memref<2048xi32, #tpu.memory_space<vmem>>)
    } else {
    }
    %add3A_58 = arith.constant 2 : i32
    %add3A_59 = arith.addi %add3A_40, %add3A_58 : i32
    %lt3A_60 = arith.constant 5 : i32
    %lt3A_61 = arith.cmpi slt, %add3A_59, %lt3A_60 : i32
    %convert_element_type3A_62 = arith.extui %lt3A_61 : i1 to i32
    %cond3A_63 = arith.constant 0 : i32
    %cond3A_64 = arith.cmpi ne, %convert_element_type3A_62, %cond3A_63 : i32
    scf.if %cond3A_64 {
      %add3A_189 = arith.constant 2 : i32
      %add3A_190 = arith.addi %add3A_40, %add3A_189 : i32
      %dma_start3A_191 = arith.constant 0 : i32
      %dma_start3A_192 = tpu.memref_slice %arg2[%dma_start3A_191] : memref<10016xf32, #tpu.memory_space<hbm>> -> memref<10016xf32, #tpu.memory_space<hbm>>
      tpu.enqueue_indirect_dma source(%dma_start3A_192 : memref<10016xf32, #tpu.memory_space<hbm>>) target(%arg15 : memref<2048xf32, #tpu.memory_space<vmem>>) offsets(%arg9 : memref<2048xi32, #tpu.memory_space<vmem>>) semaphore(%arg25 : memref<!tpu.dma_semaphore, #tpu.memory_space<semaphore_mem>>)
    } else {
    }
    %dma_wait3A_65 = arith.constant 0 : i32
    %dma_wait3A_66 = tpu.memref_slice %arg2[%dma_wait3A_65] : memref<10016xf32, #tpu.memory_space<hbm>> -> memref<10016xf32, #tpu.memory_space<hbm>>
    tpu.wait_indirect_dma semaphore(%arg23 : memref<!tpu.dma_semaphore, #tpu.memory_space<semaphore_mem>>) src(%dma_wait3A_66 : memref<10016xf32, #tpu.memory_space<hbm>>) dst(%arg13 : memref<2048xf32, #tpu.memory_space<vmem>>)
    %add3A_67 = arith.constant 3 : i32
    %add3A_68 = arith.addi %add3A_40, %add3A_67 : i32
    %lt3A_69 = arith.constant 5 : i32
    %lt3A_70 = arith.cmpi slt, %add3A_68, %lt3A_69 : i32
    %convert_element_type3A_71 = arith.extui %lt3A_70 : i1 to i32
    %cond3A_72 = arith.constant 0 : i32
    %cond3A_73 = arith.cmpi ne, %convert_element_type3A_71, %cond3A_72 : i32
    scf.if %cond3A_73 {
      %add3A_189 = arith.constant 3 : i32
      %add3A_190 = arith.addi %add3A_40, %add3A_189 : i32
      %mul3A_191 = arith.constant 2048 : i32
      %mul3A_192 = arith.muli %add3A_190, %mul3A_191 : i32
      %add3A_193 = arith.addi %mul3A_4, %mul3A_192 : i32
      %dma_start3A_194 = tpu.memref_slice %arg3[%add3A_193] : memref<327680xi32, #tpu.memory_space<hbm>> -> memref<2048xi32, #tpu.memory_space<hbm>>
      %dma_start3A_195 = tpu.memref_slice %arg3[%add3A_193] : memref<327680xi32, #tpu.memory_space<hbm>> -> memref<2048xi32, #tpu.memory_space<hbm>>
      tpu.enqueue_dma source(%dma_start3A_195 : memref<2048xi32, #tpu.memory_space<hbm>>) target(%arg7 : memref<2048xi32, #tpu.memory_space<vmem>>) target_semaphore(%arg17 : memref<!tpu.dma_semaphore, #tpu.memory_space<semaphore_mem>>)
    } else {
    }
    %dma_wait3A_74 = tpu.memref_slice %arg4[%mul3A_4] : memref<327680xi32, #tpu.memory_space<hbm>> -> memref<2048xi32, #tpu.memory_space<hbm>>
    %dma_wait3A_75 = tpu.memref_slice %arg4[%mul3A_4] : memref<327680xi32, #tpu.memory_space<hbm>> -> memref<2048xi32, #tpu.memory_space<hbm>>
    tpu.wait_dma2 semaphore(%arg20 : memref<!tpu.dma_semaphore, #tpu.memory_space<semaphore_mem>>) src(%dma_wait3A_75 : memref<2048xi32, #tpu.memory_space<hbm>>) dst(%arg10 : memref<2048xi32, #tpu.memory_space<vmem>>)
    %dma_start3A_76 = arith.constant 0 : i32
    %dma_start3A_77 = tpu.memref_slice %arg16[%dma_start3A_76] : memref<10112xf32, #tpu.memory_space<vmem_shared>> -> memref<10112xf32, #tpu.memory_space<vmem_shared>>
    tpu.enqueue_indirect_dma source(%arg13 : memref<2048xf32, #tpu.memory_space<vmem>>) target(%dma_start3A_77 : memref<10112xf32, #tpu.memory_space<vmem_shared>>) offsets(%arg10 : memref<2048xi32, #tpu.memory_space<vmem>>) semaphore(%arg26 : memref<!tpu.dma_semaphore, #tpu.memory_space<semaphore_mem>>) {add = true}
    %mul3A_78 = arith.constant 3 : i32
    %mul3A_79 = arith.muli %mul3A_78, %scan3A_36 : i32
    %add3A_80 = arith.constant 1 : i32
    %add3A_81 = arith.addi %mul3A_79, %add3A_80 : i32
    %ge3A_82 = arith.constant 1 : i32
    %ge3A_83 = arith.cmpi sge, %add3A_81, %ge3A_82 : i32
    %convert_element_type3A_84 = arith.extui %ge3A_83 : i1 to i32
    %cond3A_85 = arith.constant 0 : i32
    %cond3A_86 = arith.cmpi ne, %convert_element_type3A_84, %cond3A_85 : i32
    scf.if %cond3A_86 {
      %dma_wait3A_189 = arith.constant 0 : i32
      %dma_wait3A_190 = tpu.memref_slice %arg16[%dma_wait3A_189] : memref<10112xf32, #tpu.memory_space<vmem_shared>> -> memref<10112xf32, #tpu.memory_space<vmem_shared>>
      tpu.wait_indirect_dma semaphore(%arg26 : memref<!tpu.dma_semaphore, #tpu.memory_space<semaphore_mem>>) src(%arg13 : memref<2048xf32, #tpu.memory_space<vmem>>) dst(%dma_wait3A_190 : memref<10112xf32, #tpu.memory_space<vmem_shared>>)
    } else {
    }
    %add3A_87 = arith.constant 2 : i32
    %add3A_88 = arith.addi %add3A_81, %add3A_87 : i32
    %lt3A_89 = arith.constant 5 : i32
    %lt3A_90 = arith.cmpi slt, %add3A_88, %lt3A_89 : i32
    %convert_element_type3A_91 = arith.extui %lt3A_90 : i1 to i32
    %cond3A_92 = arith.constant 0 : i32
    %cond3A_93 = arith.cmpi ne, %convert_element_type3A_91, %cond3A_92 : i32
    scf.if %cond3A_93 {
      %add3A_189 = arith.constant 2 : i32
      %add3A_190 = arith.addi %add3A_81, %add3A_189 : i32
      %mul3A_191 = arith.constant 2048 : i32
      %mul3A_192 = arith.muli %add3A_190, %mul3A_191 : i32
      %add3A_193 = arith.addi %mul3A_4, %mul3A_192 : i32
      %dma_start3A_194 = tpu.memref_slice %arg4[%add3A_193] : memref<327680xi32, #tpu.memory_space<hbm>> -> memref<2048xi32, #tpu.memory_space<hbm>>
      %dma_start3A_195 = tpu.memref_slice %arg4[%add3A_193] : memref<327680xi32, #tpu.memory_space<hbm>> -> memref<2048xi32, #tpu.memory_space<hbm>>
      tpu.enqueue_dma source(%dma_start3A_195 : memref<2048xi32, #tpu.memory_space<hbm>>) target(%arg10 : memref<2048xi32, #tpu.memory_space<vmem>>) target_semaphore(%arg20 : memref<!tpu.dma_semaphore, #tpu.memory_space<semaphore_mem>>)
    } else {
    }
    %add3A_94 = arith.constant 2 : i32
    %add3A_95 = arith.addi %add3A_81, %add3A_94 : i32
    %lt3A_96 = arith.constant 5 : i32
    %lt3A_97 = arith.cmpi slt, %add3A_95, %lt3A_96 : i32
    %convert_element_type3A_98 = arith.extui %lt3A_97 : i1 to i32
    %cond3A_99 = arith.constant 0 : i32
    %cond3A_100 = arith.cmpi ne, %convert_element_type3A_98, %cond3A_99 : i32
    scf.if %cond3A_100 {
      %dma_wait3A_189 = tpu.memref_slice %arg3[%mul3A_4] : memref<327680xi32, #tpu.memory_space<hbm>> -> memref<2048xi32, #tpu.memory_space<hbm>>
      %dma_wait3A_190 = tpu.memref_slice %arg3[%mul3A_4] : memref<327680xi32, #tpu.memory_space<hbm>> -> memref<2048xi32, #tpu.memory_space<hbm>>
      tpu.wait_dma2 semaphore(%arg17 : memref<!tpu.dma_semaphore, #tpu.memory_space<semaphore_mem>>) src(%dma_wait3A_190 : memref<2048xi32, #tpu.memory_space<hbm>>) dst(%arg7 : memref<2048xi32, #tpu.memory_space<vmem>>)
    } else {
    }
    %add3A_101 = arith.constant 2 : i32
    %add3A_102 = arith.addi %add3A_81, %add3A_101 : i32
    %lt3A_103 = arith.constant 5 : i32
    %lt3A_104 = arith.cmpi slt, %add3A_102, %lt3A_103 : i32
    %convert_element_type3A_105 = arith.extui %lt3A_104 : i1 to i32
    %cond3A_106 = arith.constant 0 : i32
    %cond3A_107 = arith.cmpi ne, %convert_element_type3A_105, %cond3A_106 : i32
    scf.if %cond3A_107 {
      %add3A_189 = arith.constant 2 : i32
      %add3A_190 = arith.addi %add3A_81, %add3A_189 : i32
      %dma_start3A_191 = arith.constant 0 : i32
      %dma_start3A_192 = tpu.memref_slice %arg2[%dma_start3A_191] : memref<10016xf32, #tpu.memory_space<hbm>> -> memref<10016xf32, #tpu.memory_space<hbm>>
      tpu.enqueue_indirect_dma source(%dma_start3A_192 : memref<10016xf32, #tpu.memory_space<hbm>>) target(%arg13 : memref<2048xf32, #tpu.memory_space<vmem>>) offsets(%arg7 : memref<2048xi32, #tpu.memory_space<vmem>>) semaphore(%arg23 : memref<!tpu.dma_semaphore, #tpu.memory_space<semaphore_mem>>)
    } else {
    }
    %dma_wait3A_108 = arith.constant 0 : i32
    %dma_wait3A_109 = tpu.memref_slice %arg2[%dma_wait3A_108] : memref<10016xf32, #tpu.memory_space<hbm>> -> memref<10016xf32, #tpu.memory_space<hbm>>
    tpu.wait_indirect_dma semaphore(%arg24 : memref<!tpu.dma_semaphore, #tpu.memory_space<semaphore_mem>>) src(%dma_wait3A_109 : memref<10016xf32, #tpu.memory_space<hbm>>) dst(%arg14 : memref<2048xf32, #tpu.memory_space<vmem>>)
    %add3A_110 = arith.constant 3 : i32
    %add3A_111 = arith.addi %add3A_81, %add3A_110 : i32
    %lt3A_112 = arith.constant 5 : i32
    %lt3A_113 = arith.cmpi slt, %add3A_111, %lt3A_112 : i32
    %convert_element_type3A_114 = arith.extui %lt3A_113 : i1 to i32
    %cond3A_115 = arith.constant 0 : i32
    %cond3A_116 = arith.cmpi ne, %convert_element_type3A_114, %cond3A_115 : i32
    scf.if %cond3A_116 {
      %add3A_189 = arith.constant 3 : i32
      %add3A_190 = arith.addi %add3A_81, %add3A_189 : i32
      %mul3A_191 = arith.constant 2048 : i32
      %mul3A_192 = arith.muli %add3A_190, %mul3A_191 : i32
      %add3A_193 = arith.addi %mul3A_4, %mul3A_192 : i32
      %dma_start3A_194 = tpu.memref_slice %arg3[%add3A_193] : memref<327680xi32, #tpu.memory_space<hbm>> -> memref<2048xi32, #tpu.memory_space<hbm>>
      %dma_start3A_195 = tpu.memref_slice %arg3[%add3A_193] : memref<327680xi32, #tpu.memory_space<hbm>> -> memref<2048xi32, #tpu.memory_space<hbm>>
      tpu.enqueue_dma source(%dma_start3A_195 : memref<2048xi32, #tpu.memory_space<hbm>>) target(%arg8 : memref<2048xi32, #tpu.memory_space<vmem>>) target_semaphore(%arg18 : memref<!tpu.dma_semaphore, #tpu.memory_space<semaphore_mem>>)
    } else {
    }
    %dma_wait3A_117 = tpu.memref_slice %arg4[%mul3A_4] : memref<327680xi32, #tpu.memory_space<hbm>> -> memref<2048xi32, #tpu.memory_space<hbm>>
    %dma_wait3A_118 = tpu.memref_slice %arg4[%mul3A_4] : memref<327680xi32, #tpu.memory_space<hbm>> -> memref<2048xi32, #tpu.memory_space<hbm>>
    tpu.wait_dma2 semaphore(%arg21 : memref<!tpu.dma_semaphore, #tpu.memory_space<semaphore_mem>>) src(%dma_wait3A_118 : memref<2048xi32, #tpu.memory_space<hbm>>) dst(%arg11 : memref<2048xi32, #tpu.memory_space<vmem>>)
    %dma_start3A_119 = arith.constant 0 : i32
    %dma_start3A_120 = tpu.memref_slice %arg16[%dma_start3A_119] : memref<10112xf32, #tpu.memory_space<vmem_shared>> -> memref<10112xf32, #tpu.memory_space<vmem_shared>>
    tpu.enqueue_indirect_dma source(%arg14 : memref<2048xf32, #tpu.memory_space<vmem>>) target(%dma_start3A_120 : memref<10112xf32, #tpu.memory_space<vmem_shared>>) offsets(%arg11 : memref<2048xi32, #tpu.memory_space<vmem>>) semaphore(%arg27 : memref<!tpu.dma_semaphore, #tpu.memory_space<semaphore_mem>>) {add = true}
    %mul3A_121 = arith.constant 3 : i32
    %mul3A_122 = arith.muli %mul3A_121, %scan3A_36 : i32
    %add3A_123 = arith.constant 2 : i32
    %add3A_124 = arith.addi %mul3A_122, %add3A_123 : i32
    %ge3A_125 = arith.constant 1 : i32
    %ge3A_126 = arith.cmpi sge, %add3A_124, %ge3A_125 : i32
    %convert_element_type3A_127 = arith.extui %ge3A_126 : i1 to i32
    %cond3A_128 = arith.constant 0 : i32
    %cond3A_129 = arith.cmpi ne, %convert_element_type3A_127, %cond3A_128 : i32
    scf.if %cond3A_129 {
      %dma_wait3A_189 = arith.constant 0 : i32
      %dma_wait3A_190 = tpu.memref_slice %arg16[%dma_wait3A_189] : memref<10112xf32, #tpu.memory_space<vmem_shared>> -> memref<10112xf32, #tpu.memory_space<vmem_shared>>
      tpu.wait_indirect_dma semaphore(%arg27 : memref<!tpu.dma_semaphore, #tpu.memory_space<semaphore_mem>>) src(%arg14 : memref<2048xf32, #tpu.memory_space<vmem>>) dst(%dma_wait3A_190 : memref<10112xf32, #tpu.memory_space<vmem_shared>>)
    } else {
    }
    %add3A_130 = arith.constant 2 : i32
    %add3A_131 = arith.addi %add3A_124, %add3A_130 : i32
    %lt3A_132 = arith.constant 5 : i32
    %lt3A_133 = arith.cmpi slt, %add3A_131, %lt3A_132 : i32
    %convert_element_type3A_134 = arith.extui %lt3A_133 : i1 to i32
    %cond3A_135 = arith.constant 0 : i32
    %cond3A_136 = arith.cmpi ne, %convert_element_type3A_134, %cond3A_135 : i32
    scf.if %cond3A_136 {
      %add3A_189 = arith.constant 2 : i32
      %add3A_190 = arith.addi %add3A_124, %add3A_189 : i32
      %mul3A_191 = arith.constant 2048 : i32
      %mul3A_192 = arith.muli %add3A_190, %mul3A_191 : i32
      %add3A_193 = arith.addi %mul3A_4, %mul3A_192 : i32
      %dma_start3A_194 = tpu.memref_slice %arg4[%add3A_193] : memref<327680xi32, #tpu.memory_space<hbm>> -> memref<2048xi32, #tpu.memory_space<hbm>>
      %dma_start3A_195 = tpu.memref_slice %arg4[%add3A_193] : memref<327680xi32, #tpu.memory_space<hbm>> -> memref<2048xi32, #tpu.memory_space<hbm>>
      tpu.enqueue_dma source(%dma_start3A_195 : memref<2048xi32, #tpu.memory_space<hbm>>) target(%arg11 : memref<2048xi32, #tpu.memory_space<vmem>>) target_semaphore(%arg21 : memref<!tpu.dma_semaphore, #tpu.memory_space<semaphore_mem>>)
    } else {
    }
    %add3A_137 = arith.constant 2 : i32
    %add3A_138 = arith.addi %add3A_124, %add3A_137 : i32
    %lt3A_139 = arith.constant 5 : i32
    %lt3A_140 = arith.cmpi slt, %add3A_138, %lt3A_139 : i32
    %convert_element_type3A_141 = arith.extui %lt3A_140 : i1 to i32
    %cond3A_142 = arith.constant 0 : i32
    %cond3A_143 = arith.cmpi ne, %convert_element_type3A_141, %cond3A_142 : i32
    scf.if %cond3A_143 {
      %dma_wait3A_189 = tpu.memref_slice %arg3[%mul3A_4] : memref<327680xi32, #tpu.memory_space<hbm>> -> memref<2048xi32, #tpu.memory_space<hbm>>
      %dma_wait3A_190 = tpu.memref_slice %arg3[%mul3A_4] : memref<327680xi32, #tpu.memory_space<hbm>> -> memref<2048xi32, #tpu.memory_space<hbm>>
      tpu.wait_dma2 semaphore(%arg18 : memref<!tpu.dma_semaphore, #tpu.memory_space<semaphore_mem>>) src(%dma_wait3A_190 : memref<2048xi32, #tpu.memory_space<hbm>>) dst(%arg8 : memref<2048xi32, #tpu.memory_space<vmem>>)
    } else {
    }
    %add3A_144 = arith.constant 2 : i32
    %add3A_145 = arith.addi %add3A_124, %add3A_144 : i32
    %lt3A_146 = arith.constant 5 : i32
    %lt3A_147 = arith.cmpi slt, %add3A_145, %lt3A_146 : i32
    %convert_element_type3A_148 = arith.extui %lt3A_147 : i1 to i32
    %cond3A_149 = arith.constant 0 : i32
    %cond3A_150 = arith.cmpi ne, %convert_element_type3A_148, %cond3A_149 : i32
    scf.if %cond3A_150 {
      %add3A_189 = arith.constant 2 : i32
      %add3A_190 = arith.addi %add3A_124, %add3A_189 : i32
      %dma_start3A_191 = arith.constant 0 : i32
      %dma_start3A_192 = tpu.memref_slice %arg2[%dma_start3A_191] : memref<10016xf32, #tpu.memory_space<hbm>> -> memref<10016xf32, #tpu.memory_space<hbm>>
      tpu.enqueue_indirect_dma source(%dma_start3A_192 : memref<10016xf32, #tpu.memory_space<hbm>>) target(%arg14 : memref<2048xf32, #tpu.memory_space<vmem>>) offsets(%arg8 : memref<2048xi32, #tpu.memory_space<vmem>>) semaphore(%arg24 : memref<!tpu.dma_semaphore, #tpu.memory_space<semaphore_mem>>)
    } else {
    }
    %dma_wait3A_151 = arith.constant 0 : i32
    %dma_wait3A_152 = tpu.memref_slice %arg2[%dma_wait3A_151] : memref<10016xf32, #tpu.memory_space<hbm>> -> memref<10016xf32, #tpu.memory_space<hbm>>
    tpu.wait_indirect_dma semaphore(%arg25 : memref<!tpu.dma_semaphore, #tpu.memory_space<semaphore_mem>>) src(%dma_wait3A_152 : memref<10016xf32, #tpu.memory_space<hbm>>) dst(%arg15 : memref<2048xf32, #tpu.memory_space<vmem>>)
    %add3A_153 = arith.constant 3 : i32
    %add3A_154 = arith.addi %add3A_124, %add3A_153 : i32
    %lt3A_155 = arith.constant 5 : i32
    %lt3A_156 = arith.cmpi slt, %add3A_154, %lt3A_155 : i32
    %convert_element_type3A_157 = arith.extui %lt3A_156 : i1 to i32
    %cond3A_158 = arith.constant 0 : i32
    %cond3A_159 = arith.cmpi ne, %convert_element_type3A_157, %cond3A_158 : i32
    scf.if %cond3A_159 {
      %add3A_189 = arith.constant 3 : i32
      %add3A_190 = arith.addi %add3A_124, %add3A_189 : i32
      %mul3A_191 = arith.constant 2048 : i32
      %mul3A_192 = arith.muli %add3A_190, %mul3A_191 : i32
      %add3A_193 = arith.addi %mul3A_4, %mul3A_192 : i32
      %dma_start3A_194 = tpu.memref_slice %arg3[%add3A_193] : memref<327680xi32, #tpu.memory_space<hbm>> -> memref<2048xi32, #tpu.memory_space<hbm>>
      %dma_start3A_195 = tpu.memref_slice %arg3[%add3A_193] : memref<327680xi32, #tpu.memory_space<hbm>> -> memref<2048xi32, #tpu.memory_space<hbm>>
      tpu.enqueue_dma source(%dma_start3A_195 : memref<2048xi32, #tpu.memory_space<hbm>>) target(%arg9 : memref<2048xi32, #tpu.memory_space<vmem>>) target_semaphore(%arg19 : memref<!tpu.dma_semaphore, #tpu.memory_space<semaphore_mem>>)
    } else {
    }
    %dma_wait3A_160 = tpu.memref_slice %arg4[%mul3A_4] : memref<327680xi32, #tpu.memory_space<hbm>> -> memref<2048xi32, #tpu.memory_space<hbm>>
    %dma_wait3A_161 = tpu.memref_slice %arg4[%mul3A_4] : memref<327680xi32, #tpu.memory_space<hbm>> -> memref<2048xi32, #tpu.memory_space<hbm>>
    tpu.wait_dma2 semaphore(%arg22 : memref<!tpu.dma_semaphore, #tpu.memory_space<semaphore_mem>>) src(%dma_wait3A_161 : memref<2048xi32, #tpu.memory_space<hbm>>) dst(%arg12 : memref<2048xi32, #tpu.memory_space<vmem>>)
    %dma_start3A_162 = arith.constant 0 : i32
    %dma_start3A_163 = tpu.memref_slice %arg16[%dma_start3A_162] : memref<10112xf32, #tpu.memory_space<vmem_shared>> -> memref<10112xf32, #tpu.memory_space<vmem_shared>>
    tpu.enqueue_indirect_dma source(%arg15 : memref<2048xf32, #tpu.memory_space<vmem>>) target(%dma_start3A_163 : memref<10112xf32, #tpu.memory_space<vmem_shared>>) offsets(%arg12 : memref<2048xi32, #tpu.memory_space<vmem>>) semaphore(%arg28 : memref<!tpu.dma_semaphore, #tpu.memory_space<semaphore_mem>>) {add = true}
    %scan3A_164 = arith.constant 1 : i32
    %dma_wait3A_165 = arith.constant 0 : i32
    %dma_wait3A_166 = tpu.memref_slice %arg16[%dma_wait3A_165] : memref<10112xf32, #tpu.memory_space<vmem_shared>> -> memref<10112xf32, #tpu.memory_space<vmem_shared>>
    tpu.wait_indirect_dma semaphore(%arg28 : memref<!tpu.dma_semaphore, #tpu.memory_space<semaphore_mem>>) src(%arg15 : memref<2048xf32, #tpu.memory_space<vmem>>) dst(%dma_wait3A_166 : memref<10112xf32, #tpu.memory_space<vmem_shared>>)
    %dma_wait3A_167 = arith.constant 0 : i32
    %dma_wait3A_168 = tpu.memref_slice %arg2[%dma_wait3A_167] : memref<10016xf32, #tpu.memory_space<hbm>> -> memref<10016xf32, #tpu.memory_space<hbm>>
    tpu.wait_indirect_dma semaphore(%arg23 : memref<!tpu.dma_semaphore, #tpu.memory_space<semaphore_mem>>) src(%dma_wait3A_168 : memref<10016xf32, #tpu.memory_space<hbm>>) dst(%arg13 : memref<2048xf32, #tpu.memory_space<vmem>>)
    %dma_wait3A_169 = tpu.memref_slice %arg4[%mul3A_4] : memref<327680xi32, #tpu.memory_space<hbm>> -> memref<2048xi32, #tpu.memory_space<hbm>>
    %dma_wait3A_170 = tpu.memref_slice %arg4[%mul3A_4] : memref<327680xi32, #tpu.memory_space<hbm>> -> memref<2048xi32, #tpu.memory_space<hbm>>
    tpu.wait_dma2 semaphore(%arg20 : memref<!tpu.dma_semaphore, #tpu.memory_space<semaphore_mem>>) src(%dma_wait3A_170 : memref<2048xi32, #tpu.memory_space<hbm>>) dst(%arg10 : memref<2048xi32, #tpu.memory_space<vmem>>)
    %dma_start3A_171 = arith.constant 0 : i32
    %dma_start3A_172 = tpu.memref_slice %arg16[%dma_start3A_171] : memref<10112xf32, #tpu.memory_space<vmem_shared>> -> memref<10112xf32, #tpu.memory_space<vmem_shared>>
    tpu.enqueue_indirect_dma source(%arg13 : memref<2048xf32, #tpu.memory_space<vmem>>) target(%dma_start3A_172 : memref<10112xf32, #tpu.memory_space<vmem_shared>>) offsets(%arg10 : memref<2048xi32, #tpu.memory_space<vmem>>) semaphore(%arg26 : memref<!tpu.dma_semaphore, #tpu.memory_space<semaphore_mem>>) {add = true}
    %dma_wait3A_173 = arith.constant 0 : i32
    %dma_wait3A_174 = tpu.memref_slice %arg16[%dma_wait3A_173] : memref<10112xf32, #tpu.memory_space<vmem_shared>> -> memref<10112xf32, #tpu.memory_space<vmem_shared>>
    tpu.wait_indirect_dma semaphore(%arg26 : memref<!tpu.dma_semaphore, #tpu.memory_space<semaphore_mem>>) src(%arg13 : memref<2048xf32, #tpu.memory_space<vmem>>) dst(%dma_wait3A_174 : memref<10112xf32, #tpu.memory_space<vmem_shared>>)
    %dma_wait3A_175 = arith.constant 0 : i32
    %dma_wait3A_176 = tpu.memref_slice %arg2[%dma_wait3A_175] : memref<10016xf32, #tpu.memory_space<hbm>> -> memref<10016xf32, #tpu.memory_space<hbm>>
    tpu.wait_indirect_dma semaphore(%arg24 : memref<!tpu.dma_semaphore, #tpu.memory_space<semaphore_mem>>) src(%dma_wait3A_176 : memref<10016xf32, #tpu.memory_space<hbm>>) dst(%arg14 : memref<2048xf32, #tpu.memory_space<vmem>>)
    %dma_wait3A_177 = tpu.memref_slice %arg4[%mul3A_4] : memref<327680xi32, #tpu.memory_space<hbm>> -> memref<2048xi32, #tpu.memory_space<hbm>>
    %dma_wait3A_178 = tpu.memref_slice %arg4[%mul3A_4] : memref<327680xi32, #tpu.memory_space<hbm>> -> memref<2048xi32, #tpu.memory_space<hbm>>
    tpu.wait_dma2 semaphore(%arg21 : memref<!tpu.dma_semaphore, #tpu.memory_space<semaphore_mem>>) src(%dma_wait3A_178 : memref<2048xi32, #tpu.memory_space<hbm>>) dst(%arg11 : memref<2048xi32, #tpu.memory_space<vmem>>)
    %dma_start3A_179 = arith.constant 0 : i32
    %dma_start3A_180 = tpu.memref_slice %arg16[%dma_start3A_179] : memref<10112xf32, #tpu.memory_space<vmem_shared>> -> memref<10112xf32, #tpu.memory_space<vmem_shared>>
    tpu.enqueue_indirect_dma source(%arg14 : memref<2048xf32, #tpu.memory_space<vmem>>) target(%dma_start3A_180 : memref<10112xf32, #tpu.memory_space<vmem_shared>>) offsets(%arg11 : memref<2048xi32, #tpu.memory_space<vmem>>) semaphore(%arg27 : memref<!tpu.dma_semaphore, #tpu.memory_space<semaphore_mem>>) {add = true}
    %dma_wait3A_181 = arith.constant 0 : i32
    %dma_wait3A_182 = tpu.memref_slice %arg16[%dma_wait3A_181] : memref<10112xf32, #tpu.memory_space<vmem_shared>> -> memref<10112xf32, #tpu.memory_space<vmem_shared>>
    tpu.wait_indirect_dma semaphore(%arg27 : memref<!tpu.dma_semaphore, #tpu.memory_space<semaphore_mem>>) src(%arg14 : memref<2048xf32, #tpu.memory_space<vmem>>) dst(%dma_wait3A_182 : memref<10112xf32, #tpu.memory_space<vmem_shared>>)
    %barrier3A_183 = arith.constant 0 : index
    tpu.barrier barrier_id(%barrier3A_183)
    %eq3A_184 = arith.constant 0 : i32
    %eq3A_185 = arith.cmpi eq, %arg1, %eq3A_184 : i32
    %convert_element_type3A_186 = arith.extui %eq3A_185 : i1 to i32
    %cond3A_187 = arith.constant 0 : i32
    %cond3A_188 = arith.cmpi ne, %convert_element_type3A_186, %cond3A_187 : i32
    scf.if %cond3A_188 {
      "tpu.region"() ({
        %run_scoped3A = tpu.sem_alloc : memref<!tpu.dma_semaphore, #tpu.memory_space<semaphore_mem>>
        %dma_start3A_189 = arith.constant 0 : i32
        %dma_start3A_190 = tpu.memref_slice %arg6[%arg0, %dma_start3A_189] : memref<2x10112xf32, #tpu.memory_space<hbm>> -> memref<1x10112xf32, #tpu.memory_space<hbm>>
        %dma_start3A_191 = tpu.memref_squeeze %dma_start3A_190 : memref<1x10112xf32, #tpu.memory_space<hbm>> -> memref<10112xf32, #tpu.memory_space<hbm>>
        tpu.enqueue_dma source(%arg16 : memref<10112xf32, #tpu.memory_space<vmem_shared>>) target(%dma_start3A_191 : memref<10112xf32, #tpu.memory_space<hbm>>) target_semaphore(%run_scoped3A : memref<!tpu.dma_semaphore, #tpu.memory_space<semaphore_mem>>)
        %dma_wait3A_192 = arith.constant 0 : i32
        %dma_wait3A_193 = tpu.memref_slice %arg6[%arg0, %dma_wait3A_192] : memref<2x10112xf32, #tpu.memory_space<hbm>> -> memref<1x10112xf32, #tpu.memory_space<hbm>>
        %dma_wait3A_194 = tpu.memref_squeeze %dma_wait3A_193 : memref<1x10112xf32, #tpu.memory_space<hbm>> -> memref<10112xf32, #tpu.memory_space<hbm>>
        tpu.wait_dma2 semaphore(%run_scoped3A : memref<!tpu.dma_semaphore, #tpu.memory_space<semaphore_mem>>) src(%arg16 : memref<10112xf32, #tpu.memory_space<vmem_shared>>) dst(%dma_wait3A_194 : memref<10112xf32, #tpu.memory_space<hbm>>)
        tpu.yield
      }) : () -> ()
    } else {
    }
    return
  }
}

#map = affine_map<(d0, d1) -> (0)>
#map1 = affine_map<(d0, d1) -> (0, 0)>
module attributes {stable_mosaic.version = 14 : i64} {
  func.func @_deg_kernel(%arg0: i32, %arg1: i32, %arg2: memref<327680xi32, #tpu.memory_space<hbm>>, %arg3: memref<10112xf32, #tpu.memory_space<hbm>>, %arg4: memref<2x10112xf32, #tpu.memory_space<hbm>>, %arg5: memref<512xi32, #tpu.memory_space<vmem>>, %arg6: memref<512xf32, #tpu.memory_space<vmem>>, %arg7: memref<10112xf32, #tpu.memory_space<vmem_shared>>) attributes {dimension_semantics = [#tpu.dimension_semantics<core_parallel>, #tpu.dimension_semantics<subcore_parallel>], iteration_bounds = array<i64: 2, 16>, scalar_prefetch = 0 : i64, scratch_operands = 3 : i64, tpu.core_type = #tpu.core_type<sc_vector_subcore>, window_params = [{transform_indices = #map}, {transform_indices = #map}, {transform_indices = #map1}]} {
    %eq3A = arith.constant 0 : i32
    %eq3A_0 = arith.cmpi eq, %arg1, %eq3A : i32
    %convert_element_type3A = arith.extui %eq3A_0 : i1 to i32
    %cond3A = arith.constant 0 : i32
    %cond3A_1 = arith.cmpi ne, %convert_element_type3A, %cond3A : i32
    scf.if %cond3A_1 {
      "tpu.region"() ({
        %run_scoped3A = tpu.sem_alloc : memref<!tpu.dma_semaphore, #tpu.memory_space<semaphore_mem>>
        tpu.enqueue_dma source(%arg3 : memref<10112xf32, #tpu.memory_space<hbm>>) target(%arg7 : memref<10112xf32, #tpu.memory_space<vmem_shared>>) target_semaphore(%run_scoped3A : memref<!tpu.dma_semaphore, #tpu.memory_space<semaphore_mem>>)
        tpu.wait_dma2 semaphore(%run_scoped3A : memref<!tpu.dma_semaphore, #tpu.memory_space<semaphore_mem>>) src(%arg3 : memref<10112xf32, #tpu.memory_space<hbm>>) dst(%arg7 : memref<10112xf32, #tpu.memory_space<vmem_shared>>)
        tpu.yield
      }) : () -> ()
    } else {
    }
    %scan3A = arith.constant 0 : i32
    %scan3A_2 = arith.constant 0 : i32
    %scan3A_3 = arith.constant 32 : i32
    %scan3A_4 = arith.addi %scan3A_2, %scan3A_3 : i32
    %scan3A_5 = arith.constant 1 : i32
    scf.for %scan3A_22 = %scan3A_2 to %scan3A_4 step %scan3A_5  : i32 {
      %broadcast_in_dim3A = arith.constant 1.000000e+00 : f32
      %broadcast_in_dim3A_23 = vector.broadcast %broadcast_in_dim3A : f32 to vector<16xf32>
      %mul3A_24 = arith.constant 16 : i32
      %mul3A_25 = arith.muli %scan3A_22, %mul3A_24 : i32
      %swap3A = arith.index_cast %mul3A_25 : i32 to index
      %swap3A_26 = tpu.vector_load %arg6[%swap3A] {strides = array<i32>} : memref<512xf32, #tpu.memory_space<vmem>>, vector<16xf32>,
      %swap3A_27 = vector.shape_cast %swap3A_26 : vector<16xf32> to vector<16xf32>
      %swap3A_28 = vector.shape_cast %broadcast_in_dim3A_23 : vector<16xf32> to vector<16xf32>
      tpu.vector_store %arg6[%swap3A], %swap3A_28 {strides = array<i32>} : memref<512xf32, #tpu.memory_space<vmem>>, vector<16xf32>,
    }
    %scan3A_6 = arith.constant 32 : i32
    %barrier3A = arith.constant 0 : index
    tpu.barrier barrier_id(%barrier3A)
    %mul3A = arith.constant 16 : i32
    %mul3A_7 = arith.muli %arg0, %mul3A : i32
    %add3A = arith.addi %mul3A_7, %arg1 : i32
    %mul3A_8 = arith.constant 10240 : i32
    %mul3A_9 = arith.muli %add3A, %mul3A_8 : i32
    %scan3A_10 = arith.constant 0 : i32
    %scan3A_11 = arith.constant 0 : i32
    %scan3A_12 = arith.constant 20 : i32
    %scan3A_13 = arith.addi %scan3A_11, %scan3A_12 : i32
    %scan3A_14 = arith.constant 1 : i32
    scf.for %scan3A_22 = %scan3A_11 to %scan3A_13 step %scan3A_14  : i32 {
      %mul3A_23 = arith.constant 512 : i32
      %mul3A_24 = arith.muli %scan3A_22, %mul3A_23 : i32
      %add3A_25 = arith.addi %mul3A_9, %mul3A_24 : i32
      "tpu.region"() ({
        %run_scoped3A = tpu.sem_alloc : memref<!tpu.dma_semaphore, #tpu.memory_space<semaphore_mem>>
        %dma_start3A = tpu.memref_slice %arg2[%add3A_25] : memref<327680xi32, #tpu.memory_space<hbm>> -> memref<512xi32, #tpu.memory_space<hbm>>
        %dma_start3A_26 = tpu.memref_slice %arg2[%add3A_25] : memref<327680xi32, #tpu.memory_space<hbm>> -> memref<512xi32, #tpu.memory_space<hbm>>
        tpu.enqueue_dma source(%dma_start3A_26 : memref<512xi32, #tpu.memory_space<hbm>>) target(%arg5 : memref<512xi32, #tpu.memory_space<vmem>>) target_semaphore(%run_scoped3A : memref<!tpu.dma_semaphore, #tpu.memory_space<semaphore_mem>>)
        %dma_wait3A = tpu.memref_slice %arg2[%add3A_25] : memref<327680xi32, #tpu.memory_space<hbm>> -> memref<512xi32, #tpu.memory_space<hbm>>
        %dma_wait3A_27 = tpu.memref_slice %arg2[%add3A_25] : memref<327680xi32, #tpu.memory_space<hbm>> -> memref<512xi32, #tpu.memory_space<hbm>>
        tpu.wait_dma2 semaphore(%run_scoped3A : memref<!tpu.dma_semaphore, #tpu.memory_space<semaphore_mem>>) src(%dma_wait3A_27 : memref<512xi32, #tpu.memory_space<hbm>>) dst(%arg5 : memref<512xi32, #tpu.memory_space<vmem>>)
        tpu.yield
      }) : () -> ()
      "tpu.region"() ({
        %run_scoped3A = tpu.sem_alloc : memref<!tpu.dma_semaphore, #tpu.memory_space<semaphore_mem>>
        %dma_start3A = arith.constant 0 : i32
        %dma_start3A_26 = tpu.memref_slice %arg7[%dma_start3A] : memref<10112xf32, #tpu.memory_space<vmem_shared>> -> memref<10112xf32, #tpu.memory_space<vmem_shared>>
        tpu.enqueue_indirect_dma source(%arg6 : memref<512xf32, #tpu.memory_space<vmem>>) target(%dma_start3A_26 : memref<10112xf32, #tpu.memory_space<vmem_shared>>) offsets(%arg5 : memref<512xi32, #tpu.memory_space<vmem>>) semaphore(%run_scoped3A : memref<!tpu.dma_semaphore, #tpu.memory_space<semaphore_mem>>) {add = true}
        %dma_wait3A = arith.constant 0 : i32
        %dma_wait3A_27 = tpu.memref_slice %arg7[%dma_wait3A] : memref<10112xf32, #tpu.memory_space<vmem_shared>> -> memref<10112xf32, #tpu.memory_space<vmem_shared>>
        tpu.wait_indirect_dma semaphore(%run_scoped3A : memref<!tpu.dma_semaphore, #tpu.memory_space<semaphore_mem>>) src(%arg6 : memref<512xf32, #tpu.memory_space<vmem>>) dst(%dma_wait3A_27 : memref<10112xf32, #tpu.memory_space<vmem_shared>>)
        tpu.yield
      }) : () -> ()
    }
    %scan3A_15 = arith.constant 20 : i32
    %barrier3A_16 = arith.constant 0 : index
    tpu.barrier barrier_id(%barrier3A_16)
    %eq3A_17 = arith.constant 0 : i32
    %eq3A_18 = arith.cmpi eq, %arg1, %eq3A_17 : i32
    %convert_element_type3A_19 = arith.extui %eq3A_18 : i1 to i32
    %cond3A_20 = arith.constant 0 : i32
    %cond3A_21 = arith.cmpi ne, %convert_element_type3A_19, %cond3A_20 : i32
    scf.if %cond3A_21 {
      "tpu.region"() ({
        %run_scoped3A = tpu.sem_alloc : memref<!tpu.dma_semaphore, #tpu.memory_space<semaphore_mem>>
        %dma_start3A = arith.constant 0 : i32
        %dma_start3A_22 = tpu.memref_slice %arg4[%arg0, %dma_start3A] : memref<2x10112xf32, #tpu.memory_space<hbm>> -> memref<1x10112xf32, #tpu.memory_space<hbm>>
        %dma_start3A_23 = tpu.memref_squeeze %dma_start3A_22 : memref<1x10112xf32, #tpu.memory_space<hbm>> -> memref<10112xf32, #tpu.memory_space<hbm>>
        tpu.enqueue_dma source(%arg7 : memref<10112xf32, #tpu.memory_space<vmem_shared>>) target(%dma_start3A_23 : memref<10112xf32, #tpu.memory_space<hbm>>) target_semaphore(%run_scoped3A : memref<!tpu.dma_semaphore, #tpu.memory_space<semaphore_mem>>)
        %dma_wait3A = arith.constant 0 : i32
        %dma_wait3A_24 = tpu.memref_slice %arg4[%arg0, %dma_wait3A] : memref<2x10112xf32, #tpu.memory_space<hbm>> -> memref<1x10112xf32, #tpu.memory_space<hbm>>
        %dma_wait3A_25 = tpu.memref_squeeze %dma_wait3A_24 : memref<1x10112xf32, #tpu.memory_space<hbm>> -> memref<10112xf32, #tpu.memory_space<hbm>>
        tpu.wait_dma2 semaphore(%run_scoped3A : memref<!tpu.dma_semaphore, #tpu.memory_space<semaphore_mem>>) src(%arg7 : memref<10112xf32, #tpu.memory_space<vmem_shared>>) dst(%dma_wait3A_25 : memref<10112xf32, #tpu.memory_space<hbm>>)
        tpu.yield
      }) : () -> ()
    } else {
    }
    return
  }
}

#map = affine_map<(d0, d1) -> (0, 0)>
#map1 = affine_map<(d0, d1) -> (0)>
#map2 = affine_map<(d0, d1) -> (0, 0, 0)>
module attributes {stable_mosaic.version = 14 : i64} {
  func.func @_prop_kernel(%arg0: i32, %arg1: i32, %arg2: memref<10112x128xf32, #tpu.memory_space<hbm>>, %arg3: memref<327680xi32, #tpu.memory_space<hbm>>, %arg4: memref<327680xi32, #tpu.memory_space<hbm>>, %arg5: memref<10112x128xf32, #tpu.memory_space<hbm>>, %arg6: memref<2x10112x128xf32, #tpu.memory_space<hbm>>, %arg7: memref<128xi32, #tpu.memory_space<vmem>>, %arg8: memref<128xi32, #tpu.memory_space<vmem>>, %arg9: memref<128xi32, #tpu.memory_space<vmem>>, %arg10: memref<128xi32, #tpu.memory_space<vmem>>, %arg11: memref<128xi32, #tpu.memory_space<vmem>>, %arg12: memref<128xi32, #tpu.memory_space<vmem>>, %arg13: memref<128x128xf32, #tpu.memory_space<vmem>>, %arg14: memref<128x128xf32, #tpu.memory_space<vmem>>, %arg15: memref<128x128xf32, #tpu.memory_space<vmem>>, %arg16: memref<10112x128xf32, #tpu.memory_space<vmem_shared>>, %arg17: memref<!tpu.dma_semaphore, #tpu.memory_space<semaphore_mem>>, %arg18: memref<!tpu.dma_semaphore, #tpu.memory_space<semaphore_mem>>, %arg19: memref<!tpu.dma_semaphore, #tpu.memory_space<semaphore_mem>>, %arg20: memref<!tpu.dma_semaphore, #tpu.memory_space<semaphore_mem>>, %arg21: memref<!tpu.dma_semaphore, #tpu.memory_space<semaphore_mem>>, %arg22: memref<!tpu.dma_semaphore, #tpu.memory_space<semaphore_mem>>, %arg23: memref<!tpu.dma_semaphore, #tpu.memory_space<semaphore_mem>>, %arg24: memref<!tpu.dma_semaphore, #tpu.memory_space<semaphore_mem>>, %arg25: memref<!tpu.dma_semaphore, #tpu.memory_space<semaphore_mem>>, %arg26: memref<!tpu.dma_semaphore, #tpu.memory_space<semaphore_mem>>, %arg27: memref<!tpu.dma_semaphore, #tpu.memory_space<semaphore_mem>>, %arg28: memref<!tpu.dma_semaphore, #tpu.memory_space<semaphore_mem>>, %arg29: memref<!tpu.dma_semaphore, #tpu.memory_space<semaphore_mem>>) attributes {dimension_semantics = [#tpu.dimension_semantics<core_parallel>, #tpu.dimension_semantics<subcore_parallel>], iteration_bounds = array<i64: 2, 16>, scalar_prefetch = 0 : i64, scratch_operands = 23 : i64, tpu.core_type = #tpu.core_type<sc_vector_subcore>, window_params = [{transform_indices = #map}, {transform_indices = #map1}, {transform_indices = #map1}, {transform_indices = #map}, {transform_indices = #map2}]} {
    %mul3A = arith.constant 632 : i32
    %mul3A_0 = arith.muli %arg1, %mul3A : i32
    %mul3A_1 = arith.constant 632 : i32
    %mul3A_2 = arith.muli %arg1, %mul3A_1 : i32
    %dma_start3A = arith.constant 0 : i32
    %dma_start3A_3 = tpu.memref_slice %arg16[%mul3A_2, %dma_start3A] : memref<10112x128xf32, #tpu.memory_space<vmem_shared>> -> memref<632x128xf32, #tpu.memory_space<vmem_shared>>
    %dma_start3A_4 = arith.constant 0 : i32
    %dma_start3A_5 = tpu.memref_slice %arg5[%mul3A_0, %dma_start3A_4] : memref<10112x128xf32, #tpu.memory_space<hbm>> -> memref<632x128xf32, #tpu.memory_space<hbm>>
    tpu.enqueue_dma source(%dma_start3A_5 : memref<632x128xf32, #tpu.memory_space<hbm>>) target(%dma_start3A_3 : memref<632x128xf32, #tpu.memory_space<vmem_shared>>) target_semaphore(%arg29 : memref<!tpu.dma_semaphore, #tpu.memory_space<semaphore_mem>>)
    %mul3A_6 = arith.constant 16 : i32
    %mul3A_7 = arith.muli %arg0, %mul3A_6 : i32
    %add3A = arith.addi %mul3A_7, %arg1 : i32
    %mul3A_8 = arith.constant 10240 : i32
    %mul3A_9 = arith.muli %add3A, %mul3A_8 : i32
    %add3A_10 = arith.constant 0 : i32
    %add3A_11 = arith.addi %mul3A_9, %add3A_10 : i32
    %dma_start3A_12 = tpu.memref_slice %arg3[%add3A_11] : memref<327680xi32, #tpu.memory_space<hbm>> -> memref<128xi32, #tpu.memory_space<hbm>>
    %dma_start3A_13 = tpu.memref_slice %arg3[%add3A_11] : memref<327680xi32, #tpu.memory_space<hbm>> -> memref<128xi32, #tpu.memory_space<hbm>>
    tpu.enqueue_dma source(%dma_start3A_13 : memref<128xi32, #tpu.memory_space<hbm>>) target(%arg7 : memref<128xi32, #tpu.memory_space<vmem>>) target_semaphore(%arg17 : memref<!tpu.dma_semaphore, #tpu.memory_space<semaphore_mem>>)
    %add3A_14 = arith.constant 0 : i32
    %add3A_15 = arith.addi %mul3A_9, %add3A_14 : i32
    %dma_start3A_16 = tpu.memref_slice %arg4[%add3A_15] : memref<327680xi32, #tpu.memory_space<hbm>> -> memref<128xi32, #tpu.memory_space<hbm>>
    %dma_start3A_17 = tpu.memref_slice %arg4[%add3A_15] : memref<327680xi32, #tpu.memory_space<hbm>> -> memref<128xi32, #tpu.memory_space<hbm>>
    tpu.enqueue_dma source(%dma_start3A_17 : memref<128xi32, #tpu.memory_space<hbm>>) target(%arg10 : memref<128xi32, #tpu.memory_space<vmem>>) target_semaphore(%arg20 : memref<!tpu.dma_semaphore, #tpu.memory_space<semaphore_mem>>)
    %add3A_18 = arith.constant 128 : i32
    %add3A_19 = arith.addi %mul3A_9, %add3A_18 : i32
    %dma_start3A_20 = tpu.memref_slice %arg3[%add3A_19] : memref<327680xi32, #tpu.memory_space<hbm>> -> memref<128xi32, #tpu.memory_space<hbm>>
    %dma_start3A_21 = tpu.memref_slice %arg3[%add3A_19] : memref<327680xi32, #tpu.memory_space<hbm>> -> memref<128xi32, #tpu.memory_space<hbm>>
    tpu.enqueue_dma source(%dma_start3A_21 : memref<128xi32, #tpu.memory_space<hbm>>) target(%arg8 : memref<128xi32, #tpu.memory_space<vmem>>) target_semaphore(%arg18 : memref<!tpu.dma_semaphore, #tpu.memory_space<semaphore_mem>>)
    %add3A_22 = arith.constant 128 : i32
    %add3A_23 = arith.addi %mul3A_9, %add3A_22 : i32
    %dma_start3A_24 = tpu.memref_slice %arg4[%add3A_23] : memref<327680xi32, #tpu.memory_space<hbm>> -> memref<128xi32, #tpu.memory_space<hbm>>
    %dma_start3A_25 = tpu.memref_slice %arg4[%add3A_23] : memref<327680xi32, #tpu.memory_space<hbm>> -> memref<128xi32, #tpu.memory_space<hbm>>
    tpu.enqueue_dma source(%dma_start3A_25 : memref<128xi32, #tpu.memory_space<hbm>>) target(%arg11 : memref<128xi32, #tpu.memory_space<vmem>>) target_semaphore(%arg21 : memref<!tpu.dma_semaphore, #tpu.memory_space<semaphore_mem>>)
    %dma_wait3A = tpu.memref_slice %arg3[%mul3A_9] : memref<327680xi32, #tpu.memory_space<hbm>> -> memref<128xi32, #tpu.memory_space<hbm>>
    %dma_wait3A_26 = tpu.memref_slice %arg3[%mul3A_9] : memref<327680xi32, #tpu.memory_space<hbm>> -> memref<128xi32, #tpu.memory_space<hbm>>
    tpu.wait_dma2 semaphore(%arg17 : memref<!tpu.dma_semaphore, #tpu.memory_space<semaphore_mem>>) src(%dma_wait3A_26 : memref<128xi32, #tpu.memory_space<hbm>>) dst(%arg7 : memref<128xi32, #tpu.memory_space<vmem>>)
    %dma_wait3A_27 = tpu.memref_slice %arg3[%mul3A_9] : memref<327680xi32, #tpu.memory_space<hbm>> -> memref<128xi32, #tpu.memory_space<hbm>>
    %dma_wait3A_28 = tpu.memref_slice %arg3[%mul3A_9] : memref<327680xi32, #tpu.memory_space<hbm>> -> memref<128xi32, #tpu.memory_space<hbm>>
    tpu.wait_dma2 semaphore(%arg18 : memref<!tpu.dma_semaphore, #tpu.memory_space<semaphore_mem>>) src(%dma_wait3A_28 : memref<128xi32, #tpu.memory_space<hbm>>) dst(%arg8 : memref<128xi32, #tpu.memory_space<vmem>>)
    %dma_start3A_29 = arith.constant 0 : i32
    %dma_start3A_30 = arith.constant 0 : i32
    %dma_start3A_31 = tpu.memref_slice %arg2[%dma_start3A_29, %dma_start3A_30] : memref<10112x128xf32, #tpu.memory_space<hbm>> -> memref<10112x128xf32, #tpu.memory_space<hbm>>
    tpu.enqueue_indirect_dma source(%dma_start3A_31 : memref<10112x128xf32, #tpu.memory_space<hbm>>) target(%arg13 : memref<128x128xf32, #tpu.memory_space<vmem>>) offsets(%arg7 : memref<128xi32, #tpu.memory_space<vmem>>) semaphore(%arg23 : memref<!tpu.dma_semaphore, #tpu.memory_space<semaphore_mem>>)
    %dma_start3A_32 = arith.constant 0 : i32
    %dma_start3A_33 = arith.constant 0 : i32
    %dma_start3A_34 = tpu.memref_slice %arg2[%dma_start3A_32, %dma_start3A_33] : memref<10112x128xf32, #tpu.memory_space<hbm>> -> memref<10112x128xf32, #tpu.memory_space<hbm>>
    tpu.enqueue_indirect_dma source(%dma_start3A_34 : memref<10112x128xf32, #tpu.memory_space<hbm>>) target(%arg14 : memref<128x128xf32, #tpu.memory_space<vmem>>) offsets(%arg8 : memref<128xi32, #tpu.memory_space<vmem>>) semaphore(%arg24 : memref<!tpu.dma_semaphore, #tpu.memory_space<semaphore_mem>>)
    %add3A_35 = arith.constant 256 : i32
    %add3A_36 = arith.addi %mul3A_9, %add3A_35 : i32
    %dma_start3A_37 = tpu.memref_slice %arg3[%add3A_36] : memref<327680xi32, #tpu.memory_space<hbm>> -> memref<128xi32, #tpu.memory_space<hbm>>
    %dma_start3A_38 = tpu.memref_slice %arg3[%add3A_36] : memref<327680xi32, #tpu.memory_space<hbm>> -> memref<128xi32, #tpu.memory_space<hbm>>
    tpu.enqueue_dma source(%dma_start3A_38 : memref<128xi32, #tpu.memory_space<hbm>>) target(%arg9 : memref<128xi32, #tpu.memory_space<vmem>>) target_semaphore(%arg19 : memref<!tpu.dma_semaphore, #tpu.memory_space<semaphore_mem>>)
    %dma_wait3A_39 = arith.constant 0 : i32
    %dma_wait3A_40 = tpu.memref_slice %arg16[%mul3A_2, %dma_wait3A_39] : memref<10112x128xf32, #tpu.memory_space<vmem_shared>> -> memref<632x128xf32, #tpu.memory_space<vmem_shared>>
    %dma_wait3A_41 = arith.constant 0 : i32
    %dma_wait3A_42 = tpu.memref_slice %arg5[%mul3A_0, %dma_wait3A_41] : memref<10112x128xf32, #tpu.memory_space<hbm>> -> memref<632x128xf32, #tpu.memory_space<hbm>>
    tpu.wait_dma2 semaphore(%arg29 : memref<!tpu.dma_semaphore, #tpu.memory_space<semaphore_mem>>) src(%dma_wait3A_42 : memref<632x128xf32, #tpu.memory_space<hbm>>) dst(%dma_wait3A_40 : memref<632x128xf32, #tpu.memory_space<vmem_shared>>)
    %barrier3A = arith.constant 0 : index
    tpu.barrier barrier_id(%barrier3A)
    %scan3A = arith.constant 0 : i32
    %scan3A_43 = arith.constant 0 : i32
    %scan3A_44 = arith.constant 26 : i32
    %scan3A_45 = arith.addi %scan3A_43, %scan3A_44 : i32
    %scan3A_46 = arith.constant 1 : i32
    scf.for %scan3A_78 = %scan3A_43 to %scan3A_45 step %scan3A_46  : i32 {
      %mul3A_79 = arith.constant 3 : i32
      %mul3A_80 = arith.muli %mul3A_79, %scan3A_78 : i32
      %add3A_81 = arith.constant 0 : i32
      %add3A_82 = arith.addi %mul3A_80, %add3A_81 : i32
      %ge3A = arith.constant 1 : i32
      %ge3A_83 = arith.cmpi sge, %add3A_82, %ge3A : i32
      %convert_element_type3A = arith.extui %ge3A_83 : i1 to i32
      %cond3A = arith.constant 0 : i32
      %cond3A_84 = arith.cmpi ne, %convert_element_type3A, %cond3A : i32
      scf.if %cond3A_84 {
        %dma_wait3A_210 = arith.constant 0 : i32
        %dma_wait3A_211 = arith.constant 0 : i32
        %dma_wait3A_212 = tpu.memref_slice %arg16[%dma_wait3A_210, %dma_wait3A_211] : memref<10112x128xf32, #tpu.memory_space<vmem_shared>> -> memref<10112x128xf32, #tpu.memory_space<vmem_shared>>
        tpu.wait_indirect_dma semaphore(%arg28 : memref<!tpu.dma_semaphore, #tpu.memory_space<semaphore_mem>>) src(%arg15 : memref<128x128xf32, #tpu.memory_space<vmem>>) dst(%dma_wait3A_212 : memref<10112x128xf32, #tpu.memory_space<vmem_shared>>)
      } else {
      }
      %add3A_85 = arith.constant 2 : i32
      %add3A_86 = arith.addi %add3A_82, %add3A_85 : i32
      %lt3A = arith.constant 80 : i32
      %lt3A_87 = arith.cmpi slt, %add3A_86, %lt3A : i32
      %convert_element_type3A_88 = arith.extui %lt3A_87 : i1 to i32
      %cond3A_89 = arith.constant 0 : i32
      %cond3A_90 = arith.cmpi ne, %convert_element_type3A_88, %cond3A_89 : i32
      scf.if %cond3A_90 {
        %add3A_210 = arith.constant 2 : i32
        %add3A_211 = arith.addi %add3A_82, %add3A_210 : i32
        %mul3A_212 = arith.constant 128 : i32
        %mul3A_213 = arith.muli %add3A_211, %mul3A_212 : i32
        %add3A_214 = arith.addi %mul3A_9, %mul3A_213 : i32
        %dma_start3A_215 = tpu.memref_slice %arg4[%add3A_214] : memref<327680xi32, #tpu.memory_space<hbm>> -> memref<128xi32, #tpu.memory_space<hbm>>
        %dma_start3A_216 = tpu.memref_slice %arg4[%add3A_214] : memref<327680xi32, #tpu.memory_space<hbm>> -> memref<128xi32, #tpu.memory_space<hbm>>
        tpu.enqueue_dma source(%dma_start3A_216 : memref<128xi32, #tpu.memory_space<hbm>>) target(%arg12 : memref<128xi32, #tpu.memory_space<vmem>>) target_semaphore(%arg22 : memref<!tpu.dma_semaphore, #tpu.memory_space<semaphore_mem>>)
      } else {
      }
      %add3A_91 = arith.constant 2 : i32
      %add3A_92 = arith.addi %add3A_82, %add3A_91 : i32
      %lt3A_93 = arith.constant 80 : i32
      %lt3A_94 = arith.cmpi slt, %add3A_92, %lt3A_93 : i32
      %convert_element_type3A_95 = arith.extui %lt3A_94 : i1 to i32
      %cond3A_96 = arith.constant 0 : i32
      %cond3A_97 = arith.cmpi ne, %convert_element_type3A_95, %cond3A_96 : i32
      scf.if %cond3A_97 {
        %dma_wait3A_210 = tpu.memref_slice %arg3[%mul3A_9] : memref<327680xi32, #tpu.memory_space<hbm>> -> memref<128xi32, #tpu.memory_space<hbm>>
        %dma_wait3A_211 = tpu.memref_slice %arg3[%mul3A_9] : memref<327680xi32, #tpu.memory_space<hbm>> -> memref<128xi32, #tpu.memory_space<hbm>>
        tpu.wait_dma2 semaphore(%arg19 : memref<!tpu.dma_semaphore, #tpu.memory_space<semaphore_mem>>) src(%dma_wait3A_211 : memref<128xi32, #tpu.memory_space<hbm>>) dst(%arg9 : memref<128xi32, #tpu.memory_space<vmem>>)
      } else {
      }
      %add3A_98 = arith.constant 2 : i32
      %add3A_99 = arith.addi %add3A_82, %add3A_98 : i32
      %lt3A_100 = arith.constant 80 : i32
      %lt3A_101 = arith.cmpi slt, %add3A_99, %lt3A_100 : i32
      %convert_element_type3A_102 = arith.extui %lt3A_101 : i1 to i32
      %cond3A_103 = arith.constant 0 : i32
      %cond3A_104 = arith.cmpi ne, %convert_element_type3A_102, %cond3A_103 : i32
      scf.if %cond3A_104 {
        %add3A_210 = arith.constant 2 : i32
        %add3A_211 = arith.addi %add3A_82, %add3A_210 : i32
        %dma_start3A_212 = arith.constant 0 : i32
        %dma_start3A_213 = arith.constant 0 : i32
        %dma_start3A_214 = tpu.memref_slice %arg2[%dma_start3A_212, %dma_start3A_213] : memref<10112x128xf32, #tpu.memory_space<hbm>> -> memref<10112x128xf32, #tpu.memory_space<hbm>>
        tpu.enqueue_indirect_dma source(%dma_start3A_214 : memref<10112x128xf32, #tpu.memory_space<hbm>>) target(%arg15 : memref<128x128xf32, #tpu.memory_space<vmem>>) offsets(%arg9 : memref<128xi32, #tpu.memory_space<vmem>>) semaphore(%arg25 : memref<!tpu.dma_semaphore, #tpu.memory_space<semaphore_mem>>)
      } else {
      }
      %dma_wait3A_105 = arith.constant 0 : i32
      %dma_wait3A_106 = arith.constant 0 : i32
      %dma_wait3A_107 = tpu.memref_slice %arg2[%dma_wait3A_105, %dma_wait3A_106] : memref<10112x128xf32, #tpu.memory_space<hbm>> -> memref<10112x128xf32, #tpu.memory_space<hbm>>
      tpu.wait_indirect_dma semaphore(%arg23 : memref<!tpu.dma_semaphore, #tpu.memory_space<semaphore_mem>>) src(%dma_wait3A_107 : memref<10112x128xf32, #tpu.memory_space<hbm>>) dst(%arg13 : memref<128x128xf32, #tpu.memory_space<vmem>>)
      %add3A_108 = arith.constant 3 : i32
      %add3A_109 = arith.addi %add3A_82, %add3A_108 : i32
      %lt3A_110 = arith.constant 80 : i32
      %lt3A_111 = arith.cmpi slt, %add3A_109, %lt3A_110 : i32
      %convert_element_type3A_112 = arith.extui %lt3A_111 : i1 to i32
      %cond3A_113 = arith.constant 0 : i32
      %cond3A_114 = arith.cmpi ne, %convert_element_type3A_112, %cond3A_113 : i32
      scf.if %cond3A_114 {
        %add3A_210 = arith.constant 3 : i32
        %add3A_211 = arith.addi %add3A_82, %add3A_210 : i32
        %mul3A_212 = arith.constant 128 : i32
        %mul3A_213 = arith.muli %add3A_211, %mul3A_212 : i32
        %add3A_214 = arith.addi %mul3A_9, %mul3A_213 : i32
        %dma_start3A_215 = tpu.memref_slice %arg3[%add3A_214] : memref<327680xi32, #tpu.memory_space<hbm>> -> memref<128xi32, #tpu.memory_space<hbm>>
        %dma_start3A_216 = tpu.memref_slice %arg3[%add3A_214] : memref<327680xi32, #tpu.memory_space<hbm>> -> memref<128xi32, #tpu.memory_space<hbm>>
        tpu.enqueue_dma source(%dma_start3A_216 : memref<128xi32, #tpu.memory_space<hbm>>) target(%arg7 : memref<128xi32, #tpu.memory_space<vmem>>) target_semaphore(%arg17 : memref<!tpu.dma_semaphore, #tpu.memory_space<semaphore_mem>>)
      } else {
      }
      %dma_wait3A_115 = tpu.memref_slice %arg4[%mul3A_9] : memref<327680xi32, #tpu.memory_space<hbm>> -> memref<128xi32, #tpu.memory_space<hbm>>
      %dma_wait3A_116 = tpu.memref_slice %arg4[%mul3A_9] : memref<327680xi32, #tpu.memory_space<hbm>> -> memref<128xi32, #tpu.memory_space<hbm>>
      tpu.wait_dma2 semaphore(%arg20 : memref<!tpu.dma_semaphore, #tpu.memory_space<semaphore_mem>>) src(%dma_wait3A_116 : memref<128xi32, #tpu.memory_space<hbm>>) dst(%arg10 : memref<128xi32, #tpu.memory_space<vmem>>)
      %dma_start3A_117 = arith.constant 0 : i32
      %dma_start3A_118 = arith.constant 0 : i32
      %dma_start3A_119 = tpu.memref_slice %arg16[%dma_start3A_117, %dma_start3A_118] : memref<10112x128xf32, #tpu.memory_space<vmem_shared>> -> memref<10112x128xf32, #tpu.memory_space<vmem_shared>>
      tpu.enqueue_indirect_dma source(%arg13 : memref<128x128xf32, #tpu.memory_space<vmem>>) target(%dma_start3A_119 : memref<10112x128xf32, #tpu.memory_space<vmem_shared>>) offsets(%arg10 : memref<128xi32, #tpu.memory_space<vmem>>) semaphore(%arg26 : memref<!tpu.dma_semaphore, #tpu.memory_space<semaphore_mem>>) {add = true}
      %mul3A_120 = arith.constant 3 : i32
      %mul3A_121 = arith.muli %mul3A_120, %scan3A_78 : i32
      %add3A_122 = arith.constant 1 : i32
      %add3A_123 = arith.addi %mul3A_121, %add3A_122 : i32
      %ge3A_124 = arith.constant 1 : i32
      %ge3A_125 = arith.cmpi sge, %add3A_123, %ge3A_124 : i32
      %convert_element_type3A_126 = arith.extui %ge3A_125 : i1 to i32
      %cond3A_127 = arith.constant 0 : i32
      %cond3A_128 = arith.cmpi ne, %convert_element_type3A_126, %cond3A_127 : i32
      scf.if %cond3A_128 {
        %dma_wait3A_210 = arith.constant 0 : i32
        %dma_wait3A_211 = arith.constant 0 : i32
        %dma_wait3A_212 = tpu.memref_slice %arg16[%dma_wait3A_210, %dma_wait3A_211] : memref<10112x128xf32, #tpu.memory_space<vmem_shared>> -> memref<10112x128xf32, #tpu.memory_space<vmem_shared>>
        tpu.wait_indirect_dma semaphore(%arg26 : memref<!tpu.dma_semaphore, #tpu.memory_space<semaphore_mem>>) src(%arg13 : memref<128x128xf32, #tpu.memory_space<vmem>>) dst(%dma_wait3A_212 : memref<10112x128xf32, #tpu.memory_space<vmem_shared>>)
      } else {
      }
      %add3A_129 = arith.constant 2 : i32
      %add3A_130 = arith.addi %add3A_123, %add3A_129 : i32
      %lt3A_131 = arith.constant 80 : i32
      %lt3A_132 = arith.cmpi slt, %add3A_130, %lt3A_131 : i32
      %convert_element_type3A_133 = arith.extui %lt3A_132 : i1 to i32
      %cond3A_134 = arith.constant 0 : i32
      %cond3A_135 = arith.cmpi ne, %convert_element_type3A_133, %cond3A_134 : i32
      scf.if %cond3A_135 {
        %add3A_210 = arith.constant 2 : i32
        %add3A_211 = arith.addi %add3A_123, %add3A_210 : i32
        %mul3A_212 = arith.constant 128 : i32
        %mul3A_213 = arith.muli %add3A_211, %mul3A_212 : i32
        %add3A_214 = arith.addi %mul3A_9, %mul3A_213 : i32
        %dma_start3A_215 = tpu.memref_slice %arg4[%add3A_214] : memref<327680xi32, #tpu.memory_space<hbm>> -> memref<128xi32, #tpu.memory_space<hbm>>
        %dma_start3A_216 = tpu.memref_slice %arg4[%add3A_214] : memref<327680xi32, #tpu.memory_space<hbm>> -> memref<128xi32, #tpu.memory_space<hbm>>
        tpu.enqueue_dma source(%dma_start3A_216 : memref<128xi32, #tpu.memory_space<hbm>>) target(%arg10 : memref<128xi32, #tpu.memory_space<vmem>>) target_semaphore(%arg20 : memref<!tpu.dma_semaphore, #tpu.memory_space<semaphore_mem>>)
      } else {
      }
      %add3A_136 = arith.constant 2 : i32
      %add3A_137 = arith.addi %add3A_123, %add3A_136 : i32
      %lt3A_138 = arith.constant 80 : i32
      %lt3A_139 = arith.cmpi slt, %add3A_137, %lt3A_138 : i32
      %convert_element_type3A_140 = arith.extui %lt3A_139 : i1 to i32
      %cond3A_141 = arith.constant 0 : i32
      %cond3A_142 = arith.cmpi ne, %convert_element_type3A_140, %cond3A_141 : i32
      scf.if %cond3A_142 {
        %dma_wait3A_210 = tpu.memref_slice %arg3[%mul3A_9] : memref<327680xi32, #tpu.memory_space<hbm>> -> memref<128xi32, #tpu.memory_space<hbm>>
        %dma_wait3A_211 = tpu.memref_slice %arg3[%mul3A_9] : memref<327680xi32, #tpu.memory_space<hbm>> -> memref<128xi32, #tpu.memory_space<hbm>>
        tpu.wait_dma2 semaphore(%arg17 : memref<!tpu.dma_semaphore, #tpu.memory_space<semaphore_mem>>) src(%dma_wait3A_211 : memref<128xi32, #tpu.memory_space<hbm>>) dst(%arg7 : memref<128xi32, #tpu.memory_space<vmem>>)
      } else {
      }
      %add3A_143 = arith.constant 2 : i32
      %add3A_144 = arith.addi %add3A_123, %add3A_143 : i32
      %lt3A_145 = arith.constant 80 : i32
      %lt3A_146 = arith.cmpi slt, %add3A_144, %lt3A_145 : i32
      %convert_element_type3A_147 = arith.extui %lt3A_146 : i1 to i32
      %cond3A_148 = arith.constant 0 : i32
      %cond3A_149 = arith.cmpi ne, %convert_element_type3A_147, %cond3A_148 : i32
      scf.if %cond3A_149 {
        %add3A_210 = arith.constant 2 : i32
        %add3A_211 = arith.addi %add3A_123, %add3A_210 : i32
        %dma_start3A_212 = arith.constant 0 : i32
        %dma_start3A_213 = arith.constant 0 : i32
        %dma_start3A_214 = tpu.memref_slice %arg2[%dma_start3A_212, %dma_start3A_213] : memref<10112x128xf32, #tpu.memory_space<hbm>> -> memref<10112x128xf32, #tpu.memory_space<hbm>>
        tpu.enqueue_indirect_dma source(%dma_start3A_214 : memref<10112x128xf32, #tpu.memory_space<hbm>>) target(%arg13 : memref<128x128xf32, #tpu.memory_space<vmem>>) offsets(%arg7 : memref<128xi32, #tpu.memory_space<vmem>>) semaphore(%arg23 : memref<!tpu.dma_semaphore, #tpu.memory_space<semaphore_mem>>)
      } else {
      }
      %dma_wait3A_150 = arith.constant 0 : i32
      %dma_wait3A_151 = arith.constant 0 : i32
      %dma_wait3A_152 = tpu.memref_slice %arg2[%dma_wait3A_150, %dma_wait3A_151] : memref<10112x128xf32, #tpu.memory_space<hbm>> -> memref<10112x128xf32, #tpu.memory_space<hbm>>
      tpu.wait_indirect_dma semaphore(%arg24 : memref<!tpu.dma_semaphore, #tpu.memory_space<semaphore_mem>>) src(%dma_wait3A_152 : memref<10112x128xf32, #tpu.memory_space<hbm>>) dst(%arg14 : memref<128x128xf32, #tpu.memory_space<vmem>>)
      %add3A_153 = arith.constant 3 : i32
      %add3A_154 = arith.addi %add3A_123, %add3A_153 : i32
      %lt3A_155 = arith.constant 80 : i32
      %lt3A_156 = arith.cmpi slt, %add3A_154, %lt3A_155 : i32
      %convert_element_type3A_157 = arith.extui %lt3A_156 : i1 to i32
      %cond3A_158 = arith.constant 0 : i32
      %cond3A_159 = arith.cmpi ne, %convert_element_type3A_157, %cond3A_158 : i32
      scf.if %cond3A_159 {
        %add3A_210 = arith.constant 3 : i32
        %add3A_211 = arith.addi %add3A_123, %add3A_210 : i32
        %mul3A_212 = arith.constant 128 : i32
        %mul3A_213 = arith.muli %add3A_211, %mul3A_212 : i32
        %add3A_214 = arith.addi %mul3A_9, %mul3A_213 : i32
        %dma_start3A_215 = tpu.memref_slice %arg3[%add3A_214] : memref<327680xi32, #tpu.memory_space<hbm>> -> memref<128xi32, #tpu.memory_space<hbm>>
        %dma_start3A_216 = tpu.memref_slice %arg3[%add3A_214] : memref<327680xi32, #tpu.memory_space<hbm>> -> memref<128xi32, #tpu.memory_space<hbm>>
        tpu.enqueue_dma source(%dma_start3A_216 : memref<128xi32, #tpu.memory_space<hbm>>) target(%arg8 : memref<128xi32, #tpu.memory_space<vmem>>) target_semaphore(%arg18 : memref<!tpu.dma_semaphore, #tpu.memory_space<semaphore_mem>>)
      } else {
      }
      %dma_wait3A_160 = tpu.memref_slice %arg4[%mul3A_9] : memref<327680xi32, #tpu.memory_space<hbm>> -> memref<128xi32, #tpu.memory_space<hbm>>
      %dma_wait3A_161 = tpu.memref_slice %arg4[%mul3A_9] : memref<327680xi32, #tpu.memory_space<hbm>> -> memref<128xi32, #tpu.memory_space<hbm>>
      tpu.wait_dma2 semaphore(%arg21 : memref<!tpu.dma_semaphore, #tpu.memory_space<semaphore_mem>>) src(%dma_wait3A_161 : memref<128xi32, #tpu.memory_space<hbm>>) dst(%arg11 : memref<128xi32, #tpu.memory_space<vmem>>)
      %dma_start3A_162 = arith.constant 0 : i32
      %dma_start3A_163 = arith.constant 0 : i32
      %dma_start3A_164 = tpu.memref_slice %arg16[%dma_start3A_162, %dma_start3A_163] : memref<10112x128xf32, #tpu.memory_space<vmem_shared>> -> memref<10112x128xf32, #tpu.memory_space<vmem_shared>>
      tpu.enqueue_indirect_dma source(%arg14 : memref<128x128xf32, #tpu.memory_space<vmem>>) target(%dma_start3A_164 : memref<10112x128xf32, #tpu.memory_space<vmem_shared>>) offsets(%arg11 : memref<128xi32, #tpu.memory_space<vmem>>) semaphore(%arg27 : memref<!tpu.dma_semaphore, #tpu.memory_space<semaphore_mem>>) {add = true}
      %mul3A_165 = arith.constant 3 : i32
      %mul3A_166 = arith.muli %mul3A_165, %scan3A_78 : i32
      %add3A_167 = arith.constant 2 : i32
      %add3A_168 = arith.addi %mul3A_166, %add3A_167 : i32
      %ge3A_169 = arith.constant 1 : i32
      %ge3A_170 = arith.cmpi sge, %add3A_168, %ge3A_169 : i32
      %convert_element_type3A_171 = arith.extui %ge3A_170 : i1 to i32
      %cond3A_172 = arith.constant 0 : i32
      %cond3A_173 = arith.cmpi ne, %convert_element_type3A_171, %cond3A_172 : i32
      scf.if %cond3A_173 {
        %dma_wait3A_210 = arith.constant 0 : i32
        %dma_wait3A_211 = arith.constant 0 : i32
        %dma_wait3A_212 = tpu.memref_slice %arg16[%dma_wait3A_210, %dma_wait3A_211] : memref<10112x128xf32, #tpu.memory_space<vmem_shared>> -> memref<10112x128xf32, #tpu.memory_space<vmem_shared>>
        tpu.wait_indirect_dma semaphore(%arg27 : memref<!tpu.dma_semaphore, #tpu.memory_space<semaphore_mem>>) src(%arg14 : memref<128x128xf32, #tpu.memory_space<vmem>>) dst(%dma_wait3A_212 : memref<10112x128xf32, #tpu.memory_space<vmem_shared>>)
      } else {
      }
      %add3A_174 = arith.constant 2 : i32
      %add3A_175 = arith.addi %add3A_168, %add3A_174 : i32
      %lt3A_176 = arith.constant 80 : i32
      %lt3A_177 = arith.cmpi slt, %add3A_175, %lt3A_176 : i32
      %convert_element_type3A_178 = arith.extui %lt3A_177 : i1 to i32
      %cond3A_179 = arith.constant 0 : i32
      %cond3A_180 = arith.cmpi ne, %convert_element_type3A_178, %cond3A_179 : i32
      scf.if %cond3A_180 {
        %add3A_210 = arith.constant 2 : i32
        %add3A_211 = arith.addi %add3A_168, %add3A_210 : i32
        %mul3A_212 = arith.constant 128 : i32
        %mul3A_213 = arith.muli %add3A_211, %mul3A_212 : i32
        %add3A_214 = arith.addi %mul3A_9, %mul3A_213 : i32
        %dma_start3A_215 = tpu.memref_slice %arg4[%add3A_214] : memref<327680xi32, #tpu.memory_space<hbm>> -> memref<128xi32, #tpu.memory_space<hbm>>
        %dma_start3A_216 = tpu.memref_slice %arg4[%add3A_214] : memref<327680xi32, #tpu.memory_space<hbm>> -> memref<128xi32, #tpu.memory_space<hbm>>
        tpu.enqueue_dma source(%dma_start3A_216 : memref<128xi32, #tpu.memory_space<hbm>>) target(%arg11 : memref<128xi32, #tpu.memory_space<vmem>>) target_semaphore(%arg21 : memref<!tpu.dma_semaphore, #tpu.memory_space<semaphore_mem>>)
      } else {
      }
      %add3A_181 = arith.constant 2 : i32
      %add3A_182 = arith.addi %add3A_168, %add3A_181 : i32
      %lt3A_183 = arith.constant 80 : i32
      %lt3A_184 = arith.cmpi slt, %add3A_182, %lt3A_183 : i32
      %convert_element_type3A_185 = arith.extui %lt3A_184 : i1 to i32
      %cond3A_186 = arith.constant 0 : i32
      %cond3A_187 = arith.cmpi ne, %convert_element_type3A_185, %cond3A_186 : i32
      scf.if %cond3A_187 {
        %dma_wait3A_210 = tpu.memref_slice %arg3[%mul3A_9] : memref<327680xi32, #tpu.memory_space<hbm>> -> memref<128xi32, #tpu.memory_space<hbm>>
        %dma_wait3A_211 = tpu.memref_slice %arg3[%mul3A_9] : memref<327680xi32, #tpu.memory_space<hbm>> -> memref<128xi32, #tpu.memory_space<hbm>>
        tpu.wait_dma2 semaphore(%arg18 : memref<!tpu.dma_semaphore, #tpu.memory_space<semaphore_mem>>) src(%dma_wait3A_211 : memref<128xi32, #tpu.memory_space<hbm>>) dst(%arg8 : memref<128xi32, #tpu.memory_space<vmem>>)
      } else {
      }
      %add3A_188 = arith.constant 2 : i32
      %add3A_189 = arith.addi %add3A_168, %add3A_188 : i32
      %lt3A_190 = arith.constant 80 : i32
      %lt3A_191 = arith.cmpi slt, %add3A_189, %lt3A_190 : i32
      %convert_element_type3A_192 = arith.extui %lt3A_191 : i1 to i32
      %cond3A_193 = arith.constant 0 : i32
      %cond3A_194 = arith.cmpi ne, %convert_element_type3A_192, %cond3A_193 : i32
      scf.if %cond3A_194 {
        %add3A_210 = arith.constant 2 : i32
        %add3A_211 = arith.addi %add3A_168, %add3A_210 : i32
        %dma_start3A_212 = arith.constant 0 : i32
        %dma_start3A_213 = arith.constant 0 : i32
        %dma_start3A_214 = tpu.memref_slice %arg2[%dma_start3A_212, %dma_start3A_213] : memref<10112x128xf32, #tpu.memory_space<hbm>> -> memref<10112x128xf32, #tpu.memory_space<hbm>>
        tpu.enqueue_indirect_dma source(%dma_start3A_214 : memref<10112x128xf32, #tpu.memory_space<hbm>>) target(%arg14 : memref<128x128xf32, #tpu.memory_space<vmem>>) offsets(%arg8 : memref<128xi32, #tpu.memory_space<vmem>>) semaphore(%arg24 : memref<!tpu.dma_semaphore, #tpu.memory_space<semaphore_mem>>)
      } else {
      }
      %dma_wait3A_195 = arith.constant 0 : i32
      %dma_wait3A_196 = arith.constant 0 : i32
      %dma_wait3A_197 = tpu.memref_slice %arg2[%dma_wait3A_195, %dma_wait3A_196] : memref<10112x128xf32, #tpu.memory_space<hbm>> -> memref<10112x128xf32, #tpu.memory_space<hbm>>
      tpu.wait_indirect_dma semaphore(%arg25 : memref<!tpu.dma_semaphore, #tpu.memory_space<semaphore_mem>>) src(%dma_wait3A_197 : memref<10112x128xf32, #tpu.memory_space<hbm>>) dst(%arg15 : memref<128x128xf32, #tpu.memory_space<vmem>>)
      %add3A_198 = arith.constant 3 : i32
      %add3A_199 = arith.addi %add3A_168, %add3A_198 : i32
      %lt3A_200 = arith.constant 80 : i32
      %lt3A_201 = arith.cmpi slt, %add3A_199, %lt3A_200 : i32
      %convert_element_type3A_202 = arith.extui %lt3A_201 : i1 to i32
      %cond3A_203 = arith.constant 0 : i32
      %cond3A_204 = arith.cmpi ne, %convert_element_type3A_202, %cond3A_203 : i32
      scf.if %cond3A_204 {
        %add3A_210 = arith.constant 3 : i32
        %add3A_211 = arith.addi %add3A_168, %add3A_210 : i32
        %mul3A_212 = arith.constant 128 : i32
        %mul3A_213 = arith.muli %add3A_211, %mul3A_212 : i32
        %add3A_214 = arith.addi %mul3A_9, %mul3A_213 : i32
        %dma_start3A_215 = tpu.memref_slice %arg3[%add3A_214] : memref<327680xi32, #tpu.memory_space<hbm>> -> memref<128xi32, #tpu.memory_space<hbm>>
        %dma_start3A_216 = tpu.memref_slice %arg3[%add3A_214] : memref<327680xi32, #tpu.memory_space<hbm>> -> memref<128xi32, #tpu.memory_space<hbm>>
        tpu.enqueue_dma source(%dma_start3A_216 : memref<128xi32, #tpu.memory_space<hbm>>) target(%arg9 : memref<128xi32, #tpu.memory_space<vmem>>) target_semaphore(%arg19 : memref<!tpu.dma_semaphore, #tpu.memory_space<semaphore_mem>>)
      } else {
      }
      %dma_wait3A_205 = tpu.memref_slice %arg4[%mul3A_9] : memref<327680xi32, #tpu.memory_space<hbm>> -> memref<128xi32, #tpu.memory_space<hbm>>
      %dma_wait3A_206 = tpu.memref_slice %arg4[%mul3A_9] : memref<327680xi32, #tpu.memory_space<hbm>> -> memref<128xi32, #tpu.memory_space<hbm>>
      tpu.wait_dma2 semaphore(%arg22 : memref<!tpu.dma_semaphore, #tpu.memory_space<semaphore_mem>>) src(%dma_wait3A_206 : memref<128xi32, #tpu.memory_space<hbm>>) dst(%arg12 : memref<128xi32, #tpu.memory_space<vmem>>)
      %dma_start3A_207 = arith.constant 0 : i32
      %dma_start3A_208 = arith.constant 0 : i32
      %dma_start3A_209 = tpu.memref_slice %arg16[%dma_start3A_207, %dma_start3A_208] : memref<10112x128xf32, #tpu.memory_space<vmem_shared>> -> memref<10112x128xf32, #tpu.memory_space<vmem_shared>>
      tpu.enqueue_indirect_dma source(%arg15 : memref<128x128xf32, #tpu.memory_space<vmem>>) target(%dma_start3A_209 : memref<10112x128xf32, #tpu.memory_space<vmem_shared>>) offsets(%arg12 : memref<128xi32, #tpu.memory_space<vmem>>) semaphore(%arg28 : memref<!tpu.dma_semaphore, #tpu.memory_space<semaphore_mem>>) {add = true}
    }
    %scan3A_47 = arith.constant 26 : i32
    %dma_wait3A_48 = arith.constant 0 : i32
    %dma_wait3A_49 = arith.constant 0 : i32
    %dma_wait3A_50 = tpu.memref_slice %arg16[%dma_wait3A_48, %dma_wait3A_49] : memref<10112x128xf32, #tpu.memory_space<vmem_shared>> -> memref<10112x128xf32, #tpu.memory_space<vmem_shared>>
    tpu.wait_indirect_dma semaphore(%arg28 : memref<!tpu.dma_semaphore, #tpu.memory_space<semaphore_mem>>) src(%arg15 : memref<128x128xf32, #tpu.memory_space<vmem>>) dst(%dma_wait3A_50 : memref<10112x128xf32, #tpu.memory_space<vmem_shared>>)
    %dma_wait3A_51 = arith.constant 0 : i32
    %dma_wait3A_52 = arith.constant 0 : i32
    %dma_wait3A_53 = tpu.memref_slice %arg2[%dma_wait3A_51, %dma_wait3A_52] : memref<10112x128xf32, #tpu.memory_space<hbm>> -> memref<10112x128xf32, #tpu.memory_space<hbm>>
    tpu.wait_indirect_dma semaphore(%arg23 : memref<!tpu.dma_semaphore, #tpu.memory_space<semaphore_mem>>) src(%dma_wait3A_53 : memref<10112x128xf32, #tpu.memory_space<hbm>>) dst(%arg13 : memref<128x128xf32, #tpu.memory_space<vmem>>)
    %dma_wait3A_54 = tpu.memref_slice %arg4[%mul3A_9] : memref<327680xi32, #tpu.memory_space<hbm>> -> memref<128xi32, #tpu.memory_space<hbm>>
    %dma_wait3A_55 = tpu.memref_slice %arg4[%mul3A_9] : memref<327680xi32, #tpu.memory_space<hbm>> -> memref<128xi32, #tpu.memory_space<hbm>>
    tpu.wait_dma2 semaphore(%arg20 : memref<!tpu.dma_semaphore, #tpu.memory_space<semaphore_mem>>) src(%dma_wait3A_55 : memref<128xi32, #tpu.memory_space<hbm>>) dst(%arg10 : memref<128xi32, #tpu.memory_space<vmem>>)
    %dma_start3A_56 = arith.constant 0 : i32
    %dma_start3A_57 = arith.constant 0 : i32
    %dma_start3A_58 = tpu.memref_slice %arg16[%dma_start3A_56, %dma_start3A_57] : memref<10112x128xf32, #tpu.memory_space<vmem_shared>> -> memref<10112x128xf32, #tpu.memory_space<vmem_shared>>
    tpu.enqueue_indirect_dma source(%arg13 : memref<128x128xf32, #tpu.memory_space<vmem>>) target(%dma_start3A_58 : memref<10112x128xf32, #tpu.memory_space<vmem_shared>>) offsets(%arg10 : memref<128xi32, #tpu.memory_space<vmem>>) semaphore(%arg26 : memref<!tpu.dma_semaphore, #tpu.memory_space<semaphore_mem>>) {add = true}
    %dma_wait3A_59 = arith.constant 0 : i32
    %dma_wait3A_60 = arith.constant 0 : i32
    %dma_wait3A_61 = tpu.memref_slice %arg16[%dma_wait3A_59, %dma_wait3A_60] : memref<10112x128xf32, #tpu.memory_space<vmem_shared>> -> memref<10112x128xf32, #tpu.memory_space<vmem_shared>>
    tpu.wait_indirect_dma semaphore(%arg26 : memref<!tpu.dma_semaphore, #tpu.memory_space<semaphore_mem>>) src(%arg13 : memref<128x128xf32, #tpu.memory_space<vmem>>) dst(%dma_wait3A_61 : memref<10112x128xf32, #tpu.memory_space<vmem_shared>>)
    %dma_wait3A_62 = arith.constant 0 : i32
    %dma_wait3A_63 = arith.constant 0 : i32
    %dma_wait3A_64 = tpu.memref_slice %arg2[%dma_wait3A_62, %dma_wait3A_63] : memref<10112x128xf32, #tpu.memory_space<hbm>> -> memref<10112x128xf32, #tpu.memory_space<hbm>>
    tpu.wait_indirect_dma semaphore(%arg24 : memref<!tpu.dma_semaphore, #tpu.memory_space<semaphore_mem>>) src(%dma_wait3A_64 : memref<10112x128xf32, #tpu.memory_space<hbm>>) dst(%arg14 : memref<128x128xf32, #tpu.memory_space<vmem>>)
    %dma_wait3A_65 = tpu.memref_slice %arg4[%mul3A_9] : memref<327680xi32, #tpu.memory_space<hbm>> -> memref<128xi32, #tpu.memory_space<hbm>>
    %dma_wait3A_66 = tpu.memref_slice %arg4[%mul3A_9] : memref<327680xi32, #tpu.memory_space<hbm>> -> memref<128xi32, #tpu.memory_space<hbm>>
    tpu.wait_dma2 semaphore(%arg21 : memref<!tpu.dma_semaphore, #tpu.memory_space<semaphore_mem>>) src(%dma_wait3A_66 : memref<128xi32, #tpu.memory_space<hbm>>) dst(%arg11 : memref<128xi32, #tpu.memory_space<vmem>>)
    %dma_start3A_67 = arith.constant 0 : i32
    %dma_start3A_68 = arith.constant 0 : i32
    %dma_start3A_69 = tpu.memref_slice %arg16[%dma_start3A_67, %dma_start3A_68] : memref<10112x128xf32, #tpu.memory_space<vmem_shared>> -> memref<10112x128xf32, #tpu.memory_space<vmem_shared>>
    tpu.enqueue_indirect_dma source(%arg14 : memref<128x128xf32, #tpu.memory_space<vmem>>) target(%dma_start3A_69 : memref<10112x128xf32, #tpu.memory_space<vmem_shared>>) offsets(%arg11 : memref<128xi32, #tpu.memory_space<vmem>>) semaphore(%arg27 : memref<!tpu.dma_semaphore, #tpu.memory_space<semaphore_mem>>) {add = true}
    %dma_wait3A_70 = arith.constant 0 : i32
    %dma_wait3A_71 = arith.constant 0 : i32
    %dma_wait3A_72 = tpu.memref_slice %arg16[%dma_wait3A_70, %dma_wait3A_71] : memref<10112x128xf32, #tpu.memory_space<vmem_shared>> -> memref<10112x128xf32, #tpu.memory_space<vmem_shared>>
    tpu.wait_indirect_dma semaphore(%arg27 : memref<!tpu.dma_semaphore, #tpu.memory_space<semaphore_mem>>) src(%arg14 : memref<128x128xf32, #tpu.memory_space<vmem>>) dst(%dma_wait3A_72 : memref<10112x128xf32, #tpu.memory_space<vmem_shared>>)
    %barrier3A_73 = arith.constant 0 : index
    tpu.barrier barrier_id(%barrier3A_73)
    %mul3A_74 = arith.constant 632 : i32
    %mul3A_75 = arith.muli %arg1, %mul3A_74 : i32
    %mul3A_76 = arith.constant 632 : i32
    %mul3A_77 = arith.muli %arg1, %mul3A_76 : i32
    "tpu.region"() ({
      %run_scoped3A = tpu.sem_alloc : memref<!tpu.dma_semaphore, #tpu.memory_space<semaphore_mem>>
      %dma_start3A_78 = arith.constant 0 : i32
      %dma_start3A_79 = arith.constant 0 : i32
      %dma_start3A_80 = tpu.memref_slice %arg6[%arg0, %dma_start3A_78, %dma_start3A_79] : memref<2x10112x128xf32, #tpu.memory_space<hbm>> -> memref<1x10112x128xf32, #tpu.memory_space<hbm>>
      %dma_start3A_81 = tpu.memref_squeeze %dma_start3A_80 : memref<1x10112x128xf32, #tpu.memory_space<hbm>> -> memref<10112x128xf32, #tpu.memory_space<hbm>>
      %dma_start3A_82 = arith.constant 0 : i32
      %dma_start3A_83 = tpu.memref_slice %dma_start3A_81[%mul3A_77, %dma_start3A_82] : memref<10112x128xf32, #tpu.memory_space<hbm>> -> memref<632x128xf32, #tpu.memory_space<hbm>>
      %dma_start3A_84 = arith.constant 0 : i32
      %dma_start3A_85 = tpu.memref_slice %arg16[%mul3A_75, %dma_start3A_84] : memref<10112x128xf32, #tpu.memory_space<vmem_shared>> -> memref<632x128xf32, #tpu.memory_space<vmem_shared>>
      tpu.enqueue_dma source(%dma_start3A_85 : memref<632x128xf32, #tpu.memory_space<vmem_shared>>) target(%dma_start3A_83 : memref<632x128xf32, #tpu.memory_space<hbm>>) target_semaphore(%run_scoped3A : memref<!tpu.dma_semaphore, #tpu.memory_space<semaphore_mem>>)
      %dma_wait3A_86 = arith.constant 0 : i32
      %dma_wait3A_87 = arith.constant 0 : i32
      %dma_wait3A_88 = tpu.memref_slice %arg6[%arg0, %dma_wait3A_86, %dma_wait3A_87] : memref<2x10112x128xf32, #tpu.memory_space<hbm>> -> memref<1x10112x128xf32, #tpu.memory_space<hbm>>
      %dma_wait3A_89 = tpu.memref_squeeze %dma_wait3A_88 : memref<1x10112x128xf32, #tpu.memory_space<hbm>> -> memref<10112x128xf32, #tpu.memory_space<hbm>>
      %dma_wait3A_90 = arith.constant 0 : i32
      %dma_wait3A_91 = tpu.memref_slice %dma_wait3A_89[%mul3A_77, %dma_wait3A_90] : memref<10112x128xf32, #tpu.memory_space<hbm>> -> memref<632x128xf32, #tpu.memory_space<hbm>>
      %dma_wait3A_92 = arith.constant 0 : i32
      %dma_wait3A_93 = tpu.memref_slice %arg16[%mul3A_75, %dma_wait3A_92] : memref<10112x128xf32, #tpu.memory_space<vmem_shared>> -> memref<632x128xf32, #tpu.memory_space<vmem_shared>>
      tpu.wait_dma2 semaphore(%run_scoped3A : memref<!tpu.dma_semaphore, #tpu.memory_space<semaphore_mem>>) src(%dma_wait3A_93 : memref<632x128xf32, #tpu.memory_space<vmem_shared>>) dst(%dma_wait3A_91 : memref<632x128xf32, #tpu.memory_space<hbm>>)
      tpu.yield
    }) : () -> ()
    return
  }
}

module attributes {stable_mosaic.version = 14 : i64} {
  func.func @_tc1_body(%arg0: i32, %arg1: memref<2x1000x1xf32, #tpu.memory_space<vmem>>, %arg2: memref<1000x128xf32, #tpu.memory_space<vmem>>, %arg3: memref<128x128xf32, #tpu.memory_space<vmem>>, %arg4: memref<1000x128xf32, #tpu.memory_space<vmem>>, %arg5: memref<1000x1xf32, #tpu.memory_space<vmem>>) attributes {dimension_semantics = [#tpu.dimension_semantics<arbitrary>], iteration_bounds = array<i64: 10>, scalar_prefetch = 0 : i64, scratch_operands = 0 : i64, tpu.core_type = #tpu.core_type<tc>, window_params = [{transform_indices = @transform_0, window_bounds = array<i64: 2, 1000, 1>}, {transform_indices = @transform_1, window_bounds = array<i64: 1000, 128>}, {pipeline_mode = #tpu.pipeline_mode<synchronous>, transform_indices = @transform_2, window_bounds = array<i64: 128, 128>}, {transform_indices = @transform_3, window_bounds = array<i64: 1000, 128>}, {transform_indices = @transform_4, window_bounds = array<i64: 1000, 1>}]} {
    %get3A = arith.constant 0 : index
    %get3A_0 = arith.constant 0 : index
    %get3A_1 = arith.constant 0 : index
    %get3A_2 = vector.load %arg1[%get3A, %get3A_0, %get3A_1] : memref<2x1000x1xf32, #tpu.memory_space<vmem>>, vector<1x1000x1xf32>
    %get3A_3 = vector.shape_cast %get3A_2 : vector<1x1000x1xf32> to vector<1000x1xf32>
    %get3A_4 = arith.constant 1 : index
    %get3A_5 = arith.constant 0 : index
    %get3A_6 = arith.constant 0 : index
    %get3A_7 = vector.load %arg1[%get3A_4, %get3A_5, %get3A_6] : memref<2x1000x1xf32, #tpu.memory_space<vmem>>, vector<1x1000x1xf32>
    %get3A_8 = vector.shape_cast %get3A_7 : vector<1x1000x1xf32> to vector<1000x1xf32>
    %add3A = arith.addf %get3A_3, %get3A_8 : vector<1000x1xf32>
    %add3A_9 = arith.constant 1.000000e+00 : f32
    %add3A_10 = vector.broadcast %add3A_9 : f32 to vector<1000x1xf32>
    %add3A_11 = arith.addf %add3A, %add3A_10 : vector<1000x1xf32>
    %rsqrt3A = math.rsqrt %add3A_11 : vector<1000x1xf32>
    %swap3A = arith.constant 0 : index
    %swap3A_12 = arith.constant 0 : index
    %swap3A_13 = vector.load %arg5[%swap3A, %swap3A_12] : memref<1000x1xf32, #tpu.memory_space<vmem>>, vector<1000x1xf32>
    tpu.vector_store %arg5[%swap3A, %swap3A_12], %rsqrt3A {strides = array<i32>} : memref<1000x1xf32, #tpu.memory_space<vmem>>, vector<1000x1xf32>,
    %get3A_14 = arith.constant 0 : index
    %get3A_15 = arith.constant 0 : index
    %get3A_16 = vector.load %arg2[%get3A_14, %get3A_15] : memref<1000x128xf32, #tpu.memory_space<vmem>>, vector<1000x128xf32>
    %get3A_17 = arith.constant 0 : index
    %get3A_18 = arith.constant 0 : index
    %get3A_19 = vector.load %arg3[%get3A_17, %get3A_18] : memref<128x128xf32, #tpu.memory_space<vmem>>, vector<128x128xf32>
    %dot_general3A = arith.constant dense<0.000000e+00> : vector<1000x128xf32>
    %dot_general3A_20 = tpu.matmul %get3A_16, %get3A_19, %dot_general3A {dimension_numbers = #tpu.dot_dimension_numbers<[1], [0], [0], [1], [0, 0, 1, 1], [], []>, transpose_lhs_hint = false} : vector<1000x128xf32>, vector<128x128xf32>, vector<1000x128xf32> -> vector<1000x128xf32>
    %mul3A = vector.broadcast %rsqrt3A : vector<1000x1xf32> to vector<1000x128xf32>
    %mul3A_21 = arith.mulf %dot_general3A_20, %mul3A : vector<1000x128xf32>
    %swap3A_22 = arith.constant 0 : index
    %swap3A_23 = arith.constant 0 : index
    %swap3A_24 = vector.load %arg4[%swap3A_22, %swap3A_23] : memref<1000x128xf32, #tpu.memory_space<vmem>>, vector<1000x128xf32>
    tpu.vector_store %arg4[%swap3A_22, %swap3A_23], %mul3A_21 {strides = array<i32>} : memref<1000x128xf32, #tpu.memory_space<vmem>>, vector<1000x128xf32>,
    return
  }
  func.func @transform_0(%arg0: i32) -> (i32, i32, i32) {
    %c0_i32 = arith.constant 0 : i32
    %c0_i32_0 = arith.constant 0 : i32
    %c0_i32_1 = arith.constant 0 : i32
    return %c0_i32, %arg0, %c0_i32_0 : i32, i32, i32
  }
  func.func @transform_1(%arg0: i32) -> (i32, i32) {
    %c0_i32 = arith.constant 0 : i32
    %c0_i32_0 = arith.constant 0 : i32
    return %arg0, %c0_i32 : i32, i32
  }
  func.func @transform_2(%arg0: i32) -> (i32, i32) {
    %c0_i32 = arith.constant 0 : i32
    %c0_i32_0 = arith.constant 0 : i32
    %c0_i32_1 = arith.constant 0 : i32
    return %c0_i32, %c0_i32_0 : i32, i32
  }
  func.func @transform_3(%arg0: i32) -> (i32, i32) {
    %c0_i32 = arith.constant 0 : i32
    %c0_i32_0 = arith.constant 0 : i32
    return %arg0, %c0_i32 : i32, i32
  }
  func.func @transform_4(%arg0: i32) -> (i32, i32) {
    %c0_i32 = arith.constant 0 : i32
    %c0_i32_0 = arith.constant 0 : i32
    return %arg0, %c0_i32 : i32, i32
  }
}

module attributes {stable_mosaic.version = 14 : i64} {
  func.func @_tc_layer_body(%arg0: i32, %arg1: memref<2x1000x128xf32, #tpu.memory_space<vmem>>, %arg2: memref<1000x128xf32, #tpu.memory_space<vmem>>, %arg3: memref<1000x1xf32, #tpu.memory_space<vmem>>, %arg4: memref<1x128xf32, #tpu.memory_space<vmem>>, %arg5: memref<128x1xf32, #tpu.memory_space<vmem>>, %arg6: memref<1000x1xf32, #tpu.memory_space<vmem>>) attributes {dimension_semantics = [#tpu.dimension_semantics<arbitrary>], iteration_bounds = array<i64: 10>, scalar_prefetch = 0 : i64, scratch_operands = 0 : i64, tpu.core_type = #tpu.core_type<tc>, window_params = [{transform_indices = @transform_0, window_bounds = array<i64: 2, 1000, 128>}, {transform_indices = @transform_1, window_bounds = array<i64: 1000, 128>}, {transform_indices = @transform_2, window_bounds = array<i64: 1000, 1>}, {pipeline_mode = #tpu.pipeline_mode<synchronous>, transform_indices = @transform_3, window_bounds = array<i64: 1, 128>}, {pipeline_mode = #tpu.pipeline_mode<synchronous>, transform_indices = @transform_4, window_bounds = array<i64: 128, 1>}, {transform_indices = @transform_5, window_bounds = array<i64: 1000, 1>}]} {
    %get3A = arith.constant 0 : index
    %get3A_0 = arith.constant 0 : index
    %get3A_1 = arith.constant 0 : index
    %get3A_2 = vector.load %arg1[%get3A, %get3A_0, %get3A_1] : memref<2x1000x128xf32, #tpu.memory_space<vmem>>, vector<1x1000x128xf32>
    %get3A_3 = vector.shape_cast %get3A_2 : vector<1x1000x128xf32> to vector<1000x128xf32>
    %get3A_4 = arith.constant 1 : index
    %get3A_5 = arith.constant 0 : index
    %get3A_6 = arith.constant 0 : index
    %get3A_7 = vector.load %arg1[%get3A_4, %get3A_5, %get3A_6] : memref<2x1000x128xf32, #tpu.memory_space<vmem>>, vector<1x1000x128xf32>
    %get3A_8 = vector.shape_cast %get3A_7 : vector<1x1000x128xf32> to vector<1000x128xf32>
    %add3A = arith.addf %get3A_3, %get3A_8 : vector<1000x128xf32>
    %get3A_9 = arith.constant 0 : index
    %get3A_10 = arith.constant 0 : index
    %get3A_11 = vector.load %arg2[%get3A_9, %get3A_10] : memref<1000x128xf32, #tpu.memory_space<vmem>>, vector<1000x128xf32>
    %add3A_12 = arith.addf %add3A, %get3A_11 : vector<1000x128xf32>
    %get3A_13 = arith.constant 0 : index
    %get3A_14 = arith.constant 0 : index
    %get3A_15 = vector.load %arg3[%get3A_13, %get3A_14] : memref<1000x1xf32, #tpu.memory_space<vmem>>, vector<1000x1xf32>
    %mul3A = vector.broadcast %get3A_15 : vector<1000x1xf32> to vector<1000x128xf32>
    %mul3A_16 = arith.mulf %add3A_12, %mul3A : vector<1000x128xf32>
    %get3A_17 = arith.constant 0 : index
    %get3A_18 = arith.constant 0 : index
    %get3A_19 = vector.load %arg4[%get3A_17, %get3A_18] : memref<1x128xf32, #tpu.memory_space<vmem>>, vector<1x128xf32>
    %add3A_20 = vector.broadcast %get3A_19 : vector<1x128xf32> to vector<1000x128xf32>
    %add3A_21 = arith.addf %mul3A_16, %add3A_20 : vector<1000x128xf32>
    %max3A = arith.constant 0.000000e+00 : f32
    %max3A_22 = vector.broadcast %max3A : f32 to vector<1000x128xf32>
    %max3A_23 = arith.maximumf %add3A_21, %max3A_22 : vector<1000x128xf32>
    %get3A_24 = arith.constant 0 : index
    %get3A_25 = arith.constant 0 : index
    %get3A_26 = vector.load %arg5[%get3A_24, %get3A_25] : memref<128x1xf32, #tpu.memory_space<vmem>>, vector<128x1xf32>
    %dot_general3A = arith.constant dense<0.000000e+00> : vector<1000x1xf32>
    %dot_general3A_27 = tpu.matmul %max3A_23, %get3A_26, %dot_general3A {dimension_numbers = #tpu.dot_dimension_numbers<[1], [0], [0], [1], [0, 0, 1, 1], [], []>, transpose_lhs_hint = false} : vector<1000x128xf32>, vector<128x1xf32>, vector<1000x1xf32> -> vector<1000x1xf32>
    %get3A_28 = arith.constant 0 : index
    %get3A_29 = arith.constant 0 : index
    %get3A_30 = vector.load %arg3[%get3A_28, %get3A_29] : memref<1000x1xf32, #tpu.memory_space<vmem>>, vector<1000x1xf32>
    %mul3A_31 = arith.mulf %dot_general3A_27, %get3A_30 : vector<1000x1xf32>
    %swap3A = arith.constant 0 : index
    %swap3A_32 = arith.constant 0 : index
    %swap3A_33 = vector.load %arg6[%swap3A, %swap3A_32] : memref<1000x1xf32, #tpu.memory_space<vmem>>, vector<1000x1xf32>
    tpu.vector_store %arg6[%swap3A, %swap3A_32], %mul3A_31 {strides = array<i32>} : memref<1000x1xf32, #tpu.memory_space<vmem>>, vector<1000x1xf32>,
    return
  }
  func.func @transform_0(%arg0: i32) -> (i32, i32, i32) {
    %c0_i32 = arith.constant 0 : i32
    %c0_i32_0 = arith.constant 0 : i32
    %c0_i32_1 = arith.constant 0 : i32
    return %c0_i32, %arg0, %c0_i32_0 : i32, i32, i32
  }
  func.func @transform_1(%arg0: i32) -> (i32, i32) {
    %c0_i32 = arith.constant 0 : i32
    %c0_i32_0 = arith.constant 0 : i32
    return %arg0, %c0_i32 : i32, i32
  }
  func.func @transform_2(%arg0: i32) -> (i32, i32) {
    %c0_i32 = arith.constant 0 : i32
    %c0_i32_0 = arith.constant 0 : i32
    return %arg0, %c0_i32 : i32, i32
  }
  func.func @transform_3(%arg0: i32) -> (i32, i32) {
    %c0_i32 = arith.constant 0 : i32
    %c0_i32_0 = arith.constant 0 : i32
    %c0_i32_1 = arith.constant 0 : i32
    return %c0_i32, %c0_i32_0 : i32, i32
  }
  func.func @transform_4(%arg0: i32) -> (i32, i32) {
    %c0_i32 = arith.constant 0 : i32
    %c0_i32_0 = arith.constant 0 : i32
    %c0_i32_1 = arith.constant 0 : i32
    return %c0_i32, %c0_i32_0 : i32, i32
  }
  func.func @transform_5(%arg0: i32) -> (i32, i32) {
    %c0_i32 = arith.constant 0 : i32
    %c0_i32_0 = arith.constant 0 : i32
    return %arg0, %c0_i32 : i32, i32
  }
}

module attributes {stable_mosaic.version = 14 : i64} {
  func.func @_tc_layer_body(%arg0: i32, %arg1: memref<2x1000x128xf32, #tpu.memory_space<vmem>>, %arg2: memref<1000x128xf32, #tpu.memory_space<vmem>>, %arg3: memref<1000x1xf32, #tpu.memory_space<vmem>>, %arg4: memref<1x128xf32, #tpu.memory_space<vmem>>, %arg5: memref<128x128xf32, #tpu.memory_space<vmem>>, %arg6: memref<1000x128xf32, #tpu.memory_space<vmem>>) attributes {dimension_semantics = [#tpu.dimension_semantics<arbitrary>], iteration_bounds = array<i64: 10>, scalar_prefetch = 0 : i64, scratch_operands = 0 : i64, tpu.core_type = #tpu.core_type<tc>, window_params = [{transform_indices = @transform_0, window_bounds = array<i64: 2, 1000, 128>}, {transform_indices = @transform_1, window_bounds = array<i64: 1000, 128>}, {transform_indices = @transform_2, window_bounds = array<i64: 1000, 1>}, {pipeline_mode = #tpu.pipeline_mode<synchronous>, transform_indices = @transform_3, window_bounds = array<i64: 1, 128>}, {pipeline_mode = #tpu.pipeline_mode<synchronous>, transform_indices = @transform_4, window_bounds = array<i64: 128, 128>}, {transform_indices = @transform_5, window_bounds = array<i64: 1000, 128>}]} {
    %get3A = arith.constant 0 : index
    %get3A_0 = arith.constant 0 : index
    %get3A_1 = arith.constant 0 : index
    %get3A_2 = vector.load %arg1[%get3A, %get3A_0, %get3A_1] : memref<2x1000x128xf32, #tpu.memory_space<vmem>>, vector<1x1000x128xf32>
    %get3A_3 = vector.shape_cast %get3A_2 : vector<1x1000x128xf32> to vector<1000x128xf32>
    %get3A_4 = arith.constant 1 : index
    %get3A_5 = arith.constant 0 : index
    %get3A_6 = arith.constant 0 : index
    %get3A_7 = vector.load %arg1[%get3A_4, %get3A_5, %get3A_6] : memref<2x1000x128xf32, #tpu.memory_space<vmem>>, vector<1x1000x128xf32>
    %get3A_8 = vector.shape_cast %get3A_7 : vector<1x1000x128xf32> to vector<1000x128xf32>
    %add3A = arith.addf %get3A_3, %get3A_8 : vector<1000x128xf32>
    %get3A_9 = arith.constant 0 : index
    %get3A_10 = arith.constant 0 : index
    %get3A_11 = vector.load %arg2[%get3A_9, %get3A_10] : memref<1000x128xf32, #tpu.memory_space<vmem>>, vector<1000x128xf32>
    %add3A_12 = arith.addf %add3A, %get3A_11 : vector<1000x128xf32>
    %get3A_13 = arith.constant 0 : index
    %get3A_14 = arith.constant 0 : index
    %get3A_15 = vector.load %arg3[%get3A_13, %get3A_14] : memref<1000x1xf32, #tpu.memory_space<vmem>>, vector<1000x1xf32>
    %mul3A = vector.broadcast %get3A_15 : vector<1000x1xf32> to vector<1000x128xf32>
    %mul3A_16 = arith.mulf %add3A_12, %mul3A : vector<1000x128xf32>
    %get3A_17 = arith.constant 0 : index
    %get3A_18 = arith.constant 0 : index
    %get3A_19 = vector.load %arg4[%get3A_17, %get3A_18] : memref<1x128xf32, #tpu.memory_space<vmem>>, vector<1x128xf32>
    %add3A_20 = vector.broadcast %get3A_19 : vector<1x128xf32> to vector<1000x128xf32>
    %add3A_21 = arith.addf %mul3A_16, %add3A_20 : vector<1000x128xf32>
    %max3A = arith.constant 0.000000e+00 : f32
    %max3A_22 = vector.broadcast %max3A : f32 to vector<1000x128xf32>
    %max3A_23 = arith.maximumf %add3A_21, %max3A_22 : vector<1000x128xf32>
    %get3A_24 = arith.constant 0 : index
    %get3A_25 = arith.constant 0 : index
    %get3A_26 = vector.load %arg5[%get3A_24, %get3A_25] : memref<128x128xf32, #tpu.memory_space<vmem>>, vector<128x128xf32>
    %dot_general3A = arith.constant dense<0.000000e+00> : vector<1000x128xf32>
    %dot_general3A_27 = tpu.matmul %max3A_23, %get3A_26, %dot_general3A {dimension_numbers = #tpu.dot_dimension_numbers<[1], [0], [0], [1], [0, 0, 1, 1], [], []>, transpose_lhs_hint = false} : vector<1000x128xf32>, vector<128x128xf32>, vector<1000x128xf32> -> vector<1000x128xf32>
    %get3A_28 = arith.constant 0 : index
    %get3A_29 = arith.constant 0 : index
    %get3A_30 = vector.load %arg3[%get3A_28, %get3A_29] : memref<1000x1xf32, #tpu.memory_space<vmem>>, vector<1000x1xf32>
    %mul3A_31 = vector.broadcast %get3A_30 : vector<1000x1xf32> to vector<1000x128xf32>
    %mul3A_32 = arith.mulf %dot_general3A_27, %mul3A_31 : vector<1000x128xf32>
    %swap3A = arith.constant 0 : index
    %swap3A_33 = arith.constant 0 : index
    %swap3A_34 = vector.load %arg6[%swap3A, %swap3A_33] : memref<1000x128xf32, #tpu.memory_space<vmem>>, vector<1000x128xf32>
    tpu.vector_store %arg6[%swap3A, %swap3A_33], %mul3A_32 {strides = array<i32>} : memref<1000x128xf32, #tpu.memory_space<vmem>>, vector<1000x128xf32>,
    return
  }
  func.func @transform_0(%arg0: i32) -> (i32, i32, i32) {
    %c0_i32 = arith.constant 0 : i32
    %c0_i32_0 = arith.constant 0 : i32
    %c0_i32_1 = arith.constant 0 : i32
    return %c0_i32, %arg0, %c0_i32_0 : i32, i32, i32
  }
  func.func @transform_1(%arg0: i32) -> (i32, i32) {
    %c0_i32 = arith.constant 0 : i32
    %c0_i32_0 = arith.constant 0 : i32
    return %arg0, %c0_i32 : i32, i32
  }
  func.func @transform_2(%arg0: i32) -> (i32, i32) {
    %c0_i32 = arith.constant 0 : i32
    %c0_i32_0 = arith.constant 0 : i32
    return %arg0, %c0_i32 : i32, i32
  }
  func.func @transform_3(%arg0: i32) -> (i32, i32) {
    %c0_i32 = arith.constant 0 : i32
    %c0_i32_0 = arith.constant 0 : i32
    %c0_i32_1 = arith.constant 0 : i32
    return %c0_i32, %c0_i32_0 : i32, i32
  }
  func.func @transform_4(%arg0: i32) -> (i32, i32) {
    %c0_i32 = arith.constant 0 : i32
    %c0_i32_0 = arith.constant 0 : i32
    %c0_i32_1 = arith.constant 0 : i32
    return %c0_i32, %c0_i32_0 : i32, i32
  }
  func.func @transform_5(%arg0: i32) -> (i32, i32) {
    %c0_i32 = arith.constant 0 : i32
    %c0_i32_0 = arith.constant 0 : i32
    return %arg0, %c0_i32 : i32, i32
  }
}

module attributes {stable_mosaic.version = 14 : i64} {
  func.func @_tc_out_body(%arg0: i32, %arg1: memref<2x1000x1xf32, #tpu.memory_space<vmem>>, %arg2: memref<1000x1xf32, #tpu.memory_space<vmem>>, %arg3: memref<1000x1xf32, #tpu.memory_space<vmem>>, %arg4: memref<1x1xf32, #tpu.memory_space<vmem>>, %arg5: memref<1000x1xf32, #tpu.memory_space<vmem>>) attributes {dimension_semantics = [#tpu.dimension_semantics<arbitrary>], iteration_bounds = array<i64: 10>, scalar_prefetch = 0 : i64, scratch_operands = 0 : i64, tpu.core_type = #tpu.core_type<tc>, window_params = [{transform_indices = @transform_0, window_bounds = array<i64: 2, 1000, 1>}, {transform_indices = @transform_1, window_bounds = array<i64: 1000, 1>}, {transform_indices = @transform_2, window_bounds = array<i64: 1000, 1>}, {pipeline_mode = #tpu.pipeline_mode<synchronous>, transform_indices = @transform_3, window_bounds = array<i64: 1, 1>}, {transform_indices = @transform_4, window_bounds = array<i64: 1000, 1>}]} {
    %get3A = arith.constant 0 : index
    %get3A_0 = arith.constant 0 : index
    %get3A_1 = arith.constant 0 : index
    %get3A_2 = vector.load %arg1[%get3A, %get3A_0, %get3A_1] : memref<2x1000x1xf32, #tpu.memory_space<vmem>>, vector<1x1000x1xf32>
    %get3A_3 = vector.shape_cast %get3A_2 : vector<1x1000x1xf32> to vector<1000x1xf32>
    %get3A_4 = arith.constant 1 : index
    %get3A_5 = arith.constant 0 : index
    %get3A_6 = arith.constant 0 : index
    %get3A_7 = vector.load %arg1[%get3A_4, %get3A_5, %get3A_6] : memref<2x1000x1xf32, #tpu.memory_space<vmem>>, vector<1x1000x1xf32>
    %get3A_8 = vector.shape_cast %get3A_7 : vector<1x1000x1xf32> to vector<1000x1xf32>
    %add3A = arith.addf %get3A_3, %get3A_8 : vector<1000x1xf32>
    %get3A_9 = arith.constant 0 : index
    %get3A_10 = arith.constant 0 : index
    %get3A_11 = vector.load %arg2[%get3A_9, %get3A_10] : memref<1000x1xf32, #tpu.memory_space<vmem>>, vector<1000x1xf32>
    %add3A_12 = arith.addf %add3A, %get3A_11 : vector<1000x1xf32>
    %get3A_13 = arith.constant 0 : index
    %get3A_14 = arith.constant 0 : index
    %get3A_15 = vector.load %arg3[%get3A_13, %get3A_14] : memref<1000x1xf32, #tpu.memory_space<vmem>>, vector<1000x1xf32>
    %mul3A = arith.mulf %add3A_12, %get3A_15 : vector<1000x1xf32>
    %get3A_16 = arith.constant 0 : index
    %get3A_17 = arith.constant 0 : index
    %get3A_18 = vector.load %arg4[%get3A_16, %get3A_17] : memref<1x1xf32, #tpu.memory_space<vmem>>, vector<1x1xf32>
    %add3A_19 = vector.broadcast %get3A_18 : vector<1x1xf32> to vector<1000x1xf32>
    %add3A_20 = arith.addf %mul3A, %add3A_19 : vector<1000x1xf32>
    %swap3A = arith.constant 0 : index
    %swap3A_21 = arith.constant 0 : index
    %swap3A_22 = vector.load %arg5[%swap3A, %swap3A_21] : memref<1000x1xf32, #tpu.memory_space<vmem>>, vector<1000x1xf32>
    tpu.vector_store %arg5[%swap3A, %swap3A_21], %add3A_20 {strides = array<i32>} : memref<1000x1xf32, #tpu.memory_space<vmem>>, vector<1000x1xf32>,
    return
  }
  func.func @transform_0(%arg0: i32) -> (i32, i32, i32) {
    %c0_i32 = arith.constant 0 : i32
    %c0_i32_0 = arith.constant 0 : i32
    %c0_i32_1 = arith.constant 0 : i32
    return %c0_i32, %arg0, %c0_i32_0 : i32, i32, i32
  }
  func.func @transform_1(%arg0: i32) -> (i32, i32) {
    %c0_i32 = arith.constant 0 : i32
    %c0_i32_0 = arith.constant 0 : i32
    return %arg0, %c0_i32 : i32, i32
  }
  func.func @transform_2(%arg0: i32) -> (i32, i32) {
    %c0_i32 = arith.constant 0 : i32
    %c0_i32_0 = arith.constant 0 : i32
    return %arg0, %c0_i32 : i32, i32
  }
  func.func @transform_3(%arg0: i32) -> (i32, i32) {
    %c0_i32 = arith.constant 0 : i32
    %c0_i32_0 = arith.constant 0 : i32
    %c0_i32_1 = arith.constant 0 : i32
    return %c0_i32, %c0_i32_0 : i32, i32
  }
  func.func @transform_4(%arg0: i32) -> (i32, i32) {
    %c0_i32 = arith.constant 0 : i32
    %c0_i32_0 = arith.constant 0 : i32
    return %arg0, %c0_i32 : i32, i32
  }
}

</mosaic_0001>

<sc_bundles>
// kernel: kernel.10.cloned.1.call-start
scs
__scs_entry_jumppad:
0x0: {  	(pc) =	sbr.rel $0x88, $3  }
0x1: {  	(tag) =	ssettag $0x0;
	lr =	simm.s32 $0x1  }
0x2: {  	[smem:$0x3F99] =	sst lr;
	_ =	strace $0xD0000000  }
0x3: {  	_ = 	snop  }
0x4: {  	_ = 	snop  }
0x5: {  	_ = 	snop  }
0x6: {  	_ = 	snop  }
0x7: {  	_ = 	snop  }
__scs_overlays_trampoline_lowered:
0x8: {  	[smem:$0x3FA8] =	sst s0  }
0x9: {  	[smem:$0x3FA9] =	sst s1  }
0xa: {  	[smem:$0x3FAA] =	sst s2  }
0xb: {  	[smem:$0x3FAB] =	sst s3  }
0xc: {  	[smem:$0x3FAC] =	sst s4  }
0xd: {  	[smem:$0x3FAD] =	sst s5  }
0xe: {  	[smem:$0x3FAE] =	sst s6  }
0xf: {  	[smem:$0x3FAF] =	sst s7  }
0x10: {  	[smem:$0x3FB0] =	sst s8  }
0x11: {  	[smem:$0x3FB1] =	sst s9;
	s0 =	simm.s32 @!p0 $0x0  }
0x12: {  	s1 =	sld [smem:$0x3F97];
	s0 =	simm.s32 @p0 $0x1  }
0x13: {  	[smem:$0x3FB2] =	sst s0;
	s0 =	simm.s32 @!p1 $0x0  }
0x14: {  	s2 =	sld [smem:$0x3F96];
	s0 =	simm.s32 @p1 $0x1  }
0x15: {  	[smem:$0x3FB3] =	sst s0;
	s0 =	simm.s32 @!p2 $0x0  }
0x16: {  	s3 =	sld [smem:$0x3FDB];
	s0 =	simm.s32 @p2 $0x1  }
0x17: {  	s4 =	simm.s32 $0x1BF5;
	[smem:$0x3FB5] =	sst s0  }
0x18: {  	s0 =	sld [smem:$0x3F98];
	_ =	swait.ge [sflag:s4], $0x0  }
0x19: {  	s7 =	sld [smem:$0x3F99]  }
0x1a: {  	s8 =	sadd.s32 $0xFFFFE003, lr  }
0x1b: {  	s9 =	sadd.s32 $0xFFFFFEF7, lr;
	s5 =	simm.s32 $0xFFFFFFFF;
	p2 =	slt.u32 s8, $0xFFFFF086  }
0x1c: {  	p1 =	slt.u32 s9, $0xF7A;
	s5 =	simm.s32 @!p2 $0x0  }
0x1d: {  	s5 =	simm.s32 @p1 $0x1;
	p0 =	seq.s32 s7, s2  }
0x1e: {  	s7 =	smul.u32 @!p0 $0xF7A, s2;
	p2 =	seq.s32 @!p0 s5, $0x0  }
0x1f: {  	s9 =	smul.u32 $0xF7A, s1;
	s8 =	simm.s32 @!p0 $0x1BF5;
	p2 =	por !p2, p0  }
0x20: {  	[sflag:s8] =	ssyncset.s32 @!p0 $0xFFFFF086;
	s6 =	sadd.s32 @!p0 s3, s7;
	s7 =	simm.s32 @!p0 $0x108  }
0x21: {  	s3 =	sadd.s32 s3, s9;
	s6 =	sadd.s32 @!p0 $0x88, s6;
	s7 =	simm.s32 @p2 $0x1082  }
0x22: {  	[simem:s7], [sflag:s8] =	dma.local @!p0 [hbm:s6], $0xF7A  }
0x23: {  	s9 =	sor.u32 $0xD0000000, s2;
	s6 =	simm.s32 $0x108;
	_ =	swait.ge @!p0 [sflag:s8], $0x0  }
0x24: {  	s3 =	sadd.s32 $0x88, s3;
	s6 =	simm.s32 @!p1 $0x1082;
	[sflag:s4] =	ssyncset.s32 $0xFFFFF086  }
0x25: {  	[simem:s6], [sflag:s4] =	dma.local [hbm:s3], $0xF7A  }
0x26: {  	[smem:$0x3F99] =	sst s1;
	(tag) =	ssettag s2;
	_ =	strace s9  }
0x27: {  	s1 =	sld [smem:$0x3FA9]  }
0x28: {  	s2 =	sld [smem:$0x3FAA]  }
0x29: {  	s4 =	sld [smem:$0x3FAC]  }
0x2a: {  	p0 =	seq.s32 s5, $0x0;
	s5 =	sld [smem:$0x3FAD]  }
0x2b: {  	s6 =	sld [smem:$0x3FAE]  }
0x2c: {  	s7 =	sld [smem:$0x3FAF]  }
0x2d: {  	s3 =	simm.s32 $0x108;
	s8 =	sld [smem:$0x3FB0]  }
0x2e: {  	s3 =	simm.s32 @!p0 $0x1082;
	s9 =	sld [smem:$0x3FB1]  }
0x2f: {  	lr =	sadd.s32 s0, s3;
	s0 =	sld [smem:$0x3FA8]  }
0x30: {  	s3 =	sld [smem:$0x3FAB]  }
0x31: {  	[smem:$0x3FB4] =	sst s10  }
0x32: {  	s10 =	sld [smem:$0x3FB2];
	_ =	sdelay $0x3  }
0x33: {  	p0 =	seq.s32 s10, $0x1;
	s10 =	sld [smem:$0x3FB4];
	_ =	sdelay $0x3  }
0x34: {  	[smem:$0x3FB4] =	sst s10  }
0x35: {  	s10 =	sld [smem:$0x3FB3];
	_ =	sdelay $0x3  }
0x36: {  	p1 =	seq.s32 s10, $0x1;
	s10 =	sld [smem:$0x3FB4];
	_ =	sdelay $0x3  }
0x37: {  	[smem:$0x3FB4] =	sst s10  }
0x38: {  	s10 =	sld [smem:$0x3FB5]  }
0x39: {  	_ = 	snop;
	(pc) =	sbr.ind lr, $3  }
0x3a: {  	_ = 	snop  }
0x3b: {  	_ = 	snop  }
0x3c: {  	p2 =	seq.s32 s10, $0x1;
	s10 =	sld [smem:$0x3FB4]  }
0x3d: {  	_ =	shalt  }
0x3e: {  	_ =	shalt  }
0x3f: {  	_ =	shalt  }
0x40: {  	_ =	shalt  }
0x41: {  	_ =	shalt  }
0x42: {  	_ =	shalt  }
0x43: {  	_ =	shalt  }
0x44: {  	_ =	shalt  }
0x45: {  	_ =	shalt  }
0x46: {  	_ =	shalt  }
0x47: {  	_ =	shalt  }
0x48: {  	_ =	shalt  }
0x49: {  	_ =	shalt  }
0x4a: {  	_ =	shalt  }
0x4b: {  	_ =	shalt  }
0x4c: {  	_ =	shalt  }
0x4d: {  	_ =	shalt  }
0x4e: {  	_ =	shalt  }
0x4f: {  	_ =	shalt  }
0x50: {  	_ =	shalt  }
0x51: {  	_ =	shalt  }
0x52: {  	_ =	shalt  }
0x53: {  	_ =	shalt  }
0x54: {  	_ =	shalt  }
0x55: {  	_ =	shalt  }
0x56: {  	_ =	shalt  }
0x57: {  	_ =	shalt  }
0x58: {  	_ =	shalt  }
0x59: {  	_ =	shalt  }
0x5a: {  	_ =	shalt  }
0x5b: {  	_ =	shalt  }
0x5c: {  	_ =	shalt  }
0x5d: {  	_ =	shalt  }
0x5e: {  	_ =	shalt  }
0x5f: {  	_ =	shalt  }
0x60: {  	_ =	shalt  }
0x61: {  	_ =	shalt  }
0x62: {  	_ =	shalt  }
0x63: {  	_ =	shalt  }
0x64: {  	_ =	shalt  }
0x65: {  	_ =	shalt  }
0x66: {  	_ =	shalt  }
0x67: {  	_ =	shalt  }
0x68: {  	_ =	shalt  }
0x69: {  	_ =	shalt  }
0x6a: {  	_ =	shalt  }
0x6b: {  	_ =	shalt  }
0x6c: {  	_ =	shalt  }
0x6d: {  	_ =	shalt  }
0x6e: {  	_ =	shalt  }
0x6f: {  	_ =	shalt  }
0x70: {  	_ =	shalt  }
0x71: {  	_ =	shalt  }
0x72: {  	_ =	shalt  }
0x73: {  	_ =	shalt  }
0x74: {  	_ =	shalt  }
0x75: {  	_ =	shalt  }
0x76: {  	_ =	shalt  }
0x77: {  	_ =	shalt  }
0x78: {  	_ =	shalt  }
0x79: {  	_ =	shalt  }
0x7a: {  	_ =	shalt  }
0x7b: {  	_ =	shalt  }
0x7c: {  	_ =	shalt  }
0x7d: {  	_ =	shalt  }
0x7e: {  	_ =	shalt  }
0x7f: {  	_ =	shalt  }
0x80: {  	_ =	shalt  }
0x81: {  	_ =	shalt  }
0x82: {  	_ =	shalt  }
0x83: {  	_ =	shalt  }
0x84: {  	_ =	shalt  }
0x85: {  	_ =	shalt  }
0x86: {  	_ =	shalt  }
0x87: {  	_ =	shalt  }
.Lfunc_end0:
.L_simem_size_0:
called_computation_lowered:
.L_overlay_start_0:
0x88: {  	s2 =	sld [smem:$0x3FD9]  }
0x89: {  	s3 =	sld [smem:$0x3FFE];
	_ =	sdelay $0x1  }
0x8a: {  	s1 =	srdreg.scid  }
0x8b: {  	s0 =	sand.u32 $0x1, s1  }
0x8c: {  	s16 =	sshll.u32 s0, $0xA;
	s2 =	sadd.s32 s3, s2  }
0x8d: {  	s2 =	sadd.s32 s2, s16  }
0x8e: {  	[smem:$0x3FC0] =	sst s2  }
0x8f: {  	_ = 	snop  }
0x90: {  	(tm) =	ssettm $0x1  }
0x91: {  	s17 =	sld [smem:$0x3FFB];
	_ =	sdelay $0x3  }
0x92: {  	_ =	strace s17  }
0x93: {  	s2 =	sld [smem:$0x3FFC];
	_ =	sdelay $0x3  }
0x94: {  	_ =	strace s2  }
0x95: {  	s2 =	sld [smem:$0x3FFD];
	_ =	sdelay $0x3  }
0x96: {  	_ =	strace s2  }
0x97: {  	_ =	strace $0x8FFFFFFF  }
0x98: {  	s18 =	sld [smem:$0x3FDB];
	_ =	sdelay $0x1  }
0x99: {  	s19 =	simm.s32 $_scs_section_size  }
0x9a: {  	s4 =	simm.s32 $_size__tile_overlayer_lowered;
	s5 =	simm.s32 $_tile_overlayer_lowered  }
0x9b: {  	s22 =	simm.s32 $0x1BFF;
	s21 =	sshll.u32 s5, $0x1;
	s2 =	sadd.s32 s19, s18  }
0x9c: {  	s6 =	simm.s32 $0x0;
	s20 =	sshll.u32 s4, $0x1;
	s4 =	sadd.s32 s21, s2  }
0x9d: {  	[timem:s6], [sflag:s22] =	dma.local [hbm:s4], s20  }
0x9e: {  	_ =	swait.ge [sflag:s22], s20  }
0x9f: {  	s3 =	ssub.s32 $0x0, s20;
	[sflag:s22] =	ssyncset.done $0x0  }
0xa0: {  	[sflag:s22] =	ssyncadd.s32 s3;
	_ =	sdelay $0x1  }
0xa1: {  	s23 =	simm.s32 $0x1B8B  }
0xa2: {  	_ =	swait.ge [sflag:s23], $0x1  }
0xa3: {  	[sflag:s23] =	ssyncset.done $0x0  }
0xa4: {  	s25 =	simm.s32 $0x1B8E;
	s24 =	sld [smem:$0x3FFE];
	[sflag:s23] =	ssyncadd.s32 $0xFFFFFFFF  }
0xa5: {  	s26 =	simm.s32 $execute0_lowered;
	[smem:$0x3FD2] =	sst s25  }
0xa6: {  	s4 =	sshll.u32 s26, $0x1;
	_ =	strace $0x80000046;
	[dreg:$0x1] =	wrdreg $0xFFFFFFFF  }
0xa7: {  	s28 =	simm.s32 $_size_execute0_lowered;
	s2 =	sadd.s32 s2, s4;
	[dreg:$0x0] =	wrdreg $0x0  }
0xa8: {  	s4 =	sshll.u32 s28, $0x1;
	[dreg:$0x2] =	wrdreg s2  }
0xa9: {  	[dreg:$0x3] =	wrdreg s4  }
0xaa: {  	[dreg:$0x4] =	wrdreg $0xC0  }
0xab: {  	_ =	task [dreg:s6], $0x5FFFF  }
0xac: {  	[dreg:$0x1] =	wrdreg $0xFFFFFFFF  }
0xad: {  	[dreg:$0x0] =	wrdreg $0x60  }
0xae: {  	[dreg:$0x2] =	wrdreg s24  }
0xaf: {  	[dreg:$0x3] =	wrdreg $0x4000  }
0xb0: {  	[dreg:$0x4] =	wrdreg $0x9  }
0xb1: {  	_ =	task.clear_ibuf [dreg:s6], $0x5FFFF;
	_ =	strace $0x90000046  }
0xb2: {  	s29 =	simm.s32 $0x9;
	_ =	strace $0x80000048  }
0xb3: {  	_ =	swait.ge [sflag:s29], $0x1  }
0xb4: {  	[sflag:s29] =	ssyncadd.s32 $0xFFFFFFFF  }
0xb5: {  	_ =	strace $0x90000048  }
0xb6: {  	_ =	sfence  }
0xb7: {  	s30 =	sld [smem:$0x0];
	_ =	sdelay $0x2  }
0xb8: {  	s31 =	sshll.u32 s1, $0xD;
	s1 =	sshrl.u32 s1, $0x2  }
0xb9: {  	s3 =	sand.u32 $0x4000, s31;
	s1 =	sadd.s32 s1, s30  }
0xba: {  	s0 =	sor.u32 s3, s0;
	s1 =	sshll.u32 s1, $0x11  }
0xbb: {  	s0 =	sor.u32 s1, s0  }
0xbc: {  	s0 =	sadd.s32 $0x8F2B, s0  }
0xbd: {  	[sflag:s0] =	ssyncadd.remote.s32 $0x1  }
0xbe: {  	_ =	sfence.sel $0xFFFF  }
0xbf: {  	[dreg:$0x0] =	wrdreg $0xFFFFFFFF;
	(pc) =	sbr.abs _section_cstart, $3  }
0xc0: {  	[dreg:$0x1] =	wrdreg $0xFFFFFFFF  }
0xc1: {  	_ =	task.clear_ibuf [dreg:s6], $0x2FFFF;
	_ =	strace $0x9FFFFFFF  }
0xc2: {  	(tm) =	ssettm $0x7FFFFFFF  }
0xc3: {  	_ =	shalt  }
tec
execute0_lowered:
.L_overlay_start_1:
0x0: {  	(tag) =	ssettag $0x1  }
0x1: {  	s0 =	srdreg.scid;
	s4 =	rddreg [dreg:$0x0]  }
0x2: {  	s5 =	stileid.u32;
	s1 =	rddreg [dreg:$0x1]  }
0x3: {  	s2 =	simm.s32 $0x0;
	s9 =	simm.s32 $0x200;
	s10 =	simm.s32 $0x0  }
0x4: {  	s3 =	sand.u32 $0x1, s0;
	s7 =	smul.u32 $0x2800, s5;
	s0 =	rddreg [dreg:$0x2]  }
0x5: {  	[smem:$0x7FF] =	sst s2;
	p0 =	sne.s32 s5, $0x0;
	s6 =	smul.u32 $0x28000, s3  }
0x6: {  	_ =	strace $0x80000047;
	s30 =	sshll.u32 s3, $0x4;
	s8 =	ssub.s32 $0x2, s3  }
0x7: {  	s3 =	sadd.s32 $0x16000, s4;
	s31 =	sshrl.u32 s8, $0x1;
	s6 =	sadd.s32 s7, s6  }
0x8: {  	s7 =	ssub.s32 s8, s31;
	s8 =	simm.s32 $0x1;
	s6 =	sshrl.u32 s6, $0x3  }
0x9: {  	s5 =	smax.u32 s7, $0x1;
	s6 =	sadd.s32 s6, s4;
	s4 =	sadd.s32 s30, s4  }
0xa: {  	v0 =	vimm.f32 $1.000000000e+00;
	s7 =	sshrl.u32 @!p0 s1, $0x3;
	s4 =	sadd.s32 $0x16600, s4;
	s6 =	sadd.s32 $0xC000, s6  }
.LBB2_1:
0xb: {  	s11 =	simm.s32 @!p0 $0x1C01  }
0xc: {  	[spmem:s7], [sflag:s11] =	dma.local @!p0 [hbm:s3], $0x4F0  }
0xd: {  	s11 =	simm.s32 @!p0 $0x1  }
0xe: {  	_ =	swait.ge @!p0 [sflag:s11], $0x4F0  }
0xf: {  	[sflag:s11] =	ssyncset.done @!p0 $0x0  }
0x10: {  	[sflag:s11] =	ssyncadd.s32 @!p0 $0xFFFFFB10  }
0x11: {  	[tilespmem:$0x200] =	vst v0  }
0x12: {  	[tilespmem:$0x210] =	vst v0  }
0x13: {  	[tilespmem:$0x220] =	vst v0  }
0x14: {  	[tilespmem:$0x230] =	vst v0  }
0x15: {  	[tilespmem:$0x240] =	vst v0  }
0x16: {  	[tilespmem:$0x250] =	vst v0  }
0x17: {  	[tilespmem:$0x260] =	vst v0  }
0x18: {  	[tilespmem:$0x270] =	vst v0  }
0x19: {  	[tilespmem:$0x280] =	vst v0  }
0x1a: {  	[tilespmem:$0x290] =	vst v0  }
0x1b: {  	[tilespmem:$0x2A0] =	vst v0  }
0x1c: {  	[tilespmem:$0x2B0] =	vst v0  }
0x1d: {  	[tilespmem:$0x2C0] =	vst v0  }
0x1e: {  	[tilespmem:$0x2D0] =	vst v0  }
0x1f: {  	[tilespmem:$0x2E0] =	vst v0  }
0x20: {  	[tilespmem:$0x2F0] =	vst v0  }
0x21: {  	[tilespmem:$0x300] =	vst v0  }
0x22: {  	[tilespmem:$0x310] =	vst v0  }
0x23: {  	[tilespmem:$0x320] =	vst v0  }
0x24: {  	[tilespmem:$0x330] =	vst v0  }
0x25: {  	[tilespmem:$0x340] =	vst v0  }
0x26: {  	[tilespmem:$0x350] =	vst v0  }
0x27: {  	[tilespmem:$0x360] =	vst v0  }
0x28: {  	[tilespmem:$0x370] =	vst v0  }
0x29: {  	[tilespmem:$0x380] =	vst v0  }
0x2a: {  	[tilespmem:$0x390] =	vst v0  }
0x2b: {  	[tilespmem:$0x3A0] =	vst v0  }
0x2c: {  	[tilespmem:$0x3B0] =	vst v0  }
0x2d: {  	[tilespmem:$0x3C0] =	vst v0  }
0x2e: {  	[tilespmem:$0x3D0] =	vst v0  }
0x2f: {  	[tilespmem:$0x3E0] =	vst v0  }
0x30: {  	[tilespmem:$0x3F0] =	vst v0  }
0x31: {  	s31 =	sadd.s32 $0x0, s6;
	[bflag:$0x0] =	sbarrier.arrive $0xFFFF  }
0x32: {  	[tilespmem:s2], [sflag:$0x1] =	stream.linear.gather [hbm4b:s31+s2], $0x200, $0x38;
	[tilespmem:$0x678] =	vst v63  }
0x33: {  	_ =	swait.ge [sflag:s8], $0x200  }
0x34: {  	[sflag:s8] =	ssyncset.done $0x0  }
0x35: {  	[sflag:s8] =	ssyncadd.s32 $0xFFFFFE00  }
0x36: {  	[spmem:s1] =	stream.indirect.scatter.add.f32 [tilespmem:s9], [sflag:$0x1], $0x1, s2, s9, $0xb8;
	[tilespmem:$0x678] =	vst v63  }
0x37: {  	_ =	swait.ge [sflag:s8], $0x200  }
0x38: {  	s12 =	simm.s32 $0x80;
	s11 =	simm.s32 $0x40;
	[sflag:s8] =	ssyncset.done $0x0  }
.LBB2_2:
0x39: {  	s13 =	sadd.s32 s11, s6  }
0x3a: {  	[sflag:s8] =	ssyncadd.s32 $0xFFFFFE00;
	s11 =	smov.u32 s12;
	s14 =	sadd.s32 $0x40, s12  }
0x3b: {  	[tilespmem:s2], [sflag:$0x1] =	stream.linear.gather [hbm4b:s13+s2], $0x200, $0x38;
	[tilespmem:$0x678] =	vst v63  }
0x3c: {  	p1 =	sne.s32 s12, $0x4C0;
	_ =	swait.ge [sflag:s8], $0x200  }
.Ltmp0:
0x3d: {  	[sflag:s8] =	ssyncset.done $0x0;
	(pc) =	sbr.rel @p1 .LBB2_2-.Ltmp0, $4  }
0x3e: {  	[sflag:s8] =	ssyncadd.s32 $0xFFFFFE00  }
0x3f: {  	[spmem:s1] =	stream.indirect.scatter.add.f32 [tilespmem:s9], [sflag:$0x1], $0x1, s2, s9, $0xb8;
	[tilespmem:$0x678] =	vst v63  }
0x40: {  	_ =	swait.ge [sflag:s8], $0x200  }
0x41: {  	s12 =	smov.u32 s14;
	[sflag:s8] =	ssyncset.done $0x0  }
0x42: {  	s11 =	sadd.s32 s11, s6;
	[sflag:s8] =	ssyncadd.s32 $0xFFFFFE00  }
0x43: {  	[tilespmem:s2], [sflag:$0x1] =	stream.linear.gather [hbm4b:s11+s2], $0x200, $0x38;
	[tilespmem:$0x678] =	vst v63  }
0x44: {  	_ =	swait.ge [sflag:s8], $0x200  }
0x45: {  	[sflag:s8] =	ssyncset.done $0x0  }
0x46: {  	[sflag:s8] =	ssyncadd.s32 $0xFFFFFE00  }
0x47: {  	[spmem:s1] =	stream.indirect.scatter.add.f32 [tilespmem:s9], [sflag:$0x1], $0x1, s2, s9, $0xb8;
	[tilespmem:$0x678] =	vst v63  }
0x48: {  	s12 =	simm.s32 @!p0 $0x20;
	_ =	swait.ge [sflag:s8], $0x200  }
0x49: {  	s13 =	simm.s32 @!p0 $0x10;
	s10 =	sadd.s32 $0x1, s10;
	[sflag:s8] =	ssyncset.done $0x0  }
0x4a: {  	s14 =	simm.s32 @!p0 $0x1C01;
	p1 =	sne.s32 s10, s5;
	[sflag:s8] =	ssyncadd.s32 $0xFFFFFE00  }
.Ltmp1:
0x4b: {  	s11 =	simm.s32 @!p0 $0x1;
	[bflag:$0x0] =	sbarrier.arrive $0xFFFF;
	(pc) =	sbr.rel @p1 .LBB2_1-.Ltmp1, $4  }
0x4c: {  	[hbm:s4@s12], [sflag:s14] =	dma.strided @!p0 [spmem:s7@s13], $0x4F0, s11, $0x10   }
0x4d: {  	_ =	swait.ge @!p0 [sflag:s11], $0x4F0  }
0x4e: {  	[sflag:s11] =	ssyncset.done @!p0 $0x0  }
0x4f: {  	[sflag:s11] =	ssyncadd.s32 @!p0 $0xFFFFFB10  }
0x50: {  	_ =	sfence.sel $0x180000  }
0x51: {  	[bflag:$0x0] =	sbarrier.arrive $0xFFFF  }
0x52: {  	_ =	strace $0x90000047  }
0x53: {  	s0 =	sadd.s32 @!p0 $0x100000, s0;
	[bflag:$0x2] =	sbarrier.arrive $0xFFFF  }
0x54: {  	[sflag:s0] =	ssyncadd.tile.s32 @!p0 $0x1;
	_ =	shalt  }
.Lfunc_end2:
_tile_overlayer_lowered:
.L_overlay_start_2:
0x55: {  	(tag) =	ssettag $0x2  }
0x56: {  	s0 =	rddreg [dreg:$0x0];
	s2 =	stileid.u32  }
0x57: {  	s1 =	rddreg [dreg:$0x1];
	p0 =	sne.s32 s2, $0x0  }
0x58: {  	s3 =	rddreg [dreg:$0x2];
	[bflag:$0x3] =	sbarrier.arrive $0xFFFF;
	s2 =	simm.s32 @!p0 $0x1C01  }
0x59: {  	[timem:s3], [sflag:s2] =	dma.local @!p0 [hbm:s0], s1  }
0x5a: {  	s0 =	simm.s32 @!p0 $0x1  }
0x5b: {  	_ =	swait.ge @!p0 [sflag:s0], s1  }
0x5c: {  	s1 =	ssub.s32 @!p0 $0x0, s1;
	[sflag:s0] =	ssyncset.done @!p0 $0x0  }
0x5d: {  	[sflag:s0] =	ssyncadd.s32 @!p0 s1  }
0x5e: {  	[bflag:$0x3] =	sbarrier.arrive $0xFFFF  }
0x5f: {  	_ =	shalt  }

// kernel: kernel.13.cloned.1.call-start
scs
__scs_entry_jumppad:
0x0: {  	(pc) =	sbr.rel $0x88, $3  }
0x1: {  	(tag) =	ssettag $0x0;
	lr =	simm.s32 $0x1  }
0x2: {  	[smem:$0x3F99] =	sst lr;
	_ =	strace $0xD0000000  }
0x3: {  	_ = 	snop  }
0x4: {  	_ = 	snop  }
0x5: {  	_ = 	snop  }
0x6: {  	_ = 	snop  }
0x7: {  	_ = 	snop  }
__scs_overlays_trampoline_lowered:
0x8: {  	[smem:$0x3FA8] =	sst s0  }
0x9: {  	[smem:$0x3FA9] =	sst s1  }
0xa: {  	[smem:$0x3FAA] =	sst s2  }
0xb: {  	[smem:$0x3FAB] =	sst s3  }
0xc: {  	[smem:$0x3FAC] =	sst s4  }
0xd: {  	[smem:$0x3FAD] =	sst s5  }
0xe: {  	[smem:$0x3FAE] =	sst s6  }
0xf: {  	[smem:$0x3FAF] =	sst s7  }
0x10: {  	[smem:$0x3FB0] =	sst s8  }
0x11: {  	[smem:$0x3FB1] =	sst s9;
	s0 =	simm.s32 @!p0 $0x0  }
0x12: {  	s1 =	sld [smem:$0x3F97];
	s0 =	simm.s32 @p0 $0x1  }
0x13: {  	[smem:$0x3FB2] =	sst s0;
	s0 =	simm.s32 @!p1 $0x0  }
0x14: {  	s2 =	sld [smem:$0x3F96];
	s0 =	simm.s32 @p1 $0x1  }
0x15: {  	[smem:$0x3FB3] =	sst s0;
	s0 =	simm.s32 @!p2 $0x0  }
0x16: {  	s3 =	sld [smem:$0x3FDB];
	s0 =	simm.s32 @p2 $0x1  }
0x17: {  	s4 =	simm.s32 $0x1BF5;
	[smem:$0x3FB5] =	sst s0  }
0x18: {  	s0 =	sld [smem:$0x3F98];
	_ =	swait.ge [sflag:s4], $0x0  }
0x19: {  	s7 =	sld [smem:$0x3F99]  }
0x1a: {  	s8 =	sadd.s32 $0xFFFFE003, lr  }
0x1b: {  	s9 =	sadd.s32 $0xFFFFFEF7, lr;
	s5 =	simm.s32 $0xFFFFFFFF;
	p2 =	slt.u32 s8, $0xFFFFF086  }
0x1c: {  	p1 =	slt.u32 s9, $0xF7A;
	s5 =	simm.s32 @!p2 $0x0  }
0x1d: {  	s5 =	simm.s32 @p1 $0x1;
	p0 =	seq.s32 s7, s2  }
0x1e: {  	s7 =	smul.u32 @!p0 $0xF7A, s2;
	p2 =	seq.s32 @!p0 s5, $0x0  }
0x1f: {  	s9 =	smul.u32 $0xF7A, s1;
	s8 =	simm.s32 @!p0 $0x1BF5;
	p2 =	por !p2, p0  }
0x20: {  	[sflag:s8] =	ssyncset.s32 @!p0 $0xFFFFF086;
	s6 =	sadd.s32 @!p0 s3, s7;
	s7 =	simm.s32 @!p0 $0x108  }
0x21: {  	s3 =	sadd.s32 s3, s9;
	s6 =	sadd.s32 @!p0 $0x88, s6;
	s7 =	simm.s32 @p2 $0x1082  }
0x22: {  	[simem:s7], [sflag:s8] =	dma.local @!p0 [hbm:s6], $0xF7A  }
0x23: {  	s9 =	sor.u32 $0xD0000000, s2;
	s6 =	simm.s32 $0x108;
	_ =	swait.ge @!p0 [sflag:s8], $0x0  }
0x24: {  	s3 =	sadd.s32 $0x88, s3;
	s6 =	simm.s32 @!p1 $0x1082;
	[sflag:s4] =	ssyncset.s32 $0xFFFFF086  }
0x25: {  	[simem:s6], [sflag:s4] =	dma.local [hbm:s3], $0xF7A  }
0x26: {  	[smem:$0x3F99] =	sst s1;
	(tag) =	ssettag s2;
	_ =	strace s9  }
0x27: {  	s1 =	sld [smem:$0x3FA9]  }
0x28: {  	s2 =	sld [smem:$0x3FAA]  }
0x29: {  	s4 =	sld [smem:$0x3FAC]  }
0x2a: {  	p0 =	seq.s32 s5, $0x0;
	s5 =	sld [smem:$0x3FAD]  }
0x2b: {  	s6 =	sld [smem:$0x3FAE]  }
0x2c: {  	s7 =	sld [smem:$0x3FAF]  }
0x2d: {  	s3 =	simm.s32 $0x108;
	s8 =	sld [smem:$0x3FB0]  }
0x2e: {  	s3 =	simm.s32 @!p0 $0x1082;
	s9 =	sld [smem:$0x3FB1]  }
0x2f: {  	lr =	sadd.s32 s0, s3;
	s0 =	sld [smem:$0x3FA8]  }
0x30: {  	s3 =	sld [smem:$0x3FAB]  }
0x31: {  	[smem:$0x3FB4] =	sst s10  }
0x32: {  	s10 =	sld [smem:$0x3FB2];
	_ =	sdelay $0x3  }
0x33: {  	p0 =	seq.s32 s10, $0x1;
	s10 =	sld [smem:$0x3FB4];
	_ =	sdelay $0x3  }
0x34: {  	[smem:$0x3FB4] =	sst s10  }
0x35: {  	s10 =	sld [smem:$0x3FB3];
	_ =	sdelay $0x3  }
0x36: {  	p1 =	seq.s32 s10, $0x1;
	s10 =	sld [smem:$0x3FB4];
	_ =	sdelay $0x3  }
0x37: {  	[smem:$0x3FB4] =	sst s10  }
0x38: {  	s10 =	sld [smem:$0x3FB5]  }
0x39: {  	_ = 	snop;
	(pc) =	sbr.ind lr, $3  }
0x3a: {  	_ = 	snop  }
0x3b: {  	_ = 	snop  }
0x3c: {  	p2 =	seq.s32 s10, $0x1;
	s10 =	sld [smem:$0x3FB4]  }
0x3d: {  	_ =	shalt  }
0x3e: {  	_ =	shalt  }
0x3f: {  	_ =	shalt  }
0x40: {  	_ =	shalt  }
0x41: {  	_ =	shalt  }
0x42: {  	_ =	shalt  }
0x43: {  	_ =	shalt  }
0x44: {  	_ =	shalt  }
0x45: {  	_ =	shalt  }
0x46: {  	_ =	shalt  }
0x47: {  	_ =	shalt  }
0x48: {  	_ =	shalt  }
0x49: {  	_ =	shalt  }
0x4a: {  	_ =	shalt  }
0x4b: {  	_ =	shalt  }
0x4c: {  	_ =	shalt  }
0x4d: {  	_ =	shalt  }
0x4e: {  	_ =	shalt  }
0x4f: {  	_ =	shalt  }
0x50: {  	_ =	shalt  }
0x51: {  	_ =	shalt  }
0x52: {  	_ =	shalt  }
0x53: {  	_ =	shalt  }
0x54: {  	_ =	shalt  }
0x55: {  	_ =	shalt  }
0x56: {  	_ =	shalt  }
0x57: {  	_ =	shalt  }
0x58: {  	_ =	shalt  }
0x59: {  	_ =	shalt  }
0x5a: {  	_ =	shalt  }
0x5b: {  	_ =	shalt  }
0x5c: {  	_ =	shalt  }
0x5d: {  	_ =	shalt  }
0x5e: {  	_ =	shalt  }
0x5f: {  	_ =	shalt  }
0x60: {  	_ =	shalt  }
0x61: {  	_ =	shalt  }
0x62: {  	_ =	shalt  }
0x63: {  	_ =	shalt  }
0x64: {  	_ =	shalt  }
0x65: {  	_ =	shalt  }
0x66: {  	_ =	shalt  }
0x67: {  	_ =	shalt  }
0x68: {  	_ =	shalt  }
0x69: {  	_ =	shalt  }
0x6a: {  	_ =	shalt  }
0x6b: {  	_ =	shalt  }
0x6c: {  	_ =	shalt  }
0x6d: {  	_ =	shalt  }
0x6e: {  	_ =	shalt  }
0x6f: {  	_ =	shalt  }
0x70: {  	_ =	shalt  }
0x71: {  	_ =	shalt  }
0x72: {  	_ =	shalt  }
0x73: {  	_ =	shalt  }
0x74: {  	_ =	shalt  }
0x75: {  	_ =	shalt  }
0x76: {  	_ =	shalt  }
0x77: {  	_ =	shalt  }
0x78: {  	_ =	shalt  }
0x79: {  	_ =	shalt  }
0x7a: {  	_ =	shalt  }
0x7b: {  	_ =	shalt  }
0x7c: {  	_ =	shalt  }
0x7d: {  	_ =	shalt  }
0x7e: {  	_ =	shalt  }
0x7f: {  	_ =	shalt  }
0x80: {  	_ =	shalt  }
0x81: {  	_ =	shalt  }
0x82: {  	_ =	shalt  }
0x83: {  	_ =	shalt  }
0x84: {  	_ =	shalt  }
0x85: {  	_ =	shalt  }
0x86: {  	_ =	shalt  }
0x87: {  	_ =	shalt  }
.Lfunc_end0:
.L_simem_size_0:
called_computation.1_lowered:
.L_overlay_start_0:
0x88: {  	s2 =	sld [smem:$0x3FD9]  }
0x89: {  	s3 =	sld [smem:$0x3FFE];
	_ =	sdelay $0x1  }
0x8a: {  	s1 =	srdreg.scid  }
0x8b: {  	s0 =	sand.u32 $0x1, s1  }
0x8c: {  	s16 =	sshll.u32 s0, $0xA;
	s2 =	sadd.s32 s3, s2  }
0x8d: {  	s2 =	sadd.s32 s2, s16  }
0x8e: {  	[smem:$0x3FC0] =	sst s2  }
0x8f: {  	_ = 	snop  }
0x90: {  	(tm) =	ssettm $0x1  }
0x91: {  	s17 =	sld [smem:$0x3FFB];
	_ =	sdelay $0x3  }
0x92: {  	_ =	strace s17  }
0x93: {  	s2 =	sld [smem:$0x3FFC];
	_ =	sdelay $0x3  }
0x94: {  	_ =	strace s2  }
0x95: {  	s2 =	sld [smem:$0x3FFD];
	_ =	sdelay $0x3  }
0x96: {  	_ =	strace s2  }
0x97: {  	_ =	strace $0x8FFFFFFF  }
0x98: {  	s18 =	sld [smem:$0x3FDB];
	_ =	sdelay $0x1  }
0x99: {  	s19 =	simm.s32 $_scs_section_size  }
0x9a: {  	s4 =	simm.s32 $_size__tile_overlayer_lowered;
	s5 =	simm.s32 $_tile_overlayer_lowered  }
0x9b: {  	s22 =	simm.s32 $0x1BFF;
	s21 =	sshll.u32 s5, $0x1;
	s2 =	sadd.s32 s19, s18  }
0x9c: {  	s6 =	simm.s32 $0x0;
	s20 =	sshll.u32 s4, $0x1;
	s4 =	sadd.s32 s21, s2  }
0x9d: {  	[timem:s6], [sflag:s22] =	dma.local [hbm:s4], s20  }
0x9e: {  	_ =	swait.ge [sflag:s22], s20  }
0x9f: {  	s3 =	ssub.s32 $0x0, s20;
	[sflag:s22] =	ssyncset.done $0x0  }
0xa0: {  	[sflag:s22] =	ssyncadd.s32 s3;
	_ =	sdelay $0x1  }
0xa1: {  	s23 =	simm.s32 $0x1B8B  }
0xa2: {  	_ =	swait.ge [sflag:s23], $0x1  }
0xa3: {  	[sflag:s23] =	ssyncset.done $0x0  }
0xa4: {  	s25 =	simm.s32 $0x1B8E;
	s24 =	sld [smem:$0x3FFE];
	[sflag:s23] =	ssyncadd.s32 $0xFFFFFFFF  }
0xa5: {  	s26 =	simm.s32 $execute0_lowered;
	[smem:$0x3FD2] =	sst s25  }
0xa6: {  	s4 =	sshll.u32 s26, $0x1;
	_ =	strace $0x80000049;
	[dreg:$0x1] =	wrdreg $0xFFFFFFFF  }
0xa7: {  	s28 =	simm.s32 $_size_execute0_lowered;
	s2 =	sadd.s32 s2, s4;
	[dreg:$0x0] =	wrdreg $0x0  }
0xa8: {  	s4 =	sshll.u32 s28, $0x1;
	[dreg:$0x2] =	wrdreg s2  }
0xa9: {  	[dreg:$0x3] =	wrdreg s4  }
0xaa: {  	[dreg:$0x4] =	wrdreg $0xC0  }
0xab: {  	_ =	task [dreg:s6], $0x5FFFF  }
0xac: {  	[dreg:$0x1] =	wrdreg $0xFFFFFFFF  }
0xad: {  	[dreg:$0x0] =	wrdreg $0x60  }
0xae: {  	[dreg:$0x2] =	wrdreg s24  }
0xaf: {  	[dreg:$0x3] =	wrdreg $0xC3000  }
0xb0: {  	[dreg:$0x4] =	wrdreg $0x9  }
0xb1: {  	_ =	task.clear_ibuf [dreg:s6], $0x5FFFF;
	_ =	strace $0x90000049  }
0xb2: {  	s29 =	simm.s32 $0x9;
	_ =	strace $0x8000004B  }
0xb3: {  	_ =	swait.ge [sflag:s29], $0x1  }
0xb4: {  	[sflag:s29] =	ssyncadd.s32 $0xFFFFFFFF  }
0xb5: {  	_ =	strace $0x9000004B  }
0xb6: {  	_ =	sfence  }
0xb7: {  	s30 =	sld [smem:$0x0];
	_ =	sdelay $0x2  }
0xb8: {  	s31 =	sshll.u32 s1, $0xD;
	s1 =	sshrl.u32 s1, $0x2  }
0xb9: {  	s3 =	sand.u32 $0x4000, s31;
	s1 =	sadd.s32 s1, s30  }
0xba: {  	s0 =	sor.u32 s3, s0;
	s1 =	sshll.u32 s1, $0x11  }
0xbb: {  	s0 =	sor.u32 s1, s0  }
0xbc: {  	s0 =	sadd.s32 $0x8F2B, s0  }
0xbd: {  	[sflag:s0] =	ssyncadd.remote.s32 $0x1  }
0xbe: {  	_ =	sfence.sel $0xFFFF  }
0xbf: {  	[dreg:$0x0] =	wrdreg $0xFFFFFFFF;
	(pc) =	sbr.abs _section_cstart, $3  }
0xc0: {  	[dreg:$0x1] =	wrdreg $0xFFFFFFFF  }
0xc1: {  	_ =	task.clear_ibuf [dreg:s6], $0x2FFFF;
	_ =	strace $0x9FFFFFFF  }
0xc2: {  	(tm) =	ssettm $0x7FFFFFFF  }
0xc3: {  	_ =	shalt  }
tec
execute0_lowered:
.L_overlay_start_1:
0x0: {  	(tag) =	ssettag $0x1  }
0x1: {  	s0 =	rddreg [dreg:$0x0]  }
0x2: {  	s2 =	rddreg [dreg:$0x1]  }
0x3: {  	s3 =	simm.s32 $0x0;
	s14 =	stileid.u32;
	s1 =	srdreg.scid  }
0x4: {  	s28 =	simm.s32 $0x8300;
	s29 =	simm.s32 $0x7;
	s30 =	simm.s32 $0x4  }
0x5: {  	s31 =	simm.s32 $0xA;
	[smem:$0x7FF] =	sst s3;
	s5 =	smul.u32 $0x2780, s14  }
0x6: {  	s1 =	sand.u32 $0x1, s1;
	s4 =	sadd.s32 $0x16600, s0;
	s10 =	smul.u32 $0x4F000, s14  }
0x7: {  	s7 =	sadd.s32 $0x2000, s0;
	s8 =	sadd.s32 $0xC000, s0;
	s13 =	smul.u32 $0x2800, s14  }
0x8: {  	_ =	strace $0x8000004A;
	s6 =	smul.u32 $0x27800, s1;
	s26 =	ssub.s32 $0x2, s1  }
0x9: {  	s12 =	sshll.u32 s1, $0x4;
	s1 =	smul.u32 $0x28000, s1;
	s9 =	sadd.s32 s5, s0  }
0xa: {  	s11 =	sshrl.u32 s26, $0x1;
	s10 =	sshrl.u32 s10, $0x2;
	s12 =	sor.u32 s14, s12  }
0xb: {  	s14 =	sshll.u32 s14, $0x6;
	s0 =	sadd.s32 s6, s0;
	s6 =	ssub.s32 s26, s11  }
0xc: {  	s10 =	sadd.s32 s10, s2;
	s12 =	smul.u32 $0x2800, s12;
	[dreg:$0xb] =	wrdreg s14  }
0xd: {  	s9 =	sadd.s32 $0x3DE00, s9;
	s1 =	sadd.s32 s13, s1;
	[dreg:$0x9] =	wrdreg s10  }
0xe: {  	s11 =	simm.s32 $0x0;
	[dreg:$0xa] =	wrdreg s9;
	s9 =	sor.u32 $0x1C0D, s14  }
0xf: {  	s16 =	sor.u32 $0x200, s1;
	s20 =	sor.u32 $0x180, s1;
	s24 =	sor.u32 $0x280, s1  }
0x10: {  	s1 =	sor.u32 $0x100, s1;
	s0 =	sadd.s32 $0x65600, s0;
	s6 =	smax.u32 s6, $0x1  }
0x11: {  	[dreg:$0xc] =	wrdreg s9;
	s15 =	sshrl.u32 s12, $0x3;
	s10 =	sshrl.u32 s16, $0x3  }
0x12: {  	s21 =	sshrl.u32 s20, $0x3;
	s1 =	sshrl.u32 s1, $0x3;
	[dreg:$0x12] =	wrdreg s6  }
0x13: {  	s16 =	simm.s32 $0x80;
	s20 =	simm.s32 $0x300;
	s0 =	sadd.s32 s5, s0  }
0x14: {  	s5 =	simm.s32 $0xB;
	s18 =	sadd.s32 s8, s15;
	[dreg:$0x13] =	wrdreg s0  }
0x15: {  	s6 =	simm.s32 $0x9;
	s19 =	sadd.s32 s10, s8;
	[dreg:$0xe] =	wrdreg s18  }
0x16: {  	s17 =	sadd.s32 s7, s15;
	s10 =	sadd.s32 s10, s7;
	[dreg:$0x3] =	wrdreg s19  }
0x17: {  	s9 =	sor.u32 $0x10, s15;
	s23 =	sadd.s32 s21, s8;
	[dreg:$0x4] =	wrdreg s10  }
0x18: {  	s25 =	sadd.s32 s21, s7;
	s1 =	sadd.s32 s1, s8;
	[dreg:$0x5] =	wrdreg s23  }
0x19: {  	s15 =	simm.s32 $0x180;
	s21 =	simm.s32 $0x4300;
	[dreg:$0x6] =	wrdreg s25  }
0x1a: {  	s0 =	simm.s32 $0x8;
	s22 =	sadd.s32 s7, s9;
	[dreg:$0xd] =	wrdreg s17  }
0x1b: {  	s9 =	sadd.s32 s8, s9;
	s26 =	sadd.s32 $0x20, s17;
	[dreg:$0x8] =	wrdreg s1  }
0x1c: {  	s17 =	simm.s32 $0x200;
	s18 =	simm.s32 $0x1;
	s19 =	simm.s32 $0x2  }
0x1d: {  	s25 =	simm.s32 $0x280;
	s1 =	simm.s32 $0x5;
	[dreg:$0xf] =	wrdreg s22  }
0x1e: {  	s8 =	simm.s32 $0x6;
	[dreg:$0x10] =	wrdreg s9;
	s9 =	sshrl.u32 s24, $0x3  }
0x1f: {  	[dreg:$0x11] =	wrdreg s26;
	s22 =	simm.s32 $0x100;
	s7 =	sadd.s32 s9, s7  }
0x20: {  	s26 =	simm.s32 $0x3;
	[dreg:$0x7] =	wrdreg s7;
	s7 =	simm.s32 $0xE  }
.LBB2_1:
0x21: {  	s9 =	rddreg [dreg:$0x9]  }
0x22: {  	s10 =	rddreg [dreg:$0xa]  }
0x23: {  	s12 =	rddreg [dreg:$0xc];
	s9 =	sshrl.u32 s9, $0x3  }
0x24: {  	[spmem:s9], [sflag:s12] =	dma.local [hbm:s10], $0x2780  }
0x25: {  	s10 =	rddreg [dreg:$0xd]  }
0x26: {  	[tilespmem:s3], [sflag:$0x1] =	stream.linear.gather [hbm4b:s10+s3], $0x80, $0x38;
	[tilespmem:$0x1FF00] =	vst v63  }
0x27: {  	s12 =	rddreg [dreg:$0xe]  }
0x28: {  	[tilespmem:s15], [sflag:$0x4] =	stream.linear.gather [hbm4b:s12+s3], $0x80, $0x38;
	[tilespmem:$0x1FF00] =	vst v63  }
0x29: {  	s13 =	rddreg [dreg:$0xf]  }
0x2a: {  	[tilespmem:s16], [sflag:$0x2] =	stream.linear.gather [hbm4b:s13+s3], $0x80, $0x38;
	[tilespmem:$0x1FF00] =	vst v63  }
0x2b: {  	s14 =	rddreg [dreg:$0x10]  }
0x2c: {  	[tilespmem:s17], [sflag:$0x5] =	stream.linear.gather [hbm4b:s14+s3], $0x80, $0x38;
	[tilespmem:$0x1FF00] =	vst v63  }
0x2d: {  	_ =	swait.ge [sflag:s18], $0x80  }
0x2e: {  	[sflag:s18] =	ssyncset.done $0x0  }
0x2f: {  	[sflag:s18] =	ssyncadd.s32 $0xFFFFFF80  }
0x30: {  	_ =	swait.ge [sflag:s19], $0x80  }
0x31: {  	[sflag:s19] =	ssyncset.done $0x0  }
0x32: {  	[sflag:s19] =	ssyncadd.s32 $0xFFFFFF80  }
0x33: {  	[tilespmem:s20], [sflag:$0x7] =	stream.indirect.gather [hbm4b:s4+s16], $0x80, s3, s16, $0xb8;
	[tilespmem:$0x1FF00] =	vst v63  }
0x34: {  	_ = 	snop  }
0x35: {  	[tilespmem:s21], [sflag:$0x8] =	stream.indirect.gather [hbm4b:s4+s16], $0x80, s16, s16, $0xb8;
	[tilespmem:$0x1FF00] =	vst v63  }
0x36: {  	s24 =	simm.s32 $0xD;
	s23 =	rddreg [dreg:$0x11]  }
0x37: {  	[tilespmem:s22], [sflag:$0x3] =	stream.linear.gather [hbm4b:s23+s3], $0x80, $0x38;
	[tilespmem:$0x1FF00] =	vst v63  }
0x38: {  	_ =	swait.ge [sflag:s24], $0x2780  }
0x39: {  	[sflag:s24] =	ssyncset.done $0x0  }
0x3a: {  	p0 =	por $0x1, $0x1;
	[sflag:s24] =	ssyncadd.s32 $0xFFFFD880  }
0x3b: {  	s12 =	simm.s32 @!p0 $0xC;
	[bflag:$0x0] =	sbarrier.arrive $0xFFFF  }
0x3c: {  	_ =	swait.ge @!p0 [sflag:s12], $0x4000  }
0x3d: {  	s13 =	rddreg [dreg:$0x8];
	[sflag:s12] =	ssyncset.done @!p0 $0x0  }
0x3e: {  	[sflag:s12] =	ssyncadd.s32 @!p0 $0xFFFFC000;
	s10 =	sadd.s32 $0x0, s13  }
0x3f: {  	[tilespmem:s25], [sflag:$0x6] =	stream.linear.gather [hbm4b:s10+s3], $0x80, $0x38;
	[tilespmem:$0x1FF00] =	vst v63  }
0x40: {  	_ =	swait.ge [sflag:s26], $0x80  }
0x41: {  	[sflag:s26] =	ssyncset.done $0x0  }
0x42: {  	[sflag:s26] =	ssyncadd.s32 $0xFFFFFF80  }
0x43: {  	[tilespmem:s28], [sflag:$0x9] =	stream.indirect.gather [hbm4b:s4+s16], $0x80, s22, s16, $0xb8;
	[tilespmem:$0x1FF00] =	vst v63  }
0x44: {  	_ =	swait.ge [sflag:s29], $0x4000  }
0x45: {  	s13 =	rddreg [dreg:$0x6];
	[sflag:s29] =	ssyncset.done $0x0  }
0x46: {  	[sflag:s29] =	ssyncadd.s32 $0xFFFFC000;
	s12 =	sadd.s32 $0x0, s13  }
0x47: {  	[tilespmem:s3], [sflag:$0x1] =	stream.linear.gather [hbm4b:s12+s3], $0x80, $0x38;
	[tilespmem:$0x1FF00] =	vst v63  }
0x48: {  	_ =	swait.ge [sflag:s30], $0x80  }
0x49: {  	[sflag:s30] =	ssyncset.done $0x0  }
0x4a: {  	[sflag:s30] =	ssyncadd.s32 $0xFFFFFF80  }
0x4b: {  	[spmem:s2] =	stream.indirect.scatter.add.f32 [tilespmem:s20], [sflag:$0xA], $0x80, s15, s16, $0xb8;
	[tilespmem:$0x1FF00] =	vst v63  }
0x4c: {  	_ =	swait.ge [sflag:s31], $0x4000  }
0x4d: {  	s14 =	rddreg [dreg:$0x5];
	[sflag:s31] =	ssyncset.done $0x0  }
0x4e: {  	[sflag:s31] =	ssyncadd.s32 $0xFFFFC000;
	s12 =	sadd.s32 $0x0, s14  }
0x4f: {  	[tilespmem:s15], [sflag:$0x4] =	stream.linear.gather [hbm4b:s12+s3], $0x80, $0x38;
	[tilespmem:$0x1FF00] =	vst v63  }
0x50: {  	_ =	swait.ge [sflag:s18], $0x80  }
0x51: {  	[sflag:s18] =	ssyncset.done $0x0  }
0x52: {  	[sflag:s18] =	ssyncadd.s32 $0xFFFFFF80  }
0x53: {  	[tilespmem:s20], [sflag:$0x7] =	stream.indirect.gather [hbm4b:s4+s16], $0x80, s3, s16, $0xb8;
	[tilespmem:$0x1FF00] =	vst v63  }
0x54: {  	_ =	swait.ge [sflag:s0], $0x4000  }
0x55: {  	s23 =	rddreg [dreg:$0x4];
	[sflag:s0] =	ssyncset.done $0x0  }
0x56: {  	[sflag:s0] =	ssyncadd.s32 $0xFFFFC000;
	s12 =	sadd.s32 $0x0, s23  }
0x57: {  	[tilespmem:s16], [sflag:$0x2] =	stream.linear.gather [hbm4b:s12+s3], $0x80, $0x38;
	[tilespmem:$0x1FF00] =	vst v63  }
0x58: {  	_ =	swait.ge [sflag:s1], $0x80  }
0x59: {  	[sflag:s1] =	ssyncset.done $0x0  }
0x5a: {  	[sflag:s1] =	ssyncadd.s32 $0xFFFFFF80  }
0x5b: {  	[spmem:s2] =	stream.indirect.scatter.add.f32 [tilespmem:s21], [sflag:$0xB], $0x80, s17, s16, $0xb8;
	[tilespmem:$0x1FF00] =	vst v63  }
0x5c: {  	_ =	swait.ge [sflag:s5], $0x4000  }
0x5d: {  	s24 =	rddreg [dreg:$0x3];
	[sflag:s5] =	ssyncset.done $0x0  }
0x5e: {  	[sflag:s5] =	ssyncadd.s32 $0xFFFFC000;
	s12 =	sadd.s32 $0x0, s24  }
0x5f: {  	[tilespmem:s17], [sflag:$0x5] =	stream.linear.gather [hbm4b:s12+s3], $0x80, $0x38;
	[tilespmem:$0x1FF00] =	vst v63  }
0x60: {  	_ =	swait.ge [sflag:s19], $0x80  }
0x61: {  	[sflag:s19] =	ssyncset.done $0x0  }
0x62: {  	[sflag:s19] =	ssyncadd.s32 $0xFFFFFF80  }
0x63: {  	[tilespmem:s21], [sflag:$0x8] =	stream.indirect.gather [hbm4b:s4+s16], $0x80, s16, s16, $0xb8;
	[tilespmem:$0x1FF00] =	vst v63  }
0x64: {  	p1 =	por $0x0, $0x0;
	p0 =	por $0x0, $0x0;
	_ =	swait.ge [sflag:s6], $0x4000  }
0x65: {  	s13 =	simm.s32 @!p0 $0x0;
	s12 =	rddreg [dreg:$0x7];
	[sflag:s6] =	ssyncset.done $0x0  }
0x66: {  	s14 =	simm.s32 @!p0 $0x100;
	[sflag:s6] =	ssyncadd.s32 $0xFFFFC000;
	s12 =	sadd.s32 @!p0 $0x0, s12  }
0x67: {  	[tilespmem:s14], [sflag:$0x3] =	stream.linear.gather @!p0 [hbm4b:s12+s13], $0x80, $0x38;
	[tilespmem:$0x1FF00] =	vst v63  }
0x68: {  	s12 =	simm.s32 $0x30;
	s13 =	simm.s32 $0x60;
	_ =	swait.ge [sflag:s8], $0x80  }
.LBB2_2:
0x69: {  	[sflag:s8] =	ssyncset.done $0x0  }
0x6a: {  	s24 =	simm.s32 @!p1 $0xC;
	[sflag:s8] =	ssyncadd.s32 $0xFFFFFF80  }
0x6b: {  	[spmem:s2] =	stream.indirect.scatter.add.f32 [tilespmem:s28], [sflag:$0xC], $0x80, s25, s16, $0xb8;
	[tilespmem:$0x1FF00] =	vst v63  }
0x6c: {  	_ =	swait.ge @!p1 [sflag:s24], $0x4000  }
0x6d: {  	[sflag:s24] =	ssyncset.done @!p1 $0x0;
	s23 =	rddreg [dreg:$0x8]  }
0x6e: {  	[sflag:s24] =	ssyncadd.s32 @!p1 $0xFFFFC000;
	s23 =	sadd.s32 s12, s23  }
0x6f: {  	[tilespmem:s25], [sflag:$0x6] =	stream.linear.gather [hbm4b:s23+s3], $0x80, $0x38;
	[tilespmem:$0x1FF00] =	vst v63  }
0x70: {  	_ =	swait.ge [sflag:s26], $0x80  }
0x71: {  	[sflag:s26] =	ssyncset.done $0x0  }
0x72: {  	[sflag:s26] =	ssyncadd.s32 $0xFFFFFF80  }
0x73: {  	[tilespmem:s28], [sflag:$0x9] =	stream.indirect.gather [hbm4b:s4+s16], $0x80, s22, s16, $0xb8;
	[tilespmem:$0x1FF00] =	vst v63  }
0x74: {  	_ =	swait.ge [sflag:s29], $0x4000  }
0x75: {  	s10 =	rddreg [dreg:$0x6];
	[sflag:s29] =	ssyncset.done $0x0  }
0x76: {  	[sflag:s29] =	ssyncadd.s32 $0xFFFFC000;
	s23 =	sadd.s32 s12, s10  }
0x77: {  	[tilespmem:s3], [sflag:$0x1] =	stream.linear.gather [hbm4b:s23+s3], $0x80, $0x38;
	[tilespmem:$0x1FF00] =	vst v63  }
0x78: {  	_ =	swait.ge [sflag:s30], $0x80  }
0x79: {  	[sflag:s30] =	ssyncset.done $0x0  }
0x7a: {  	[sflag:s30] =	ssyncadd.s32 $0xFFFFFF80  }
0x7b: {  	[spmem:s2] =	stream.indirect.scatter.add.f32 [tilespmem:s20], [sflag:$0xA], $0x80, s15, s16, $0xb8;
	[tilespmem:$0x1FF00] =	vst v63  }
0x7c: {  	_ =	swait.ge [sflag:s31], $0x4000  }
0x7d: {  	s24 =	rddreg [dreg:$0x5];
	[sflag:s31] =	ssyncset.done $0x0  }
0x7e: {  	[sflag:s31] =	ssyncadd.s32 $0xFFFFC000;
	s23 =	sadd.s32 s12, s24  }
0x7f: {  	[tilespmem:s15], [sflag:$0x4] =	stream.linear.gather [hbm4b:s23+s3], $0x80, $0x38;
	[tilespmem:$0x1FF00] =	vst v63  }
0x80: {  	_ =	swait.ge [sflag:s18], $0x80  }
0x81: {  	[sflag:s18] =	ssyncset.done $0x0  }
0x82: {  	[sflag:s18] =	ssyncadd.s32 $0xFFFFFF80  }
0x83: {  	[tilespmem:s20], [sflag:$0x7] =	stream.indirect.gather [hbm4b:s4+s16], $0x80, s3, s16, $0xb8;
	[tilespmem:$0x1FF00] =	vst v63  }
0x84: {  	_ =	swait.ge [sflag:s0], $0x4000  }
0x85: {  	s10 =	rddreg [dreg:$0x4];
	[sflag:s0] =	ssyncset.done $0x0  }
0x86: {  	[sflag:s0] =	ssyncadd.s32 $0xFFFFC000;
	s23 =	sadd.s32 s12, s10  }
0x87: {  	[tilespmem:s16], [sflag:$0x2] =	stream.linear.gather [hbm4b:s23+s3], $0x80, $0x38;
	[tilespmem:$0x1FF00] =	vst v63  }
0x88: {  	_ =	swait.ge [sflag:s1], $0x80  }
0x89: {  	[sflag:s1] =	ssyncset.done $0x0  }
0x8a: {  	[sflag:s1] =	ssyncadd.s32 $0xFFFFFF80  }
0x8b: {  	[spmem:s2] =	stream.indirect.scatter.add.f32 [tilespmem:s21], [sflag:$0xB], $0x80, s17, s16, $0xb8;
	[tilespmem:$0x1FF00] =	vst v63  }
0x8c: {  	_ =	swait.ge [sflag:s5], $0x4000  }
0x8d: {  	s24 =	rddreg [dreg:$0x3];
	[sflag:s5] =	ssyncset.done $0x0  }
0x8e: {  	[sflag:s5] =	ssyncadd.s32 $0xFFFFC000;
	s23 =	sadd.s32 s12, s24  }
0x8f: {  	[tilespmem:s17], [sflag:$0x5] =	stream.linear.gather [hbm4b:s23+s3], $0x80, $0x38;
	[tilespmem:$0x1FF00] =	vst v63  }
0x90: {  	_ =	swait.ge [sflag:s19], $0x80  }
0x91: {  	s14 =	smov.u32 s13;
	s13 =	sadd.s32 $0x30, s13;
	[sflag:s19] =	ssyncset.done $0x0  }
0x92: {  	p0 =	sne.s32 s13, $0x4E0;
	p1 =	seq.s32 s12, $0x4B0;
	[sflag:s19] =	ssyncadd.s32 $0xFFFFFF80  }
0x93: {  	[tilespmem:s21], [sflag:$0x8] =	stream.indirect.gather [hbm4b:s4+s16], $0x80, s16, s16, $0xb8;
	[tilespmem:$0x1FF00] =	vst v63  }
.Ltmp0:
0x94: {  	s10 =	simm.s32 @!p1 $0x100;
	_ =	swait.ge [sflag:s6], $0x4000;
	(pc) =	sbr.rel @p0 .LBB2_2-.Ltmp0, $4  }
0x95: {  	s24 =	simm.s32 @!p1 $0x0;
	s23 =	rddreg [dreg:$0x7];
	[sflag:s6] =	ssyncset.done $0x0  }
0x96: {  	[sflag:s6] =	ssyncadd.s32 $0xFFFFC000;
	s23 =	sadd.s32 @!p1 s12, s23;
	s12 =	smov.u32 s14  }
0x97: {  	[tilespmem:s10], [sflag:$0x3] =	stream.linear.gather @!p1 [hbm4b:s23+s24], $0x80, $0x38;
	[tilespmem:$0x1FF00] =	vst v63  }
0x98: {  	p1 =	seq.s32 s12, $0x0;
	_ =	swait.ge [sflag:s8], $0x80  }
0x99: {  	[sflag:s8] =	ssyncset.done $0x0  }
0x9a: {  	s10 =	simm.s32 @!p1 $0xC;
	[sflag:s8] =	ssyncadd.s32 $0xFFFFFF80  }
0x9b: {  	[spmem:s2] =	stream.indirect.scatter.add.f32 [tilespmem:s28], [sflag:$0xC], $0x80, s25, s16, $0xb8;
	[tilespmem:$0x1FF00] =	vst v63  }
0x9c: {  	_ =	swait.ge @!p1 [sflag:s10], $0x4000  }
0x9d: {  	s13 =	rddreg [dreg:$0x8];
	[sflag:s10] =	ssyncset.done @!p1 $0x0  }
0x9e: {  	[sflag:s10] =	ssyncadd.s32 @!p1 $0xFFFFC000;
	s24 =	sadd.s32 s12, s13  }
0x9f: {  	[tilespmem:s25], [sflag:$0x6] =	stream.linear.gather [hbm4b:s24+s3], $0x80, $0x38;
	[tilespmem:$0x1FF00] =	vst v63  }
0xa0: {  	_ =	swait.ge [sflag:s26], $0x80  }
0xa1: {  	[sflag:s26] =	ssyncset.done $0x0  }
0xa2: {  	[sflag:s26] =	ssyncadd.s32 $0xFFFFFF80  }
0xa3: {  	[tilespmem:s28], [sflag:$0x9] =	stream.indirect.gather [hbm4b:s4+s16], $0x80, s22, s16, $0xb8;
	[tilespmem:$0x1FF00] =	vst v63  }
0xa4: {  	_ =	swait.ge [sflag:s29], $0x4000  }
0xa5: {  	s13 =	rddreg [dreg:$0x6];
	[sflag:s29] =	ssyncset.done $0x0  }
0xa6: {  	[sflag:s29] =	ssyncadd.s32 $0xFFFFC000;
	s10 =	sadd.s32 s12, s13  }
0xa7: {  	[tilespmem:s3], [sflag:$0x1] =	stream.linear.gather [hbm4b:s10+s3], $0x80, $0x38;
	[tilespmem:$0x1FF00] =	vst v63  }
0xa8: {  	_ =	swait.ge [sflag:s30], $0x80  }
0xa9: {  	[sflag:s30] =	ssyncset.done $0x0  }
0xaa: {  	[sflag:s30] =	ssyncadd.s32 $0xFFFFFF80  }
0xab: {  	[spmem:s2] =	stream.indirect.scatter.add.f32 [tilespmem:s20], [sflag:$0xA], $0x80, s15, s16, $0xb8;
	[tilespmem:$0x1FF00] =	vst v63  }
0xac: {  	_ =	swait.ge [sflag:s31], $0x4000  }
0xad: {  	s14 =	rddreg [dreg:$0x5];
	[sflag:s31] =	ssyncset.done $0x0  }
0xae: {  	[sflag:s31] =	ssyncadd.s32 $0xFFFFC000;
	s10 =	sadd.s32 s12, s14  }
0xaf: {  	[tilespmem:s15], [sflag:$0x4] =	stream.linear.gather [hbm4b:s10+s3], $0x80, $0x38;
	[tilespmem:$0x1FF00] =	vst v63  }
0xb0: {  	_ =	swait.ge [sflag:s18], $0x80  }
0xb1: {  	[sflag:s18] =	ssyncset.done $0x0  }
0xb2: {  	[sflag:s18] =	ssyncadd.s32 $0xFFFFFF80  }
0xb3: {  	[tilespmem:s20], [sflag:$0x7] =	stream.indirect.gather [hbm4b:s4+s16], $0x80, s3, s16, $0xb8;
	[tilespmem:$0x1FF00] =	vst v63  }
0xb4: {  	_ =	swait.ge [sflag:s0], $0x4000  }
0xb5: {  	s23 =	rddreg [dreg:$0x4];
	[sflag:s0] =	ssyncset.done $0x0  }
0xb6: {  	[sflag:s0] =	ssyncadd.s32 $0xFFFFC000;
	s10 =	sadd.s32 s12, s23  }
0xb7: {  	[tilespmem:s16], [sflag:$0x2] =	stream.linear.gather [hbm4b:s10+s3], $0x80, $0x38;
	[tilespmem:$0x1FF00] =	vst v63  }
0xb8: {  	_ =	swait.ge [sflag:s1], $0x80  }
0xb9: {  	[sflag:s1] =	ssyncset.done $0x0  }
0xba: {  	[sflag:s1] =	ssyncadd.s32 $0xFFFFFF80  }
0xbb: {  	[spmem:s2] =	stream.indirect.scatter.add.f32 [tilespmem:s21], [sflag:$0xB], $0x80, s17, s16, $0xb8;
	[tilespmem:$0x1FF00] =	vst v63  }
0xbc: {  	_ =	swait.ge [sflag:s5], $0x4000  }
0xbd: {  	s24 =	rddreg [dreg:$0x3];
	[sflag:s5] =	ssyncset.done $0x0  }
0xbe: {  	[sflag:s5] =	ssyncadd.s32 $0xFFFFC000;
	s10 =	sadd.s32 s12, s24  }
0xbf: {  	[tilespmem:s17], [sflag:$0x5] =	stream.linear.gather [hbm4b:s10+s3], $0x80, $0x38;
	[tilespmem:$0x1FF00] =	vst v63  }
0xc0: {  	_ =	swait.ge [sflag:s19], $0x80  }
0xc1: {  	[sflag:s19] =	ssyncset.done $0x0  }
0xc2: {  	[sflag:s19] =	ssyncadd.s32 $0xFFFFFF80  }
0xc3: {  	[tilespmem:s21], [sflag:$0x8] =	stream.indirect.gather [hbm4b:s4+s16], $0x80, s16, s16, $0xb8;
	[tilespmem:$0x1FF00] =	vst v63  }
0xc4: {  	p0 =	seq.s32 s12, $0x4B0;
	_ =	swait.ge [sflag:s6], $0x4000  }
0xc5: {  	s13 =	simm.s32 @!p0 $0x0;
	s10 =	rddreg [dreg:$0x7];
	[sflag:s6] =	ssyncset.done $0x0  }
0xc6: {  	[sflag:s6] =	ssyncadd.s32 $0xFFFFC000;
	s10 =	sadd.s32 @!p0 s12, s10;
	s12 =	simm.s32 @!p0 $0x100  }
0xc7: {  	[tilespmem:s12], [sflag:$0x3] =	stream.linear.gather @!p0 [hbm4b:s10+s13], $0x80, $0x38;
	[tilespmem:$0x1FF00] =	vst v63  }
0xc8: {  	_ =	swait.ge [sflag:s8], $0x80  }
0xc9: {  	[sflag:s8] =	ssyncset.done $0x0  }
0xca: {  	s13 =	simm.s32 $0xC;
	[sflag:s8] =	ssyncadd.s32 $0xFFFFFF80  }
0xcb: {  	[spmem:s2] =	stream.indirect.scatter.add.f32 [tilespmem:s28], [sflag:$0xC], $0x80, s25, s16, $0xb8;
	[tilespmem:$0x1FF00] =	vst v63  }
0xcc: {  	_ =	swait.ge [sflag:s13], $0x4000  }
0xcd: {  	[sflag:s13] =	ssyncset.done $0x0  }
0xce: {  	[sflag:s13] =	ssyncadd.s32 $0xFFFFC000  }
0xcf: {  	_ =	swait.ge [sflag:s29], $0x4000  }
0xd0: {  	[sflag:s29] =	ssyncset.done $0x0  }
0xd1: {  	[sflag:s29] =	ssyncadd.s32 $0xFFFFC000  }
0xd2: {  	_ =	swait.ge [sflag:s30], $0x80  }
0xd3: {  	[sflag:s30] =	ssyncset.done $0x0  }
0xd4: {  	[sflag:s30] =	ssyncadd.s32 $0xFFFFFF80  }
0xd5: {  	[spmem:s2] =	stream.indirect.scatter.add.f32 [tilespmem:s20], [sflag:$0xA], $0x80, s15, s16, $0xb8;
	[tilespmem:$0x1FF00] =	vst v63  }
0xd6: {  	_ =	swait.ge [sflag:s31], $0x4000  }
0xd7: {  	[sflag:s31] =	ssyncset.done $0x0  }
0xd8: {  	[sflag:s31] =	ssyncadd.s32 $0xFFFFC000  }
0xd9: {  	_ =	swait.ge [sflag:s0], $0x4000  }
0xda: {  	[sflag:s0] =	ssyncset.done $0x0  }
0xdb: {  	[sflag:s0] =	ssyncadd.s32 $0xFFFFC000  }
0xdc: {  	_ =	swait.ge [sflag:s1], $0x80  }
0xdd: {  	[sflag:s1] =	ssyncset.done $0x0  }
0xde: {  	[sflag:s1] =	ssyncadd.s32 $0xFFFFFF80  }
0xdf: {  	[spmem:s2] =	stream.indirect.scatter.add.f32 [tilespmem:s21], [sflag:$0xB], $0x80, s17, s16, $0xb8;
	[tilespmem:$0x1FF00] =	vst v63  }
0xe0: {  	_ =	swait.ge [sflag:s5], $0x4000  }
0xe1: {  	[sflag:s5] =	ssyncset.done $0x0  }
0xe2: {  	[sflag:s5] =	ssyncadd.s32 $0xFFFFC000  }
0xe3: {  	[bflag:$0x0] =	sbarrier.arrive $0xFFFF  }
0xe4: {  	s14 =	rddreg [dreg:$0xb]  }
0xe5: {  	s23 =	rddreg [dreg:$0x13];
	s10 =	sor.u32 $0x1C0E, s14  }
0xe6: {  	[hbm:s23], [sflag:s10] =	dma.local [spmem:s9], $0x2780  }
0xe7: {  	_ =	swait.ge [sflag:s7], $0x2780  }
0xe8: {  	s11 =	sadd.s32 $0x1, s11;
	s24 =	rddreg [dreg:$0x12]  }
0xe9: {  	p0 =	sne.s32 s11, s24  }
.Ltmp1:
0xea: {  	_ = 	snop;
	(pc) =	sbr.rel @p0 .LBB2_1-.Ltmp1, $3  }
0xeb: {  	_ =	sdelay $0x1  }
0xec: {  	[sflag:s7] =	ssyncset.done $0x0  }
0xed: {  	[sflag:s7] =	ssyncadd.s32 $0xFFFFD880  }
0xee: {  	_ =	sfence.sel $0x180000  }
0xef: {  	[bflag:$0x0] =	sbarrier.arrive $0xFFFF  }
0xf0: {  	_ =	strace $0x9000004A  }
0xf1: {  	s0 =	stileid.u32;
	[bflag:$0x2] =	sbarrier.arrive $0xFFFF  }
0xf2: {  	p0 =	sne.s32 s0, $0x0;
	s0 =	rddreg [dreg:$0x2]  }
0xf3: {  	s0 =	sadd.s32 @!p0 $0x100000, s0  }
0xf4: {  	[sflag:s0] =	ssyncadd.tile.s32 @!p0 $0x1;
	_ =	shalt  }
.Lfunc_end2:
_tile_overlayer_lowered:
.L_overlay_start_2:
0xf5: {  	(tag) =	ssettag $0x2  }
0xf6: {  	s0 =	rddreg [dreg:$0x0];
	s2 =	stileid.u32  }
0xf7: {  	s1 =	rddreg [dreg:$0x1];
	p0 =	sne.s32 s2, $0x0  }
0xf8: {  	s3 =	rddreg [dreg:$0x2];
	[bflag:$0x3] =	sbarrier.arrive $0xFFFF;
	s2 =	simm.s32 @!p0 $0x1C0E  }
0xf9: {  	[timem:s3], [sflag:s2] =	dma.local @!p0 [hbm:s0], s1  }
0xfa: {  	s0 =	simm.s32 @!p0 $0xE  }
0xfb: {  	_ =	swait.ge @!p0 [sflag:s0], s1  }
0xfc: {  	s1 =	ssub.s32 @!p0 $0x0, s1;
	[sflag:s0] =	ssyncset.done @!p0 $0x0  }
0xfd: {  	[sflag:s0] =	ssyncadd.s32 @!p0 s1  }
0xfe: {  	[bflag:$0x3] =	sbarrier.arrive $0xFFFF  }
0xff: {  	_ =	shalt  }

// kernel: kernel.16.cloned.1.call-start
scs
__scs_entry_jumppad:
0x0: {  	(pc) =	sbr.rel $0x88, $3  }
0x1: {  	(tag) =	ssettag $0x0;
	lr =	simm.s32 $0x1  }
0x2: {  	[smem:$0x3F99] =	sst lr;
	_ =	strace $0xD0000000  }
0x3: {  	_ = 	snop  }
0x4: {  	_ = 	snop  }
0x5: {  	_ = 	snop  }
0x6: {  	_ = 	snop  }
0x7: {  	_ = 	snop  }
__scs_overlays_trampoline_lowered:
0x8: {  	[smem:$0x3FA8] =	sst s0  }
0x9: {  	[smem:$0x3FA9] =	sst s1  }
0xa: {  	[smem:$0x3FAA] =	sst s2  }
0xb: {  	[smem:$0x3FAB] =	sst s3  }
0xc: {  	[smem:$0x3FAC] =	sst s4  }
0xd: {  	[smem:$0x3FAD] =	sst s5  }
0xe: {  	[smem:$0x3FAE] =	sst s6  }
0xf: {  	[smem:$0x3FAF] =	sst s7  }
0x10: {  	[smem:$0x3FB0] =	sst s8  }
0x11: {  	[smem:$0x3FB1] =	sst s9;
	s0 =	simm.s32 @!p0 $0x0  }
0x12: {  	s1 =	sld [smem:$0x3F97];
	s0 =	simm.s32 @p0 $0x1  }
0x13: {  	[smem:$0x3FB2] =	sst s0;
	s0 =	simm.s32 @!p1 $0x0  }
0x14: {  	s2 =	sld [smem:$0x3F96];
	s0 =	simm.s32 @p1 $0x1  }
0x15: {  	[smem:$0x3FB3] =	sst s0;
	s0 =	simm.s32 @!p2 $0x0  }
0x16: {  	s3 =	sld [smem:$0x3FDB];
	s0 =	simm.s32 @p2 $0x1  }
0x17: {  	s4 =	simm.s32 $0x1BF5;
	[smem:$0x3FB5] =	sst s0  }
0x18: {  	s0 =	sld [smem:$0x3F98];
	_ =	swait.ge [sflag:s4], $0x0  }
0x19: {  	s7 =	sld [smem:$0x3F99]  }
0x1a: {  	s8 =	sadd.s32 $0xFFFFE003, lr  }
0x1b: {  	s9 =	sadd.s32 $0xFFFFFEF7, lr;
	s5 =	simm.s32 $0xFFFFFFFF;
	p2 =	slt.u32 s8, $0xFFFFF086  }
0x1c: {  	p1 =	slt.u32 s9, $0xF7A;
	s5 =	simm.s32 @!p2 $0x0  }
0x1d: {  	s5 =	simm.s32 @p1 $0x1;
	p0 =	seq.s32 s7, s2  }
0x1e: {  	s7 =	smul.u32 @!p0 $0xF7A, s2;
	p2 =	seq.s32 @!p0 s5, $0x0  }
0x1f: {  	s9 =	smul.u32 $0xF7A, s1;
	s8 =	simm.s32 @!p0 $0x1BF5;
	p2 =	por !p2, p0  }
0x20: {  	[sflag:s8] =	ssyncset.s32 @!p0 $0xFFFFF086;
	s6 =	sadd.s32 @!p0 s3, s7;
	s7 =	simm.s32 @!p0 $0x108  }
0x21: {  	s3 =	sadd.s32 s3, s9;
	s6 =	sadd.s32 @!p0 $0x88, s6;
	s7 =	simm.s32 @p2 $0x1082  }
0x22: {  	[simem:s7], [sflag:s8] =	dma.local @!p0 [hbm:s6], $0xF7A  }
0x23: {  	s9 =	sor.u32 $0xD0000000, s2;
	s6 =	simm.s32 $0x108;
	_ =	swait.ge @!p0 [sflag:s8], $0x0  }
0x24: {  	s3 =	sadd.s32 $0x88, s3;
	s6 =	simm.s32 @!p1 $0x1082;
	[sflag:s4] =	ssyncset.s32 $0xFFFFF086  }
0x25: {  	[simem:s6], [sflag:s4] =	dma.local [hbm:s3], $0xF7A  }
0x26: {  	[smem:$0x3F99] =	sst s1;
	(tag) =	ssettag s2;
	_ =	strace s9  }
0x27: {  	s1 =	sld [smem:$0x3FA9]  }
0x28: {  	s2 =	sld [smem:$0x3FAA]  }
0x29: {  	s4 =	sld [smem:$0x3FAC]  }
0x2a: {  	p0 =	seq.s32 s5, $0x0;
	s5 =	sld [smem:$0x3FAD]  }
0x2b: {  	s6 =	sld [smem:$0x3FAE]  }
0x2c: {  	s7 =	sld [smem:$0x3FAF]  }
0x2d: {  	s3 =	simm.s32 $0x108;
	s8 =	sld [smem:$0x3FB0]  }
0x2e: {  	s3 =	simm.s32 @!p0 $0x1082;
	s9 =	sld [smem:$0x3FB1]  }
0x2f: {  	lr =	sadd.s32 s0, s3;
	s0 =	sld [smem:$0x3FA8]  }
0x30: {  	s3 =	sld [smem:$0x3FAB]  }
0x31: {  	[smem:$0x3FB4] =	sst s10  }
0x32: {  	s10 =	sld [smem:$0x3FB2];
	_ =	sdelay $0x3  }
0x33: {  	p0 =	seq.s32 s10, $0x1;
	s10 =	sld [smem:$0x3FB4];
	_ =	sdelay $0x3  }
0x34: {  	[smem:$0x3FB4] =	sst s10  }
0x35: {  	s10 =	sld [smem:$0x3FB3];
	_ =	sdelay $0x3  }
0x36: {  	p1 =	seq.s32 s10, $0x1;
	s10 =	sld [smem:$0x3FB4];
	_ =	sdelay $0x3  }
0x37: {  	[smem:$0x3FB4] =	sst s10  }
0x38: {  	s10 =	sld [smem:$0x3FB5]  }
0x39: {  	_ = 	snop;
	(pc) =	sbr.ind lr, $3  }
0x3a: {  	_ = 	snop  }
0x3b: {  	_ = 	snop  }
0x3c: {  	p2 =	seq.s32 s10, $0x1;
	s10 =	sld [smem:$0x3FB4]  }
0x3d: {  	_ =	shalt  }
0x3e: {  	_ =	shalt  }
0x3f: {  	_ =	shalt  }
0x40: {  	_ =	shalt  }
0x41: {  	_ =	shalt  }
0x42: {  	_ =	shalt  }
0x43: {  	_ =	shalt  }
0x44: {  	_ =	shalt  }
0x45: {  	_ =	shalt  }
0x46: {  	_ =	shalt  }
0x47: {  	_ =	shalt  }
0x48: {  	_ =	shalt  }
0x49: {  	_ =	shalt  }
0x4a: {  	_ =	shalt  }
0x4b: {  	_ =	shalt  }
0x4c: {  	_ =	shalt  }
0x4d: {  	_ =	shalt  }
0x4e: {  	_ =	shalt  }
0x4f: {  	_ =	shalt  }
0x50: {  	_ =	shalt  }
0x51: {  	_ =	shalt  }
0x52: {  	_ =	shalt  }
0x53: {  	_ =	shalt  }
0x54: {  	_ =	shalt  }
0x55: {  	_ =	shalt  }
0x56: {  	_ =	shalt  }
0x57: {  	_ =	shalt  }
0x58: {  	_ =	shalt  }
0x59: {  	_ =	shalt  }
0x5a: {  	_ =	shalt  }
0x5b: {  	_ =	shalt  }
0x5c: {  	_ =	shalt  }
0x5d: {  	_ =	shalt  }
0x5e: {  	_ =	shalt  }
0x5f: {  	_ =	shalt  }
0x60: {  	_ =	shalt  }
0x61: {  	_ =	shalt  }
0x62: {  	_ =	shalt  }
0x63: {  	_ =	shalt  }
0x64: {  	_ =	shalt  }
0x65: {  	_ =	shalt  }
0x66: {  	_ =	shalt  }
0x67: {  	_ =	shalt  }
0x68: {  	_ =	shalt  }
0x69: {  	_ =	shalt  }
0x6a: {  	_ =	shalt  }
0x6b: {  	_ =	shalt  }
0x6c: {  	_ =	shalt  }
0x6d: {  	_ =	shalt  }
0x6e: {  	_ =	shalt  }
0x6f: {  	_ =	shalt  }
0x70: {  	_ =	shalt  }
0x71: {  	_ =	shalt  }
0x72: {  	_ =	shalt  }
0x73: {  	_ =	shalt  }
0x74: {  	_ =	shalt  }
0x75: {  	_ =	shalt  }
0x76: {  	_ =	shalt  }
0x77: {  	_ =	shalt  }
0x78: {  	_ =	shalt  }
0x79: {  	_ =	shalt  }
0x7a: {  	_ =	shalt  }
0x7b: {  	_ =	shalt  }
0x7c: {  	_ =	shalt  }
0x7d: {  	_ =	shalt  }
0x7e: {  	_ =	shalt  }
0x7f: {  	_ =	shalt  }
0x80: {  	_ =	shalt  }
0x81: {  	_ =	shalt  }
0x82: {  	_ =	shalt  }
0x83: {  	_ =	shalt  }
0x84: {  	_ =	shalt  }
0x85: {  	_ =	shalt  }
0x86: {  	_ =	shalt  }
0x87: {  	_ =	shalt  }
.Lfunc_end0:
.L_simem_size_0:
called_computation.2_lowered:
.L_overlay_start_0:
0x88: {  	s2 =	sld [smem:$0x3FD9]  }
0x89: {  	s3 =	sld [smem:$0x3FFE];
	_ =	sdelay $0x1  }
0x8a: {  	s1 =	srdreg.scid  }
0x8b: {  	s0 =	sand.u32 $0x1, s1  }
0x8c: {  	s16 =	sshll.u32 s0, $0xA;
	s2 =	sadd.s32 s3, s2  }
0x8d: {  	s2 =	sadd.s32 s2, s16  }
0x8e: {  	[smem:$0x3FC0] =	sst s2  }
0x8f: {  	_ = 	snop  }
0x90: {  	(tm) =	ssettm $0x1  }
0x91: {  	s17 =	sld [smem:$0x3FFB];
	_ =	sdelay $0x3  }
0x92: {  	_ =	strace s17  }
0x93: {  	s2 =	sld [smem:$0x3FFC];
	_ =	sdelay $0x3  }
0x94: {  	_ =	strace s2  }
0x95: {  	s2 =	sld [smem:$0x3FFD];
	_ =	sdelay $0x3  }
0x96: {  	_ =	strace s2  }
0x97: {  	_ =	strace $0x8FFFFFFF  }
0x98: {  	s18 =	sld [smem:$0x3FDB];
	_ =	sdelay $0x1  }
0x99: {  	s19 =	simm.s32 $_scs_section_size  }
0x9a: {  	s4 =	simm.s32 $_size__tile_overlayer_lowered;
	s5 =	simm.s32 $_tile_overlayer_lowered  }
0x9b: {  	s22 =	simm.s32 $0x1BFF;
	s21 =	sshll.u32 s5, $0x1;
	s2 =	sadd.s32 s19, s18  }
0x9c: {  	s6 =	simm.s32 $0x0;
	s20 =	sshll.u32 s4, $0x1;
	s4 =	sadd.s32 s21, s2  }
0x9d: {  	[timem:s6], [sflag:s22] =	dma.local [hbm:s4], s20  }
0x9e: {  	_ =	swait.ge [sflag:s22], s20  }
0x9f: {  	s3 =	ssub.s32 $0x0, s20;
	[sflag:s22] =	ssyncset.done $0x0  }
0xa0: {  	[sflag:s22] =	ssyncadd.s32 s3;
	_ =	sdelay $0x1  }
0xa1: {  	s23 =	simm.s32 $0x1B8B  }
0xa2: {  	_ =	swait.ge [sflag:s23], $0x1  }
0xa3: {  	[sflag:s23] =	ssyncset.done $0x0  }
0xa4: {  	s25 =	simm.s32 $0x1B8E;
	s24 =	sld [smem:$0x3FFE];
	[sflag:s23] =	ssyncadd.s32 $0xFFFFFFFF  }
0xa5: {  	s26 =	simm.s32 $execute0_lowered;
	[smem:$0x3FD2] =	sst s25  }
0xa6: {  	s4 =	sshll.u32 s26, $0x1;
	_ =	strace $0x8000004C;
	[dreg:$0x1] =	wrdreg $0xFFFFFFFF  }
0xa7: {  	s28 =	simm.s32 $_size_execute0_lowered;
	s2 =	sadd.s32 s2, s4;
	[dreg:$0x0] =	wrdreg $0x0  }
0xa8: {  	s4 =	sshll.u32 s28, $0x1;
	[dreg:$0x2] =	wrdreg s2  }
0xa9: {  	[dreg:$0x3] =	wrdreg s4  }
0xaa: {  	[dreg:$0x4] =	wrdreg $0xC0  }
0xab: {  	_ =	task [dreg:s6], $0x5FFFF  }
0xac: {  	[dreg:$0x1] =	wrdreg $0xFFFFFFFF  }
0xad: {  	[dreg:$0x0] =	wrdreg $0x60  }
0xae: {  	[dreg:$0x2] =	wrdreg s24  }
0xaf: {  	[dreg:$0x3] =	wrdreg $0xC3000  }
0xb0: {  	[dreg:$0x4] =	wrdreg $0x9  }
0xb1: {  	_ =	task.clear_ibuf [dreg:s6], $0x5FFFF;
	_ =	strace $0x9000004C  }
0xb2: {  	s29 =	simm.s32 $0x9;
	_ =	strace $0x8000004E  }
0xb3: {  	_ =	swait.ge [sflag:s29], $0x1  }
0xb4: {  	[sflag:s29] =	ssyncadd.s32 $0xFFFFFFFF  }
0xb5: {  	_ =	strace $0x9000004E  }
0xb6: {  	_ =	sfence  }
0xb7: {  	s30 =	sld [smem:$0x0];
	_ =	sdelay $0x2  }
0xb8: {  	s31 =	sshll.u32 s1, $0xD;
	s1 =	sshrl.u32 s1, $0x2  }
0xb9: {  	s3 =	sand.u32 $0x4000, s31;
	s1 =	sadd.s32 s1, s30  }
0xba: {  	s0 =	sor.u32 s3, s0;
	s1 =	sshll.u32 s1, $0x11  }
0xbb: {  	s0 =	sor.u32 s1, s0  }
0xbc: {  	s0 =	sadd.s32 $0x8F2B, s0  }
0xbd: {  	[sflag:s0] =	ssyncadd.remote.s32 $0x1  }
0xbe: {  	_ =	sfence.sel $0xFFFF  }
0xbf: {  	[dreg:$0x0] =	wrdreg $0xFFFFFFFF;
	(pc) =	sbr.abs _section_cstart, $3  }
0xc0: {  	[dreg:$0x1] =	wrdreg $0xFFFFFFFF  }
0xc1: {  	_ =	task.clear_ibuf [dreg:s6], $0x2FFFF;
	_ =	strace $0x9FFFFFFF  }
0xc2: {  	(tm) =	ssettm $0x7FFFFFFF  }
0xc3: {  	_ =	shalt  }
tec
execute0_lowered:
.L_overlay_start_1:
0x0: {  	(tag) =	ssettag $0x1  }
0x1: {  	s0 =	rddreg [dreg:$0x0]  }
0x2: {  	s2 =	rddreg [dreg:$0x1]  }
0x3: {  	s3 =	simm.s32 $0x0;
	s14 =	stileid.u32;
	s1 =	srdreg.scid  }
0x4: {  	s28 =	simm.s32 $0x8300;
	s29 =	simm.s32 $0x7;
	s30 =	simm.s32 $0x4  }
0x5: {  	s31 =	simm.s32 $0xA;
	[smem:$0x7FF] =	sst s3;
	s5 =	smul.u32 $0x2780, s14  }
0x6: {  	s1 =	sand.u32 $0x1, s1;
	s4 =	sadd.s32 $0x16600, s0;
	s10 =	smul.u32 $0x4F000, s14  }
0x7: {  	s7 =	sadd.s32 $0x2000, s0;
	s8 =	sadd.s32 $0xC000, s0;
	s13 =	smul.u32 $0x2800, s14  }
0x8: {  	_ =	strace $0x8000004D;
	s6 =	smul.u32 $0x27800, s1;
	s26 =	ssub.s32 $0x2, s1  }
0x9: {  	s12 =	sshll.u32 s1, $0x4;
	s1 =	smul.u32 $0x28000, s1;
	s9 =	sadd.s32 s5, s0  }
0xa: {  	s11 =	sshrl.u32 s26, $0x1;
	s10 =	sshrl.u32 s10, $0x2;
	s12 =	sor.u32 s14, s12  }
0xb: {  	s14 =	sshll.u32 s14, $0x6;
	s0 =	sadd.s32 s6, s0;
	s6 =	ssub.s32 s26, s11  }
0xc: {  	s10 =	sadd.s32 s10, s2;
	s12 =	smul.u32 $0x2800, s12;
	[dreg:$0xb] =	wrdreg s14  }
0xd: {  	s9 =	sadd.s32 $0x3DE00, s9;
	s1 =	sadd.s32 s13, s1;
	[dreg:$0x9] =	wrdreg s10  }
0xe: {  	s11 =	simm.s32 $0x0;
	[dreg:$0xa] =	wrdreg s9;
	s9 =	sor.u32 $0x1C0D, s14  }
0xf: {  	s16 =	sor.u32 $0x200, s1;
	s20 =	sor.u32 $0x180, s1;
	s24 =	sor.u32 $0x280, s1  }
0x10: {  	s1 =	sor.u32 $0x100, s1;
	s0 =	sadd.s32 $0x65600, s0;
	s6 =	smax.u32 s6, $0x1  }
0x11: {  	[dreg:$0xc] =	wrdreg s9;
	s15 =	sshrl.u32 s12, $0x3;
	s10 =	sshrl.u32 s16, $0x3  }
0x12: {  	s21 =	sshrl.u32 s20, $0x3;
	s1 =	sshrl.u32 s1, $0x3;
	[dreg:$0x12] =	wrdreg s6  }
0x13: {  	s16 =	simm.s32 $0x80;
	s20 =	simm.s32 $0x300;
	s0 =	sadd.s32 s5, s0  }
0x14: {  	s5 =	simm.s32 $0xB;
	s18 =	sadd.s32 s8, s15;
	[dreg:$0x13] =	wrdreg s0  }
0x15: {  	s6 =	simm.s32 $0x9;
	s19 =	sadd.s32 s10, s8;
	[dreg:$0xe] =	wrdreg s18  }
0x16: {  	s17 =	sadd.s32 s7, s15;
	s10 =	sadd.s32 s10, s7;
	[dreg:$0x3] =	wrdreg s19  }
0x17: {  	s9 =	sor.u32 $0x10, s15;
	s23 =	sadd.s32 s21, s8;
	[dreg:$0x4] =	wrdreg s10  }
0x18: {  	s25 =	sadd.s32 s21, s7;
	s1 =	sadd.s32 s1, s8;
	[dreg:$0x5] =	wrdreg s23  }
0x19: {  	s15 =	simm.s32 $0x180;
	s21 =	simm.s32 $0x4300;
	[dreg:$0x6] =	wrdreg s25  }
0x1a: {  	s0 =	simm.s32 $0x8;
	s22 =	sadd.s32 s7, s9;
	[dreg:$0xd] =	wrdreg s17  }
0x1b: {  	s9 =	sadd.s32 s8, s9;
	s26 =	sadd.s32 $0x20, s17;
	[dreg:$0x8] =	wrdreg s1  }
0x1c: {  	s17 =	simm.s32 $0x200;
	s18 =	simm.s32 $0x1;
	s19 =	simm.s32 $0x2  }
0x1d: {  	s25 =	simm.s32 $0x280;
	s1 =	simm.s32 $0x5;
	[dreg:$0xf] =	wrdreg s22  }
0x1e: {  	s8 =	simm.s32 $0x6;
	[dreg:$0x10] =	wrdreg s9;
	s9 =	sshrl.u32 s24, $0x3  }
0x1f: {  	[dreg:$0x11] =	wrdreg s26;
	s22 =	simm.s32 $0x100;
	s7 =	sadd.s32 s9, s7  }
0x20: {  	s26 =	simm.s32 $0x3;
	[dreg:$0x7] =	wrdreg s7;
	s7 =	simm.s32 $0xE  }
.LBB2_1:
0x21: {  	s9 =	rddreg [dreg:$0x9]  }
0x22: {  	s10 =	rddreg [dreg:$0xa]  }
0x23: {  	s12 =	rddreg [dreg:$0xc];
	s9 =	sshrl.u32 s9, $0x3  }
0x24: {  	[spmem:s9], [sflag:s12] =	dma.local [hbm:s10], $0x2780  }
0x25: {  	s10 =	rddreg [dreg:$0xd]  }
0x26: {  	[tilespmem:s3], [sflag:$0x1] =	stream.linear.gather [hbm4b:s10+s3], $0x80, $0x38;
	[tilespmem:$0x1FF00] =	vst v63  }
0x27: {  	s12 =	rddreg [dreg:$0xe]  }
0x28: {  	[tilespmem:s15], [sflag:$0x4] =	stream.linear.gather [hbm4b:s12+s3], $0x80, $0x38;
	[tilespmem:$0x1FF00] =	vst v63  }
0x29: {  	s13 =	rddreg [dreg:$0xf]  }
0x2a: {  	[tilespmem:s16], [sflag:$0x2] =	stream.linear.gather [hbm4b:s13+s3], $0x80, $0x38;
	[tilespmem:$0x1FF00] =	vst v63  }
0x2b: {  	s14 =	rddreg [dreg:$0x10]  }
0x2c: {  	[tilespmem:s17], [sflag:$0x5] =	stream.linear.gather [hbm4b:s14+s3], $0x80, $0x38;
	[tilespmem:$0x1FF00] =	vst v63  }
0x2d: {  	_ =	swait.ge [sflag:s18], $0x80  }
0x2e: {  	[sflag:s18] =	ssyncset.done $0x0  }
0x2f: {  	[sflag:s18] =	ssyncadd.s32 $0xFFFFFF80  }
0x30: {  	_ =	swait.ge [sflag:s19], $0x80  }
0x31: {  	[sflag:s19] =	ssyncset.done $0x0  }
0x32: {  	[sflag:s19] =	ssyncadd.s32 $0xFFFFFF80  }
0x33: {  	[tilespmem:s20], [sflag:$0x7] =	stream.indirect.gather [hbm4b:s4+s16], $0x80, s3, s16, $0xb8;
	[tilespmem:$0x1FF00] =	vst v63  }
0x34: {  	_ = 	snop  }
0x35: {  	[tilespmem:s21], [sflag:$0x8] =	stream.indirect.gather [hbm4b:s4+s16], $0x80, s16, s16, $0xb8;
	[tilespmem:$0x1FF00] =	vst v63  }
0x36: {  	s24 =	simm.s32 $0xD;
	s23 =	rddreg [dreg:$0x11]  }
0x37: {  	[tilespmem:s22], [sflag:$0x3] =	stream.linear.gather [hbm4b:s23+s3], $0x80, $0x38;
	[tilespmem:$0x1FF00] =	vst v63  }
0x38: {  	_ =	swait.ge [sflag:s24], $0x2780  }
0x39: {  	[sflag:s24] =	ssyncset.done $0x0  }
0x3a: {  	p0 =	por $0x1, $0x1;
	[sflag:s24] =	ssyncadd.s32 $0xFFFFD880  }
0x3b: {  	s12 =	simm.s32 @!p0 $0xC;
	[bflag:$0x0] =	sbarrier.arrive $0xFFFF  }
0x3c: {  	_ =	swait.ge @!p0 [sflag:s12], $0x4000  }
0x3d: {  	s13 =	rddreg [dreg:$0x8];
	[sflag:s12] =	ssyncset.done @!p0 $0x0  }
0x3e: {  	[sflag:s12] =	ssyncadd.s32 @!p0 $0xFFFFC000;
	s10 =	sadd.s32 $0x0, s13  }
0x3f: {  	[tilespmem:s25], [sflag:$0x6] =	stream.linear.gather [hbm4b:s10+s3], $0x80, $0x38;
	[tilespmem:$0x1FF00] =	vst v63  }
0x40: {  	_ =	swait.ge [sflag:s26], $0x80  }
0x41: {  	[sflag:s26] =	ssyncset.done $0x0  }
0x42: {  	[sflag:s26] =	ssyncadd.s32 $0xFFFFFF80  }
0x43: {  	[tilespmem:s28], [sflag:$0x9] =	stream.indirect.gather [hbm4b:s4+s16], $0x80, s22, s16, $0xb8;
	[tilespmem:$0x1FF00] =	vst v63  }
0x44: {  	_ =	swait.ge [sflag:s29], $0x4000  }
0x45: {  	s13 =	rddreg [dreg:$0x6];
	[sflag:s29] =	ssyncset.done $0x0  }
0x46: {  	[sflag:s29] =	ssyncadd.s32 $0xFFFFC000;
	s12 =	sadd.s32 $0x0, s13  }
0x47: {  	[tilespmem:s3], [sflag:$0x1] =	stream.linear.gather [hbm4b:s12+s3], $0x80, $0x38;
	[tilespmem:$0x1FF00] =	vst v63  }
0x48: {  	_ =	swait.ge [sflag:s30], $0x80  }
0x49: {  	[sflag:s30] =	ssyncset.done $0x0  }
0x4a: {  	[sflag:s30] =	ssyncadd.s32 $0xFFFFFF80  }
0x4b: {  	[spmem:s2] =	stream.indirect.scatter.add.f32 [tilespmem:s20], [sflag:$0xA], $0x80, s15, s16, $0xb8;
	[tilespmem:$0x1FF00] =	vst v63  }
0x4c: {  	_ =	swait.ge [sflag:s31], $0x4000  }
0x4d: {  	s14 =	rddreg [dreg:$0x5];
	[sflag:s31] =	ssyncset.done $0x0  }
0x4e: {  	[sflag:s31] =	ssyncadd.s32 $0xFFFFC000;
	s12 =	sadd.s32 $0x0, s14  }
0x4f: {  	[tilespmem:s15], [sflag:$0x4] =	stream.linear.gather [hbm4b:s12+s3], $0x80, $0x38;
	[tilespmem:$0x1FF00] =	vst v63  }
0x50: {  	_ =	swait.ge [sflag:s18], $0x80  }
0x51: {  	[sflag:s18] =	ssyncset.done $0x0  }
0x52: {  	[sflag:s18] =	ssyncadd.s32 $0xFFFFFF80  }
0x53: {  	[tilespmem:s20], [sflag:$0x7] =	stream.indirect.gather [hbm4b:s4+s16], $0x80, s3, s16, $0xb8;
	[tilespmem:$0x1FF00] =	vst v63  }
0x54: {  	_ =	swait.ge [sflag:s0], $0x4000  }
0x55: {  	s23 =	rddreg [dreg:$0x4];
	[sflag:s0] =	ssyncset.done $0x0  }
0x56: {  	[sflag:s0] =	ssyncadd.s32 $0xFFFFC000;
	s12 =	sadd.s32 $0x0, s23  }
0x57: {  	[tilespmem:s16], [sflag:$0x2] =	stream.linear.gather [hbm4b:s12+s3], $0x80, $0x38;
	[tilespmem:$0x1FF00] =	vst v63  }
0x58: {  	_ =	swait.ge [sflag:s1], $0x80  }
0x59: {  	[sflag:s1] =	ssyncset.done $0x0  }
0x5a: {  	[sflag:s1] =	ssyncadd.s32 $0xFFFFFF80  }
0x5b: {  	[spmem:s2] =	stream.indirect.scatter.add.f32 [tilespmem:s21], [sflag:$0xB], $0x80, s17, s16, $0xb8;
	[tilespmem:$0x1FF00] =	vst v63  }
0x5c: {  	_ =	swait.ge [sflag:s5], $0x4000  }
0x5d: {  	s24 =	rddreg [dreg:$0x3];
	[sflag:s5] =	ssyncset.done $0x0  }
0x5e: {  	[sflag:s5] =	ssyncadd.s32 $0xFFFFC000;
	s12 =	sadd.s32 $0x0, s24  }
0x5f: {  	[tilespmem:s17], [sflag:$0x5] =	stream.linear.gather [hbm4b:s12+s3], $0x80, $0x38;
	[tilespmem:$0x1FF00] =	vst v63  }
0x60: {  	_ =	swait.ge [sflag:s19], $0x80  }
0x61: {  	[sflag:s19] =	ssyncset.done $0x0  }
0x62: {  	[sflag:s19] =	ssyncadd.s32 $0xFFFFFF80  }
0x63: {  	[tilespmem:s21], [sflag:$0x8] =	stream.indirect.gather [hbm4b:s4+s16], $0x80, s16, s16, $0xb8;
	[tilespmem:$0x1FF00] =	vst v63  }
0x64: {  	p1 =	por $0x0, $0x0;
	p0 =	por $0x0, $0x0;
	_ =	swait.ge [sflag:s6], $0x4000  }
0x65: {  	s13 =	simm.s32 @!p0 $0x0;
	s12 =	rddreg [dreg:$0x7];
	[sflag:s6] =	ssyncset.done $0x0  }
0x66: {  	s14 =	simm.s32 @!p0 $0x100;
	[sflag:s6] =	ssyncadd.s32 $0xFFFFC000;
	s12 =	sadd.s32 @!p0 $0x0, s12  }
0x67: {  	[tilespmem:s14], [sflag:$0x3] =	stream.linear.gather @!p0 [hbm4b:s12+s13], $0x80, $0x38;
	[tilespmem:$0x1FF00] =	vst v63  }
0x68: {  	s12 =	simm.s32 $0x30;
	s13 =	simm.s32 $0x60;
	_ =	swait.ge [sflag:s8], $0x80  }
.LBB2_2:
0x69: {  	[sflag:s8] =	ssyncset.done $0x0  }
0x6a: {  	s24 =	simm.s32 @!p1 $0xC;
	[sflag:s8] =	ssyncadd.s32 $0xFFFFFF80  }
0x6b: {  	[spmem:s2] =	stream.indirect.scatter.add.f32 [tilespmem:s28], [sflag:$0xC], $0x80, s25, s16, $0xb8;
	[tilespmem:$0x1FF00] =	vst v63  }
0x6c: {  	_ =	swait.ge @!p1 [sflag:s24], $0x4000  }
0x6d: {  	[sflag:s24] =	ssyncset.done @!p1 $0x0;
	s23 =	rddreg [dreg:$0x8]  }
0x6e: {  	[sflag:s24] =	ssyncadd.s32 @!p1 $0xFFFFC000;
	s23 =	sadd.s32 s12, s23  }
0x6f: {  	[tilespmem:s25], [sflag:$0x6] =	stream.linear.gather [hbm4b:s23+s3], $0x80, $0x38;
	[tilespmem:$0x1FF00] =	vst v63  }
0x70: {  	_ =	swait.ge [sflag:s26], $0x80  }
0x71: {  	[sflag:s26] =	ssyncset.done $0x0  }
0x72: {  	[sflag:s26] =	ssyncadd.s32 $0xFFFFFF80  }
0x73: {  	[tilespmem:s28], [sflag:$0x9] =	stream.indirect.gather [hbm4b:s4+s16], $0x80, s22, s16, $0xb8;
	[tilespmem:$0x1FF00] =	vst v63  }
0x74: {  	_ =	swait.ge [sflag:s29], $0x4000  }
0x75: {  	s10 =	rddreg [dreg:$0x6];
	[sflag:s29] =	ssyncset.done $0x0  }
0x76: {  	[sflag:s29] =	ssyncadd.s32 $0xFFFFC000;
	s23 =	sadd.s32 s12, s10  }
0x77: {  	[tilespmem:s3], [sflag:$0x1] =	stream.linear.gather [hbm4b:s23+s3], $0x80, $0x38;
	[tilespmem:$0x1FF00] =	vst v63  }
0x78: {  	_ =	swait.ge [sflag:s30], $0x80  }
0x79: {  	[sflag:s30] =	ssyncset.done $0x0  }
0x7a: {  	[sflag:s30] =	ssyncadd.s32 $0xFFFFFF80  }
0x7b: {  	[spmem:s2] =	stream.indirect.scatter.add.f32 [tilespmem:s20], [sflag:$0xA], $0x80, s15, s16, $0xb8;
	[tilespmem:$0x1FF00] =	vst v63  }
0x7c: {  	_ =	swait.ge [sflag:s31], $0x4000  }
0x7d: {  	s24 =	rddreg [dreg:$0x5];
	[sflag:s31] =	ssyncset.done $0x0  }
0x7e: {  	[sflag:s31] =	ssyncadd.s32 $0xFFFFC000;
	s23 =	sadd.s32 s12, s24  }
0x7f: {  	[tilespmem:s15], [sflag:$0x4] =	stream.linear.gather [hbm4b:s23+s3], $0x80, $0x38;
	[tilespmem:$0x1FF00] =	vst v63  }
0x80: {  	_ =	swait.ge [sflag:s18], $0x80  }
0x81: {  	[sflag:s18] =	ssyncset.done $0x0  }
0x82: {  	[sflag:s18] =	ssyncadd.s32 $0xFFFFFF80  }
0x83: {  	[tilespmem:s20], [sflag:$0x7] =	stream.indirect.gather [hbm4b:s4+s16], $0x80, s3, s16, $0xb8;
	[tilespmem:$0x1FF00] =	vst v63  }
0x84: {  	_ =	swait.ge [sflag:s0], $0x4000  }
0x85: {  	s10 =	rddreg [dreg:$0x4];
	[sflag:s0] =	ssyncset.done $0x0  }
0x86: {  	[sflag:s0] =	ssyncadd.s32 $0xFFFFC000;
	s23 =	sadd.s32 s12, s10  }
0x87: {  	[tilespmem:s16], [sflag:$0x2] =	stream.linear.gather [hbm4b:s23+s3], $0x80, $0x38;
	[tilespmem:$0x1FF00] =	vst v63  }
0x88: {  	_ =	swait.ge [sflag:s1], $0x80  }
0x89: {  	[sflag:s1] =	ssyncset.done $0x0  }
0x8a: {  	[sflag:s1] =	ssyncadd.s32 $0xFFFFFF80  }
0x8b: {  	[spmem:s2] =	stream.indirect.scatter.add.f32 [tilespmem:s21], [sflag:$0xB], $0x80, s17, s16, $0xb8;
	[tilespmem:$0x1FF00] =	vst v63  }
0x8c: {  	_ =	swait.ge [sflag:s5], $0x4000  }
0x8d: {  	s24 =	rddreg [dreg:$0x3];
	[sflag:s5] =	ssyncset.done $0x0  }
0x8e: {  	[sflag:s5] =	ssyncadd.s32 $0xFFFFC000;
	s23 =	sadd.s32 s12, s24  }
0x8f: {  	[tilespmem:s17], [sflag:$0x5] =	stream.linear.gather [hbm4b:s23+s3], $0x80, $0x38;
	[tilespmem:$0x1FF00] =	vst v63  }
0x90: {  	_ =	swait.ge [sflag:s19], $0x80  }
0x91: {  	s14 =	smov.u32 s13;
	s13 =	sadd.s32 $0x30, s13;
	[sflag:s19] =	ssyncset.done $0x0  }
0x92: {  	p0 =	sne.s32 s13, $0x4E0;
	p1 =	seq.s32 s12, $0x4B0;
	[sflag:s19] =	ssyncadd.s32 $0xFFFFFF80  }
0x93: {  	[tilespmem:s21], [sflag:$0x8] =	stream.indirect.gather [hbm4b:s4+s16], $0x80, s16, s16, $0xb8;
	[tilespmem:$0x1FF00] =	vst v63  }
.Ltmp0:
0x94: {  	s10 =	simm.s32 @!p1 $0x100;
	_ =	swait.ge [sflag:s6], $0x4000;
	(pc) =	sbr.rel @p0 .LBB2_2-.Ltmp0, $4  }
0x95: {  	s24 =	simm.s32 @!p1 $0x0;
	s23 =	rddreg [dreg:$0x7];
	[sflag:s6] =	ssyncset.done $0x0  }
0x96: {  	[sflag:s6] =	ssyncadd.s32 $0xFFFFC000;
	s23 =	sadd.s32 @!p1 s12, s23;
	s12 =	smov.u32 s14  }
0x97: {  	[tilespmem:s10], [sflag:$0x3] =	stream.linear.gather @!p1 [hbm4b:s23+s24], $0x80, $0x38;
	[tilespmem:$0x1FF00] =	vst v63  }
0x98: {  	p1 =	seq.s32 s12, $0x0;
	_ =	swait.ge [sflag:s8], $0x80  }
0x99: {  	[sflag:s8] =	ssyncset.done $0x0  }
0x9a: {  	s10 =	simm.s32 @!p1 $0xC;
	[sflag:s8] =	ssyncadd.s32 $0xFFFFFF80  }
0x9b: {  	[spmem:s2] =	stream.indirect.scatter.add.f32 [tilespmem:s28], [sflag:$0xC], $0x80, s25, s16, $0xb8;
	[tilespmem:$0x1FF00] =	vst v63  }
0x9c: {  	_ =	swait.ge @!p1 [sflag:s10], $0x4000  }
0x9d: {  	s13 =	rddreg [dreg:$0x8];
	[sflag:s10] =	ssyncset.done @!p1 $0x0  }
0x9e: {  	[sflag:s10] =	ssyncadd.s32 @!p1 $0xFFFFC000;
	s24 =	sadd.s32 s12, s13  }
0x9f: {  	[tilespmem:s25], [sflag:$0x6] =	stream.linear.gather [hbm4b:s24+s3], $0x80, $0x38;
	[tilespmem:$0x1FF00] =	vst v63  }
0xa0: {  	_ =	swait.ge [sflag:s26], $0x80  }
0xa1: {  	[sflag:s26] =	ssyncset.done $0x0  }
0xa2: {  	[sflag:s26] =	ssyncadd.s32 $0xFFFFFF80  }
0xa3: {  	[tilespmem:s28], [sflag:$0x9] =	stream.indirect.gather [hbm4b:s4+s16], $0x80, s22, s16, $0xb8;
	[tilespmem:$0x1FF00] =	vst v63  }
0xa4: {  	_ =	swait.ge [sflag:s29], $0x4000  }
0xa5: {  	s13 =	rddreg [dreg:$0x6];
	[sflag:s29] =	ssyncset.done $0x0  }
0xa6: {  	[sflag:s29] =	ssyncadd.s32 $0xFFFFC000;
	s10 =	sadd.s32 s12, s13  }
0xa7: {  	[tilespmem:s3], [sflag:$0x1] =	stream.linear.gather [hbm4b:s10+s3], $0x80, $0x38;
	[tilespmem:$0x1FF00] =	vst v63  }
0xa8: {  	_ =	swait.ge [sflag:s30], $0x80  }
0xa9: {  	[sflag:s30] =	ssyncset.done $0x0  }
0xaa: {  	[sflag:s30] =	ssyncadd.s32 $0xFFFFFF80  }
0xab: {  	[spmem:s2] =	stream.indirect.scatter.add.f32 [tilespmem:s20], [sflag:$0xA], $0x80, s15, s16, $0xb8;
	[tilespmem:$0x1FF00] =	vst v63  }
0xac: {  	_ =	swait.ge [sflag:s31], $0x4000  }
0xad: {  	s14 =	rddreg [dreg:$0x5];
	[sflag:s31] =	ssyncset.done $0x0  }
0xae: {  	[sflag:s31] =	ssyncadd.s32 $0xFFFFC000;
	s10 =	sadd.s32 s12, s14  }
0xaf: {  	[tilespmem:s15], [sflag:$0x4] =	stream.linear.gather [hbm4b:s10+s3], $0x80, $0x38;
	[tilespmem:$0x1FF00] =	vst v63  }
0xb0: {  	_ =	swait.ge [sflag:s18], $0x80  }
0xb1: {  	[sflag:s18] =	ssyncset.done $0x0  }
0xb2: {  	[sflag:s18] =	ssyncadd.s32 $0xFFFFFF80  }
0xb3: {  	[tilespmem:s20], [sflag:$0x7] =	stream.indirect.gather [hbm4b:s4+s16], $0x80, s3, s16, $0xb8;
	[tilespmem:$0x1FF00] =	vst v63  }
0xb4: {  	_ =	swait.ge [sflag:s0], $0x4000  }
0xb5: {  	s23 =	rddreg [dreg:$0x4];
	[sflag:s0] =	ssyncset.done $0x0  }
0xb6: {  	[sflag:s0] =	ssyncadd.s32 $0xFFFFC000;
	s10 =	sadd.s32 s12, s23  }
0xb7: {  	[tilespmem:s16], [sflag:$0x2] =	stream.linear.gather [hbm4b:s10+s3], $0x80, $0x38;
	[tilespmem:$0x1FF00] =	vst v63  }
0xb8: {  	_ =	swait.ge [sflag:s1], $0x80  }
0xb9: {  	[sflag:s1] =	ssyncset.done $0x0  }
0xba: {  	[sflag:s1] =	ssyncadd.s32 $0xFFFFFF80  }
0xbb: {  	[spmem:s2] =	stream.indirect.scatter.add.f32 [tilespmem:s21], [sflag:$0xB], $0x80, s17, s16, $0xb8;
	[tilespmem:$0x1FF00] =	vst v63  }
0xbc: {  	_ =	swait.ge [sflag:s5], $0x4000  }
0xbd: {  	s24 =	rddreg [dreg:$0x3];
	[sflag:s5] =	ssyncset.done $0x0  }
0xbe: {  	[sflag:s5] =	ssyncadd.s32 $0xFFFFC000;
	s10 =	sadd.s32 s12, s24  }
0xbf: {  	[tilespmem:s17], [sflag:$0x5] =	stream.linear.gather [hbm4b:s10+s3], $0x80, $0x38;
	[tilespmem:$0x1FF00] =	vst v63  }
0xc0: {  	_ =	swait.ge [sflag:s19], $0x80  }
0xc1: {  	[sflag:s19] =	ssyncset.done $0x0  }
0xc2: {  	[sflag:s19] =	ssyncadd.s32 $0xFFFFFF80  }
0xc3: {  	[tilespmem:s21], [sflag:$0x8] =	stream.indirect.gather [hbm4b:s4+s16], $0x80, s16, s16, $0xb8;
	[tilespmem:$0x1FF00] =	vst v63  }
0xc4: {  	p0 =	seq.s32 s12, $0x4B0;
	_ =	swait.ge [sflag:s6], $0x4000  }
0xc5: {  	s13 =	simm.s32 @!p0 $0x0;
	s10 =	rddreg [dreg:$0x7];
	[sflag:s6] =	ssyncset.done $0x0  }
0xc6: {  	[sflag:s6] =	ssyncadd.s32 $0xFFFFC000;
	s10 =	sadd.s32 @!p0 s12, s10;
	s12 =	simm.s32 @!p0 $0x100  }
0xc7: {  	[tilespmem:s12], [sflag:$0x3] =	stream.linear.gather @!p0 [hbm4b:s10+s13], $0x80, $0x38;
	[tilespmem:$0x1FF00] =	vst v63  }
0xc8: {  	_ =	swait.ge [sflag:s8], $0x80  }
0xc9: {  	[sflag:s8] =	ssyncset.done $0x0  }
0xca: {  	s13 =	simm.s32 $0xC;
	[sflag:s8] =	ssyncadd.s32 $0xFFFFFF80  }
0xcb: {  	[spmem:s2] =	stream.indirect.scatter.add.f32 [tilespmem:s28], [sflag:$0xC], $0x80, s25, s16, $0xb8;
	[tilespmem:$0x1FF00] =	vst v63  }
0xcc: {  	_ =	swait.ge [sflag:s13], $0x4000  }
0xcd: {  	[sflag:s13] =	ssyncset.done $0x0  }
0xce: {  	[sflag:s13] =	ssyncadd.s32 $0xFFFFC000  }
0xcf: {  	_ =	swait.ge [sflag:s29], $0x4000  }
0xd0: {  	[sflag:s29] =	ssyncset.done $0x0  }
0xd1: {  	[sflag:s29] =	ssyncadd.s32 $0xFFFFC000  }
0xd2: {  	_ =	swait.ge [sflag:s30], $0x80  }
0xd3: {  	[sflag:s30] =	ssyncset.done $0x0  }
0xd4: {  	[sflag:s30] =	ssyncadd.s32 $0xFFFFFF80  }
0xd5: {  	[spmem:s2] =	stream.indirect.scatter.add.f32 [tilespmem:s20], [sflag:$0xA], $0x80, s15, s16, $0xb8;
	[tilespmem:$0x1FF00] =	vst v63  }
0xd6: {  	_ =	swait.ge [sflag:s31], $0x4000  }
0xd7: {  	[sflag:s31] =	ssyncset.done $0x0  }
0xd8: {  	[sflag:s31] =	ssyncadd.s32 $0xFFFFC000  }
0xd9: {  	_ =	swait.ge [sflag:s0], $0x4000  }
0xda: {  	[sflag:s0] =	ssyncset.done $0x0  }
0xdb: {  	[sflag:s0] =	ssyncadd.s32 $0xFFFFC000  }
0xdc: {  	_ =	swait.ge [sflag:s1], $0x80  }
0xdd: {  	[sflag:s1] =	ssyncset.done $0x0  }
0xde: {  	[sflag:s1] =	ssyncadd.s32 $0xFFFFFF80  }
0xdf: {  	[spmem:s2] =	stream.indirect.scatter.add.f32 [tilespmem:s21], [sflag:$0xB], $0x80, s17, s16, $0xb8;
	[tilespmem:$0x1FF00] =	vst v63  }
0xe0: {  	_ =	swait.ge [sflag:s5], $0x4000  }
0xe1: {  	[sflag:s5] =	ssyncset.done $0x0  }
0xe2: {  	[sflag:s5] =	ssyncadd.s32 $0xFFFFC000  }
0xe3: {  	[bflag:$0x0] =	sbarrier.arrive $0xFFFF  }
0xe4: {  	s14 =	rddreg [dreg:$0xb]  }
0xe5: {  	s23 =	rddreg [dreg:$0x13];
	s10 =	sor.u32 $0x1C0E, s14  }
0xe6: {  	[hbm:s23], [sflag:s10] =	dma.local [spmem:s9], $0x2780  }
0xe7: {  	_ =	swait.ge [sflag:s7], $0x2780  }
0xe8: {  	s11 =	sadd.s32 $0x1, s11;
	s24 =	rddreg [dreg:$0x12]  }
0xe9: {  	p0 =	sne.s32 s11, s24  }
.Ltmp1:
0xea: {  	_ = 	snop;
	(pc) =	sbr.rel @p0 .LBB2_1-.Ltmp1, $3  }
0xeb: {  	_ =	sdelay $0x1  }
0xec: {  	[sflag:s7] =	ssyncset.done $0x0  }
0xed: {  	[sflag:s7] =	ssyncadd.s32 $0xFFFFD880  }
0xee: {  	_ =	sfence.sel $0x180000  }
0xef: {  	[bflag:$0x0] =	sbarrier.arrive $0xFFFF  }
0xf0: {  	_ =	strace $0x9000004D  }
0xf1: {  	s0 =	stileid.u32;
	[bflag:$0x2] =	sbarrier.arrive $0xFFFF  }
0xf2: {  	p0 =	sne.s32 s0, $0x0;
	s0 =	rddreg [dreg:$0x2]  }
0xf3: {  	s0 =	sadd.s32 @!p0 $0x100000, s0  }
0xf4: {  	[sflag:s0] =	ssyncadd.tile.s32 @!p0 $0x1;
	_ =	shalt  }
.Lfunc_end2:
_tile_overlayer_lowered:
.L_overlay_start_2:
0xf5: {  	(tag) =	ssettag $0x2  }
0xf6: {  	s0 =	rddreg [dreg:$0x0];
	s2 =	stileid.u32  }
0xf7: {  	s1 =	rddreg [dreg:$0x1];
	p0 =	sne.s32 s2, $0x0  }
0xf8: {  	s3 =	rddreg [dreg:$0x2];
	[bflag:$0x3] =	sbarrier.arrive $0xFFFF;
	s2 =	simm.s32 @!p0 $0x1C0E  }
0xf9: {  	[timem:s3], [sflag:s2] =	dma.local @!p0 [hbm:s0], s1  }
0xfa: {  	s0 =	simm.s32 @!p0 $0xE  }
0xfb: {  	_ =	swait.ge @!p0 [sflag:s0], s1  }
0xfc: {  	s1 =	ssub.s32 @!p0 $0x0, s1;
	[sflag:s0] =	ssyncset.done @!p0 $0x0  }
0xfd: {  	[sflag:s0] =	ssyncadd.s32 @!p0 s1  }
0xfe: {  	[bflag:$0x3] =	sbarrier.arrive $0xFFFF  }
0xff: {  	_ =	shalt  }

// kernel: kernel.19.cloned.1.call-start
scs
__scs_entry_jumppad:
0x0: {  	(pc) =	sbr.rel $0x88, $3  }
0x1: {  	(tag) =	ssettag $0x0;
	lr =	simm.s32 $0x1  }
0x2: {  	[smem:$0x3F99] =	sst lr;
	_ =	strace $0xD0000000  }
0x3: {  	_ = 	snop  }
0x4: {  	_ = 	snop  }
0x5: {  	_ = 	snop  }
0x6: {  	_ = 	snop  }
0x7: {  	_ = 	snop  }
__scs_overlays_trampoline_lowered:
0x8: {  	[smem:$0x3FA8] =	sst s0  }
0x9: {  	[smem:$0x3FA9] =	sst s1  }
0xa: {  	[smem:$0x3FAA] =	sst s2  }
0xb: {  	[smem:$0x3FAB] =	sst s3  }
0xc: {  	[smem:$0x3FAC] =	sst s4  }
0xd: {  	[smem:$0x3FAD] =	sst s5  }
0xe: {  	[smem:$0x3FAE] =	sst s6  }
0xf: {  	[smem:$0x3FAF] =	sst s7  }
0x10: {  	[smem:$0x3FB0] =	sst s8  }
0x11: {  	[smem:$0x3FB1] =	sst s9;
	s0 =	simm.s32 @!p0 $0x0  }
0x12: {  	s1 =	sld [smem:$0x3F97];
	s0 =	simm.s32 @p0 $0x1  }
0x13: {  	[smem:$0x3FB2] =	sst s0;
	s0 =	simm.s32 @!p1 $0x0  }
0x14: {  	s2 =	sld [smem:$0x3F96];
	s0 =	simm.s32 @p1 $0x1  }
0x15: {  	[smem:$0x3FB3] =	sst s0;
	s0 =	simm.s32 @!p2 $0x0  }
0x16: {  	s3 =	sld [smem:$0x3FDB];
	s0 =	simm.s32 @p2 $0x1  }
0x17: {  	s4 =	simm.s32 $0x1BF5;
	[smem:$0x3FB5] =	sst s0  }
0x18: {  	s0 =	sld [smem:$0x3F98];
	_ =	swait.ge [sflag:s4], $0x0  }
0x19: {  	s7 =	sld [smem:$0x3F99]  }
0x1a: {  	s8 =	sadd.s32 $0xFFFFE003, lr  }
0x1b: {  	s9 =	sadd.s32 $0xFFFFFEF7, lr;
	s5 =	simm.s32 $0xFFFFFFFF;
	p2 =	slt.u32 s8, $0xFFFFF086  }
0x1c: {  	p1 =	slt.u32 s9, $0xF7A;
	s5 =	simm.s32 @!p2 $0x0  }
0x1d: {  	s5 =	simm.s32 @p1 $0x1;
	p0 =	seq.s32 s7, s2  }
0x1e: {  	s7 =	smul.u32 @!p0 $0xF7A, s2;
	p2 =	seq.s32 @!p0 s5, $0x0  }
0x1f: {  	s9 =	smul.u32 $0xF7A, s1;
	s8 =	simm.s32 @!p0 $0x1BF5;
	p2 =	por !p2, p0  }
0x20: {  	[sflag:s8] =	ssyncset.s32 @!p0 $0xFFFFF086;
	s6 =	sadd.s32 @!p0 s3, s7;
	s7 =	simm.s32 @!p0 $0x108  }
0x21: {  	s3 =	sadd.s32 s3, s9;
	s6 =	sadd.s32 @!p0 $0x88, s6;
	s7 =	simm.s32 @p2 $0x1082  }
0x22: {  	[simem:s7], [sflag:s8] =	dma.local @!p0 [hbm:s6], $0xF7A  }
0x23: {  	s9 =	sor.u32 $0xD0000000, s2;
	s6 =	simm.s32 $0x108;
	_ =	swait.ge @!p0 [sflag:s8], $0x0  }
0x24: {  	s3 =	sadd.s32 $0x88, s3;
	s6 =	simm.s32 @!p1 $0x1082;
	[sflag:s4] =	ssyncset.s32 $0xFFFFF086  }
0x25: {  	[simem:s6], [sflag:s4] =	dma.local [hbm:s3], $0xF7A  }
0x26: {  	[smem:$0x3F99] =	sst s1;
	(tag) =	ssettag s2;
	_ =	strace s9  }
0x27: {  	s1 =	sld [smem:$0x3FA9]  }
0x28: {  	s2 =	sld [smem:$0x3FAA]  }
0x29: {  	s4 =	sld [smem:$0x3FAC]  }
0x2a: {  	p0 =	seq.s32 s5, $0x0;
	s5 =	sld [smem:$0x3FAD]  }
0x2b: {  	s6 =	sld [smem:$0x3FAE]  }
0x2c: {  	s7 =	sld [smem:$0x3FAF]  }
0x2d: {  	s3 =	simm.s32 $0x108;
	s8 =	sld [smem:$0x3FB0]  }
0x2e: {  	s3 =	simm.s32 @!p0 $0x1082;
	s9 =	sld [smem:$0x3FB1]  }
0x2f: {  	lr =	sadd.s32 s0, s3;
	s0 =	sld [smem:$0x3FA8]  }
0x30: {  	s3 =	sld [smem:$0x3FAB]  }
0x31: {  	[smem:$0x3FB4] =	sst s10  }
0x32: {  	s10 =	sld [smem:$0x3FB2];
	_ =	sdelay $0x3  }
0x33: {  	p0 =	seq.s32 s10, $0x1;
	s10 =	sld [smem:$0x3FB4];
	_ =	sdelay $0x3  }
0x34: {  	[smem:$0x3FB4] =	sst s10  }
0x35: {  	s10 =	sld [smem:$0x3FB3];
	_ =	sdelay $0x3  }
0x36: {  	p1 =	seq.s32 s10, $0x1;
	s10 =	sld [smem:$0x3FB4];
	_ =	sdelay $0x3  }
0x37: {  	[smem:$0x3FB4] =	sst s10  }
0x38: {  	s10 =	sld [smem:$0x3FB5]  }
0x39: {  	_ = 	snop;
	(pc) =	sbr.ind lr, $3  }
0x3a: {  	_ = 	snop  }
0x3b: {  	_ = 	snop  }
0x3c: {  	p2 =	seq.s32 s10, $0x1;
	s10 =	sld [smem:$0x3FB4]  }
0x3d: {  	_ =	shalt  }
0x3e: {  	_ =	shalt  }
0x3f: {  	_ =	shalt  }
0x40: {  	_ =	shalt  }
0x41: {  	_ =	shalt  }
0x42: {  	_ =	shalt  }
0x43: {  	_ =	shalt  }
0x44: {  	_ =	shalt  }
0x45: {  	_ =	shalt  }
0x46: {  	_ =	shalt  }
0x47: {  	_ =	shalt  }
0x48: {  	_ =	shalt  }
0x49: {  	_ =	shalt  }
0x4a: {  	_ =	shalt  }
0x4b: {  	_ =	shalt  }
0x4c: {  	_ =	shalt  }
0x4d: {  	_ =	shalt  }
0x4e: {  	_ =	shalt  }
0x4f: {  	_ =	shalt  }
0x50: {  	_ =	shalt  }
0x51: {  	_ =	shalt  }
0x52: {  	_ =	shalt  }
0x53: {  	_ =	shalt  }
0x54: {  	_ =	shalt  }
0x55: {  	_ =	shalt  }
0x56: {  	_ =	shalt  }
0x57: {  	_ =	shalt  }
0x58: {  	_ =	shalt  }
0x59: {  	_ =	shalt  }
0x5a: {  	_ =	shalt  }
0x5b: {  	_ =	shalt  }
0x5c: {  	_ =	shalt  }
0x5d: {  	_ =	shalt  }
0x5e: {  	_ =	shalt  }
0x5f: {  	_ =	shalt  }
0x60: {  	_ =	shalt  }
0x61: {  	_ =	shalt  }
0x62: {  	_ =	shalt  }
0x63: {  	_ =	shalt  }
0x64: {  	_ =	shalt  }
0x65: {  	_ =	shalt  }
0x66: {  	_ =	shalt  }
0x67: {  	_ =	shalt  }
0x68: {  	_ =	shalt  }
0x69: {  	_ =	shalt  }
0x6a: {  	_ =	shalt  }
0x6b: {  	_ =	shalt  }
0x6c: {  	_ =	shalt  }
0x6d: {  	_ =	shalt  }
0x6e: {  	_ =	shalt  }
0x6f: {  	_ =	shalt  }
0x70: {  	_ =	shalt  }
0x71: {  	_ =	shalt  }
0x72: {  	_ =	shalt  }
0x73: {  	_ =	shalt  }
0x74: {  	_ =	shalt  }
0x75: {  	_ =	shalt  }
0x76: {  	_ =	shalt  }
0x77: {  	_ =	shalt  }
0x78: {  	_ =	shalt  }
0x79: {  	_ =	shalt  }
0x7a: {  	_ =	shalt  }
0x7b: {  	_ =	shalt  }
0x7c: {  	_ =	shalt  }
0x7d: {  	_ =	shalt  }
0x7e: {  	_ =	shalt  }
0x7f: {  	_ =	shalt  }
0x80: {  	_ =	shalt  }
0x81: {  	_ =	shalt  }
0x82: {  	_ =	shalt  }
0x83: {  	_ =	shalt  }
0x84: {  	_ =	shalt  }
0x85: {  	_ =	shalt  }
0x86: {  	_ =	shalt  }
0x87: {  	_ =	shalt  }
.Lfunc_end0:
.L_simem_size_0:
called_computation.3_lowered:
.L_overlay_start_0:
0x88: {  	s2 =	sld [smem:$0x3FD9]  }
0x89: {  	s3 =	sld [smem:$0x3FFE];
	_ =	sdelay $0x1  }
0x8a: {  	s1 =	srdreg.scid  }
0x8b: {  	s0 =	sand.u32 $0x1, s1  }
0x8c: {  	s16 =	sshll.u32 s0, $0xA;
	s2 =	sadd.s32 s3, s2  }
0x8d: {  	s2 =	sadd.s32 s2, s16  }
0x8e: {  	[smem:$0x3FC0] =	sst s2  }
0x8f: {  	_ = 	snop  }
0x90: {  	(tm) =	ssettm $0x1  }
0x91: {  	s17 =	sld [smem:$0x3FFB];
	_ =	sdelay $0x3  }
0x92: {  	_ =	strace s17  }
0x93: {  	s2 =	sld [smem:$0x3FFC];
	_ =	sdelay $0x3  }
0x94: {  	_ =	strace s2  }
0x95: {  	s2 =	sld [smem:$0x3FFD];
	_ =	sdelay $0x3  }
0x96: {  	_ =	strace s2  }
0x97: {  	_ =	strace $0x8FFFFFFF  }
0x98: {  	s18 =	sld [smem:$0x3FDB];
	_ =	sdelay $0x1  }
0x99: {  	s19 =	simm.s32 $_scs_section_size  }
0x9a: {  	s4 =	simm.s32 $_size__tile_overlayer_lowered;
	s5 =	simm.s32 $_tile_overlayer_lowered  }
0x9b: {  	s22 =	simm.s32 $0x1BFF;
	s21 =	sshll.u32 s5, $0x1;
	s2 =	sadd.s32 s19, s18  }
0x9c: {  	s6 =	simm.s32 $0x0;
	s20 =	sshll.u32 s4, $0x1;
	s4 =	sadd.s32 s21, s2  }
0x9d: {  	[timem:s6], [sflag:s22] =	dma.local [hbm:s4], s20  }
0x9e: {  	_ =	swait.ge [sflag:s22], s20  }
0x9f: {  	s3 =	ssub.s32 $0x0, s20;
	[sflag:s22] =	ssyncset.done $0x0  }
0xa0: {  	[sflag:s22] =	ssyncadd.s32 s3;
	_ =	sdelay $0x1  }
0xa1: {  	s23 =	simm.s32 $0x1B8B  }
0xa2: {  	_ =	swait.ge [sflag:s23], $0x1  }
0xa3: {  	[sflag:s23] =	ssyncset.done $0x0  }
0xa4: {  	s25 =	simm.s32 $0x1B8E;
	s24 =	sld [smem:$0x3FFE];
	[sflag:s23] =	ssyncadd.s32 $0xFFFFFFFF  }
0xa5: {  	s26 =	simm.s32 $execute0_lowered;
	[smem:$0x3FD2] =	sst s25  }
0xa6: {  	s4 =	sshll.u32 s26, $0x1;
	_ =	strace $0x8000004F;
	[dreg:$0x1] =	wrdreg $0xFFFFFFFF  }
0xa7: {  	s28 =	simm.s32 $_size_execute0_lowered;
	s2 =	sadd.s32 s2, s4;
	[dreg:$0x0] =	wrdreg $0x0  }
0xa8: {  	s4 =	sshll.u32 s28, $0x1;
	[dreg:$0x2] =	wrdreg s2  }
0xa9: {  	[dreg:$0x3] =	wrdreg s4  }
0xaa: {  	[dreg:$0x4] =	wrdreg $0xC0  }
0xab: {  	_ =	task [dreg:s6], $0x5FFFF  }
0xac: {  	[dreg:$0x1] =	wrdreg $0xFFFFFFFF  }
0xad: {  	[dreg:$0x0] =	wrdreg $0x60  }
0xae: {  	[dreg:$0x2] =	wrdreg s24  }
0xaf: {  	[dreg:$0x3] =	wrdreg $0x48000  }
0xb0: {  	[dreg:$0x4] =	wrdreg $0x9  }
0xb1: {  	_ =	task.clear_ibuf [dreg:s6], $0x5FFFF;
	_ =	strace $0x9000004F  }
0xb2: {  	s29 =	simm.s32 $0x9;
	_ =	strace $0x80000051  }
0xb3: {  	_ =	swait.ge [sflag:s29], $0x1  }
0xb4: {  	[sflag:s29] =	ssyncadd.s32 $0xFFFFFFFF  }
0xb5: {  	_ =	strace $0x90000051  }
0xb6: {  	_ =	sfence  }
0xb7: {  	s30 =	sld [smem:$0x0];
	_ =	sdelay $0x2  }
0xb8: {  	s31 =	sshll.u32 s1, $0xD;
	s1 =	sshrl.u32 s1, $0x2  }
0xb9: {  	s3 =	sand.u32 $0x4000, s31;
	s1 =	sadd.s32 s1, s30  }
0xba: {  	s0 =	sor.u32 s3, s0;
	s1 =	sshll.u32 s1, $0x11  }
0xbb: {  	s0 =	sor.u32 s1, s0  }
0xbc: {  	s0 =	sadd.s32 $0x8F2B, s0  }
0xbd: {  	[sflag:s0] =	ssyncadd.remote.s32 $0x1  }
0xbe: {  	_ =	sfence.sel $0xFFFF  }
0xbf: {  	[dreg:$0x0] =	wrdreg $0xFFFFFFFF;
	(pc) =	sbr.abs _section_cstart, $3  }
0xc0: {  	[dreg:$0x1] =	wrdreg $0xFFFFFFFF  }
0xc1: {  	_ =	task.clear_ibuf [dreg:s6], $0x2FFFF;
	_ =	strace $0x9FFFFFFF  }
0xc2: {  	(tm) =	ssettm $0x7FFFFFFF  }
0xc3: {  	_ =	shalt  }
tec
execute0_lowered:
.L_overlay_start_1:
0x0: {  	(tag) =	ssettag $0x1  }
0x1: {  	s0 =	srdreg.scid;
	s3 =	rddreg [dreg:$0x0]  }
0x2: {  	s1 =	rddreg [dreg:$0x1];
	s6 =	stileid.u32  }
0x3: {  	s26 =	rddreg [dreg:$0x2];
	s2 =	simm.s32 $0x0;
	s15 =	simm.s32 $0x7  }
0x4: {  	s14 =	simm.s32 $0x4;
	s13 =	simm.s32 $0xA;
	s12 =	simm.s32 $0x8  }
0x5: {  	p1 =	por $0x0, $0x0;
	s0 =	sand.u32 $0x1, s0;
	[smem:$0x7FF] =	sst s2  }
0x6: {  	s7 =	sadd.s32 $0x2000, s3;
	s8 =	sadd.s32 $0x16000, s3;
	s10 =	sadd.s32 $0xC000, s3  }
0x7: {  	p0 =	sne.s32 s6, $0x0;
	s5 =	sshll.u32 s0, $0x4;
	s0 =	ssub.s32 $0x2, s0  }
0x8: {  	_ =	strace $0x80000050;
	s4 =	sor.u32 s6, s5;
	s28 =	sshrl.u32 s0, $0x1  }
0x9: {  	[dreg:$0x3] =	wrdreg s8;
	s4 =	smul.u32 $0x2800, s4;
	s0 =	ssub.s32 s0, s28  }
0xa: {  	s8 =	simm.s32 $0x1800;
	s6 =	simm.s32 $0x2000;
	s0 =	smax.u32 s0, $0x1  }
0xb: {  	s30 =	rddreg [dreg:$0x3];
	s9 =	sshrl.u32 s4, $0x3;
	s0 =	sadd.s32 $0xFFFFFFFF, s0  }
0xc: {  	s4 =	sadd.s32 s7, s9;
	s16 =	sadd.s32 s10, s9;
	s11 =	sadd.s32 $0x100, s9  }
0xd: {  	s19 =	sadd.s32 $0x200, s9;
	s22 =	sadd.s32 $0x300, s9;
	s25 =	sadd.s32 $0x400, s9  }
0xe: {  	s9 =	simm.s32 $0xB;
	p2 =	sne.s32 s0, $0x0;
	[dreg:$0x4] =	wrdreg s4  }
0xf: {  	s4 =	sadd.s32 $0x16600, s3;
	[dreg:$0x5] =	wrdreg s16;
	s17 =	sadd.s32 s7, s11  }
0x10: {  	s18 =	sadd.s32 s10, s11;
	s3 =	sadd.s32 s5, s3;
	[dreg:$0x6] =	wrdreg s17  }
0x11: {  	s20 =	sadd.s32 s7, s19;
	s21 =	sadd.s32 s10, s19;
	[dreg:$0x7] =	wrdreg s18  }
0x12: {  	s23 =	sadd.s32 s7, s22;
	s24 =	sadd.s32 s10, s22;
	[dreg:$0x8] =	wrdreg s20  }
0x13: {  	s29 =	sadd.s32 s7, s25;
	s31 =	sadd.s32 s10, s25;
	[dreg:$0x9] =	wrdreg s21  }
0x14: {  	s5 =	simm.s32 $0x800;
	s22 =	simm.s32 $0x1;
	[dreg:$0xa] =	wrdreg s23  }
0x15: {  	s10 =	simm.s32 $0x3000;
	s7 =	simm.s32 $0x3800;
	[dreg:$0xb] =	wrdreg s24  }
.Ltmp0:
0x16: {  	s16 =	simm.s32 $0x2800;
	[dreg:$0xc] =	wrdreg s29;
	(pc) =	sbr.rel @!p2 .LBB2_1-.Ltmp0, $4  }
0x17: {  	s11 =	simm.s32 $0x5;
	s19 =	simm.s32 $0xC;
	[dreg:$0xd] =	wrdreg s31  }
0x18: {  	s3 =	sadd.s32 $0x16C00, s3;
	s18 =	simm.s32 $0x2;
	s23 =	simm.s32 $0x1000  }
0x19: {  	s24 =	simm.s32 $0x3;
	s17 =	simm.s32 $0x4000;
	s21 =	simm.s32 $0x9  }
0x1a: {  	s20 =	simm.s32 $0x6;
	[dreg:$0xe] =	wrdreg s3;
	s3 =	sshrl.u32 @!p0 s1, $0x3  }
0x1b: {  	s25 =	simm.s32 @!p0 $0x1C0D  }
0x1c: {  	[spmem:s3], [sflag:s25] =	dma.local @!p0 [hbm:s30], $0x4F0  }
0x1d: {  	s25 =	rddreg [dreg:$0x4]  }
0x1e: {  	[tilespmem:s2], [sflag:$0x1] =	stream.linear.gather [hbm4b:s25+s2], $0x800, $0x38;
	[tilespmem:$0x4A78] =	vst v63  }
0x1f: {  	s26 =	rddreg [dreg:$0x5]  }
0x20: {  	[tilespmem:s8], [sflag:$0x4] =	stream.linear.gather [hbm4b:s26+s2], $0x800, $0x38;
	[tilespmem:$0x4A78] =	vst v63  }
0x21: {  	s25 =	rddreg [dreg:$0x6]  }
0x22: {  	[tilespmem:s5], [sflag:$0x2] =	stream.linear.gather [hbm4b:s25+s2], $0x800, $0x38;
	[tilespmem:$0x4A78] =	vst v63  }
0x23: {  	s31 =	rddreg [dreg:$0x7]  }
0x24: {  	[tilespmem:s6], [sflag:$0x5] =	stream.linear.gather [hbm4b:s31+s2], $0x800, $0x38;
	[tilespmem:$0x4A78] =	vst v63  }
0x25: {  	_ =	swait.ge [sflag:s22], $0x800  }
0x26: {  	[sflag:s22] =	ssyncset.done $0x0  }
0x27: {  	[sflag:s22] =	ssyncadd.s32 $0xFFFFF800  }
0x28: {  	_ =	swait.ge [sflag:s18], $0x800  }
0x29: {  	[sflag:s18] =	ssyncset.done $0x0  }
0x2a: {  	[sflag:s18] =	ssyncadd.s32 $0xFFFFF800  }
0x2b: {  	[tilespmem:s10], [sflag:$0x7] =	stream.indirect.gather [hbm4b:s4+s5], $0x1, s2, s5, $0xb8;
	[tilespmem:$0x4A78] =	vst v63  }
0x2c: {  	_ = 	snop  }
0x2d: {  	[tilespmem:s7], [sflag:$0x8] =	stream.indirect.gather [hbm4b:s4+s5], $0x1, s5, s5, $0xb8;
	[tilespmem:$0x4A78] =	vst v63  }
0x2e: {  	s26 =	simm.s32 @!p0 $0xD;
	s31 =	rddreg [dreg:$0x8]  }
0x2f: {  	[tilespmem:s23], [sflag:$0x3] =	stream.linear.gather [hbm4b:s31+s2], $0x800, $0x38;
	[tilespmem:$0x4A78] =	vst v63  }
0x30: {  	_ =	swait.ge @!p0 [sflag:s26], $0x4F0  }
0x31: {  	[sflag:s26] =	ssyncset.done @!p0 $0x0  }
0x32: {  	[sflag:s26] =	ssyncadd.s32 @!p0 $0xFFFFFB10  }
0x33: {  	[bflag:$0x0] =	sbarrier.arrive $0xFFFF  }
0x34: {  	s31 =	rddreg [dreg:$0x9]  }
0x35: {  	[tilespmem:s16], [sflag:$0x6] =	stream.linear.gather [hbm4b:s31+s2], $0x800, $0x38;
	[tilespmem:$0x4A78] =	vst v63  }
0x36: {  	_ =	swait.ge [sflag:s24], $0x800  }
0x37: {  	[sflag:s24] =	ssyncset.done $0x0  }
0x38: {  	[sflag:s24] =	ssyncadd.s32 $0xFFFFF800  }
0x39: {  	[tilespmem:s17], [sflag:$0x9] =	stream.indirect.gather [hbm4b:s4+s5], $0x1, s23, s5, $0xb8;
	[tilespmem:$0x4A78] =	vst v63  }
0x3a: {  	_ =	swait.ge [sflag:s15], $0x800  }
0x3b: {  	[sflag:s15] =	ssyncset.done $0x0  }
0x3c: {  	s31 =	rddreg [dreg:$0xa];
	[sflag:s15] =	ssyncadd.s32 $0xFFFFF800  }
0x3d: {  	[tilespmem:s2], [sflag:$0x1] =	stream.linear.gather [hbm4b:s31+s2], $0x800, $0x38;
	[tilespmem:$0x4A78] =	vst v63  }
0x3e: {  	_ =	swait.ge [sflag:s14], $0x800  }
0x3f: {  	[sflag:s14] =	ssyncset.done $0x0  }
0x40: {  	[sflag:s14] =	ssyncadd.s32 $0xFFFFF800  }
0x41: {  	[spmem:s1] =	stream.indirect.scatter.add.f32 [tilespmem:s10], [sflag:$0xA], $0x1, s8, s5, $0xb8;
	[tilespmem:$0x4A78] =	vst v63  }
0x42: {  	_ =	swait.ge [sflag:s13], $0x800  }
0x43: {  	[sflag:s13] =	ssyncset.done $0x0  }
0x44: {  	s31 =	rddreg [dreg:$0xb];
	[sflag:s13] =	ssyncadd.s32 $0xFFFFF800  }
0x45: {  	[tilespmem:s8], [sflag:$0x4] =	stream.linear.gather [hbm4b:s31+s2], $0x800, $0x38;
	[tilespmem:$0x4A78] =	vst v63  }
0x46: {  	_ =	swait.ge [sflag:s22], $0x800  }
0x47: {  	[sflag:s22] =	ssyncset.done $0x0  }
0x48: {  	[sflag:s22] =	ssyncadd.s32 $0xFFFFF800  }
0x49: {  	[tilespmem:s10], [sflag:$0x7] =	stream.indirect.gather [hbm4b:s4+s5], $0x1, s2, s5, $0xb8;
	[tilespmem:$0x4A78] =	vst v63  }
0x4a: {  	_ =	swait.ge [sflag:s12], $0x800  }
0x4b: {  	[sflag:s12] =	ssyncset.done $0x0  }
0x4c: {  	s31 =	rddreg [dreg:$0xc];
	[sflag:s12] =	ssyncadd.s32 $0xFFFFF800  }
0x4d: {  	[tilespmem:s5], [sflag:$0x2] =	stream.linear.gather [hbm4b:s31+s2], $0x800, $0x38;
	[tilespmem:$0x4A78] =	vst v63  }
0x4e: {  	_ =	swait.ge [sflag:s11], $0x800  }
0x4f: {  	[sflag:s11] =	ssyncset.done $0x0  }
0x50: {  	[sflag:s11] =	ssyncadd.s32 $0xFFFFF800  }
0x51: {  	[spmem:s1] =	stream.indirect.scatter.add.f32 [tilespmem:s7], [sflag:$0xB], $0x1, s6, s5, $0xb8;
	[tilespmem:$0x4A78] =	vst v63  }
0x52: {  	_ =	swait.ge [sflag:s9], $0x800  }
0x53: {  	[sflag:s9] =	ssyncset.done $0x0  }
0x54: {  	s31 =	rddreg [dreg:$0xd];
	[sflag:s9] =	ssyncadd.s32 $0xFFFFF800  }
0x55: {  	[tilespmem:s6], [sflag:$0x5] =	stream.linear.gather [hbm4b:s31+s2], $0x800, $0x38;
	[tilespmem:$0x4A78] =	vst v63  }
0x56: {  	_ =	swait.ge [sflag:s18], $0x800  }
0x57: {  	[sflag:s18] =	ssyncset.done $0x0  }
0x58: {  	[sflag:s18] =	ssyncadd.s32 $0xFFFFF800  }
0x59: {  	[tilespmem:s7], [sflag:$0x8] =	stream.indirect.gather [hbm4b:s4+s5], $0x1, s5, s5, $0xb8;
	[tilespmem:$0x4A78] =	vst v63  }
0x5a: {  	_ =	swait.ge [sflag:s21], $0x800  }
0x5b: {  	[sflag:s21] =	ssyncset.done $0x0  }
0x5c: {  	[sflag:s21] =	ssyncadd.s32 $0xFFFFF800  }
0x5d: {  	_ =	swait.ge [sflag:s20], $0x800  }
0x5e: {  	[sflag:s20] =	ssyncset.done $0x0  }
0x5f: {  	[sflag:s20] =	ssyncadd.s32 $0xFFFFF800  }
0x60: {  	[spmem:s1] =	stream.indirect.scatter.add.f32 [tilespmem:s17], [sflag:$0xC], $0x1, s16, s5, $0xb8;
	[tilespmem:$0x4A78] =	vst v63  }
0x61: {  	_ =	swait.ge [sflag:s19], $0x800  }
0x62: {  	[sflag:s19] =	ssyncset.done $0x0  }
0x63: {  	[sflag:s19] =	ssyncadd.s32 $0xFFFFF800  }
0x64: {  	_ =	swait.ge [sflag:s15], $0x800  }
0x65: {  	[sflag:s15] =	ssyncset.done $0x0  }
0x66: {  	[sflag:s15] =	ssyncadd.s32 $0xFFFFF800  }
0x67: {  	_ =	swait.ge [sflag:s14], $0x800  }
0x68: {  	[sflag:s14] =	ssyncset.done $0x0  }
0x69: {  	[sflag:s14] =	ssyncadd.s32 $0xFFFFF800  }
0x6a: {  	[spmem:s1] =	stream.indirect.scatter.add.f32 [tilespmem:s10], [sflag:$0xA], $0x1, s8, s5, $0xb8;
	[tilespmem:$0x4A78] =	vst v63  }
0x6b: {  	_ =	swait.ge [sflag:s13], $0x800  }
0x6c: {  	[sflag:s13] =	ssyncset.done $0x0  }
0x6d: {  	[sflag:s13] =	ssyncadd.s32 $0xFFFFF800  }
0x6e: {  	_ =	swait.ge [sflag:s12], $0x800  }
0x6f: {  	[sflag:s12] =	ssyncset.done $0x0  }
0x70: {  	[sflag:s12] =	ssyncadd.s32 $0xFFFFF800  }
0x71: {  	_ =	swait.ge [sflag:s11], $0x800  }
0x72: {  	[sflag:s11] =	ssyncset.done $0x0  }
0x73: {  	[sflag:s11] =	ssyncadd.s32 $0xFFFFF800  }
0x74: {  	[spmem:s1] =	stream.indirect.scatter.add.f32 [tilespmem:s7], [sflag:$0xB], $0x1, s6, s5, $0xb8;
	[tilespmem:$0x4A78] =	vst v63  }
0x75: {  	_ =	swait.ge [sflag:s9], $0x800  }
0x76: {  	[sflag:s9] =	ssyncset.done $0x0  }
0x77: {  	[sflag:s9] =	ssyncadd.s32 $0xFFFFF800  }
0x78: {  	s29 =	sadd.s32 $0xFFFFFFFF, s0;
	s28 =	simm.s32 @!p0 $0xE;
	[bflag:$0x0] =	sbarrier.arrive $0xFFFF  }
0x79: {  	s0 =	simm.s32 @!p0 $0x20;
	p2 =	sne.s32 s29, $0x0;
	s31 =	rddreg [dreg:$0xe]  }
.Ltmp1:
0x7a: {  	s30 =	simm.s32 @!p0 $0x10;
	[dreg:$0xf] =	wrdreg s31;
	(pc) =	sbr.rel @!p2 .LBB2_3-.Ltmp1, $4  }
0x7b: {  	s25 =	simm.s32 @!p0 $0x1;
	s31 =	simm.s32 @!p0 $0x1C0E;
	s17 =	rddreg [dreg:$0xf]  }
0x7c: {  	[hbm:s17@s0], [sflag:s31] =	dma.strided @!p0 [spmem:s3@s30], $0x4F0, s25, $0x10   }
0x7d: {  	p1 =	por $0x1, $0x1;
	_ =	swait.ge @!p0 [sflag:s28], $0x4F0  }
0x7e: {  	s17 =	simm.s32 $0x4000;
	s30 =	rddreg [dreg:$0x3];
	[sflag:s28] =	ssyncset.done @!p0 $0x0  }
.LBB2_4:
0x7f: {  	[sflag:s28] =	ssyncadd.s32 @!p0 $0xFFFFFB10;
	s31 =	simm.s32 @!p0 $0x1C0D  }
0x80: {  	[spmem:s3], [sflag:s31] =	dma.local @!p0 [hbm:s30], $0x4F0  }
0x81: {  	s30 =	rddreg [dreg:$0x4]  }
0x82: {  	[tilespmem:s2], [sflag:$0x1] =	stream.linear.gather [hbm4b:s30+s2], $0x800, $0x38;
	[tilespmem:$0x4A78] =	vst v63  }
0x83: {  	s31 =	rddreg [dreg:$0x5]  }
0x84: {  	[tilespmem:s8], [sflag:$0x4] =	stream.linear.gather [hbm4b:s31+s2], $0x800, $0x38;
	[tilespmem:$0x4A78] =	vst v63  }
0x85: {  	s30 =	rddreg [dreg:$0x6]  }
0x86: {  	[tilespmem:s5], [sflag:$0x2] =	stream.linear.gather [hbm4b:s30+s2], $0x800, $0x38;
	[tilespmem:$0x4A78] =	vst v63  }
0x87: {  	s25 =	rddreg [dreg:$0x7]  }
0x88: {  	[tilespmem:s6], [sflag:$0x5] =	stream.linear.gather [hbm4b:s25+s2], $0x800, $0x38;
	[tilespmem:$0x4A78] =	vst v63  }
0x89: {  	_ =	swait.ge [sflag:s22], $0x800  }
0x8a: {  	[sflag:s22] =	ssyncset.done $0x0  }
0x8b: {  	[sflag:s22] =	ssyncadd.s32 $0xFFFFF800  }
0x8c: {  	_ =	swait.ge [sflag:s18], $0x800  }
0x8d: {  	[sflag:s18] =	ssyncset.done $0x0  }
0x8e: {  	[sflag:s18] =	ssyncadd.s32 $0xFFFFF800  }
0x8f: {  	[tilespmem:s10], [sflag:$0x7] =	stream.indirect.gather [hbm4b:s4+s5], $0x1, s2, s5, $0xb8;
	[tilespmem:$0x4A78] =	vst v63  }
0x90: {  	_ = 	snop  }
0x91: {  	[tilespmem:s7], [sflag:$0x8] =	stream.indirect.gather [hbm4b:s4+s5], $0x1, s5, s5, $0xb8;
	[tilespmem:$0x4A78] =	vst v63  }
0x92: {  	s30 =	rddreg [dreg:$0x8]  }
0x93: {  	[tilespmem:s23], [sflag:$0x3] =	stream.linear.gather [hbm4b:s30+s2], $0x800, $0x38;
	[tilespmem:$0x4A78] =	vst v63  }
0x94: {  	_ =	swait.ge @!p0 [sflag:s26], $0x4F0  }
0x95: {  	[sflag:s26] =	ssyncset.done @!p0 $0x0  }
0x96: {  	[sflag:s26] =	ssyncadd.s32 @!p0 $0xFFFFFB10  }
0x97: {  	[bflag:$0x0] =	sbarrier.arrive $0xFFFF  }
0x98: {  	s30 =	rddreg [dreg:$0x9]  }
0x99: {  	[tilespmem:s16], [sflag:$0x6] =	stream.linear.gather [hbm4b:s30+s2], $0x800, $0x38;
	[tilespmem:$0x4A78] =	vst v63  }
0x9a: {  	_ =	swait.ge [sflag:s24], $0x800  }
0x9b: {  	[sflag:s24] =	ssyncset.done $0x0  }
0x9c: {  	[sflag:s24] =	ssyncadd.s32 $0xFFFFF800  }
0x9d: {  	[tilespmem:s17], [sflag:$0x9] =	stream.indirect.gather [hbm4b:s4+s5], $0x1, s23, s5, $0xb8;
	[tilespmem:$0x4A78] =	vst v63  }
0x9e: {  	_ =	swait.ge [sflag:s15], $0x800  }
0x9f: {  	[sflag:s15] =	ssyncset.done $0x0  }
0xa0: {  	s30 =	rddreg [dreg:$0xa];
	[sflag:s15] =	ssyncadd.s32 $0xFFFFF800  }
0xa1: {  	[tilespmem:s2], [sflag:$0x1] =	stream.linear.gather [hbm4b:s30+s2], $0x800, $0x38;
	[tilespmem:$0x4A78] =	vst v63  }
0xa2: {  	_ =	swait.ge [sflag:s14], $0x800  }
0xa3: {  	[sflag:s14] =	ssyncset.done $0x0  }
0xa4: {  	[sflag:s14] =	ssyncadd.s32 $0xFFFFF800  }
0xa5: {  	[spmem:s1] =	stream.indirect.scatter.add.f32 [tilespmem:s10], [sflag:$0xA], $0x1, s8, s5, $0xb8;
	[tilespmem:$0x4A78] =	vst v63  }
0xa6: {  	_ =	swait.ge [sflag:s13], $0x800  }
0xa7: {  	[sflag:s13] =	ssyncset.done $0x0  }
0xa8: {  	s30 =	rddreg [dreg:$0xb];
	[sflag:s13] =	ssyncadd.s32 $0xFFFFF800  }
0xa9: {  	[tilespmem:s8], [sflag:$0x4] =	stream.linear.gather [hbm4b:s30+s2], $0x800, $0x38;
	[tilespmem:$0x4A78] =	vst v63  }
0xaa: {  	_ =	swait.ge [sflag:s22], $0x800  }
0xab: {  	[sflag:s22] =	ssyncset.done $0x0  }
0xac: {  	[sflag:s22] =	ssyncadd.s32 $0xFFFFF800  }
0xad: {  	[tilespmem:s10], [sflag:$0x7] =	stream.indirect.gather [hbm4b:s4+s5], $0x1, s2, s5, $0xb8;
	[tilespmem:$0x4A78] =	vst v63  }
0xae: {  	_ =	swait.ge [sflag:s12], $0x800  }
0xaf: {  	[sflag:s12] =	ssyncset.done $0x0  }
0xb0: {  	s30 =	rddreg [dreg:$0xc];
	[sflag:s12] =	ssyncadd.s32 $0xFFFFF800  }
0xb1: {  	[tilespmem:s5], [sflag:$0x2] =	stream.linear.gather [hbm4b:s30+s2], $0x800, $0x38;
	[tilespmem:$0x4A78] =	vst v63  }
0xb2: {  	_ =	swait.ge [sflag:s11], $0x800  }
0xb3: {  	[sflag:s11] =	ssyncset.done $0x0  }
0xb4: {  	[sflag:s11] =	ssyncadd.s32 $0xFFFFF800  }
0xb5: {  	[spmem:s1] =	stream.indirect.scatter.add.f32 [tilespmem:s7], [sflag:$0xB], $0x1, s6, s5, $0xb8;
	[tilespmem:$0x4A78] =	vst v63  }
0xb6: {  	_ =	swait.ge [sflag:s9], $0x800  }
0xb7: {  	[sflag:s9] =	ssyncset.done $0x0  }
0xb8: {  	s30 =	rddreg [dreg:$0xd];
	[sflag:s9] =	ssyncadd.s32 $0xFFFFF800  }
0xb9: {  	[tilespmem:s6], [sflag:$0x5] =	stream.linear.gather [hbm4b:s30+s2], $0x800, $0x38;
	[tilespmem:$0x4A78] =	vst v63  }
0xba: {  	_ =	swait.ge [sflag:s18], $0x800  }
0xbb: {  	[sflag:s18] =	ssyncset.done $0x0  }
0xbc: {  	[sflag:s18] =	ssyncadd.s32 $0xFFFFF800  }
0xbd: {  	[tilespmem:s7], [sflag:$0x8] =	stream.indirect.gather [hbm4b:s4+s5], $0x1, s5, s5, $0xb8;
	[tilespmem:$0x4A78] =	vst v63  }
0xbe: {  	_ =	swait.ge [sflag:s21], $0x800  }
0xbf: {  	[sflag:s21] =	ssyncset.done $0x0  }
0xc0: {  	[sflag:s21] =	ssyncadd.s32 $0xFFFFF800  }
0xc1: {  	_ =	swait.ge [sflag:s20], $0x800  }
0xc2: {  	[sflag:s20] =	ssyncset.done $0x0  }
0xc3: {  	[sflag:s20] =	ssyncadd.s32 $0xFFFFF800  }
0xc4: {  	[spmem:s1] =	stream.indirect.scatter.add.f32 [tilespmem:s17], [sflag:$0xC], $0x1, s16, s5, $0xb8;
	[tilespmem:$0x4A78] =	vst v63  }
0xc5: {  	_ =	swait.ge [sflag:s19], $0x800  }
0xc6: {  	[sflag:s19] =	ssyncset.done $0x0  }
0xc7: {  	[sflag:s19] =	ssyncadd.s32 $0xFFFFF800  }
0xc8: {  	_ =	swait.ge [sflag:s15], $0x800  }
0xc9: {  	[sflag:s15] =	ssyncset.done $0x0  }
0xca: {  	[sflag:s15] =	ssyncadd.s32 $0xFFFFF800  }
0xcb: {  	_ =	swait.ge [sflag:s14], $0x800  }
0xcc: {  	[sflag:s14] =	ssyncset.done $0x0  }
0xcd: {  	[sflag:s14] =	ssyncadd.s32 $0xFFFFF800  }
0xce: {  	[spmem:s1] =	stream.indirect.scatter.add.f32 [tilespmem:s10], [sflag:$0xA], $0x1, s8, s5, $0xb8;
	[tilespmem:$0x4A78] =	vst v63  }
0xcf: {  	_ =	swait.ge [sflag:s13], $0x800  }
0xd0: {  	[sflag:s13] =	ssyncset.done $0x0  }
0xd1: {  	[sflag:s13] =	ssyncadd.s32 $0xFFFFF800  }
0xd2: {  	_ =	swait.ge [sflag:s12], $0x800  }
0xd3: {  	[sflag:s12] =	ssyncset.done $0x0  }
0xd4: {  	[sflag:s12] =	ssyncadd.s32 $0xFFFFF800  }
0xd5: {  	_ =	swait.ge [sflag:s11], $0x800  }
0xd6: {  	[sflag:s11] =	ssyncset.done $0x0  }
0xd7: {  	[sflag:s11] =	ssyncadd.s32 $0xFFFFF800  }
0xd8: {  	[spmem:s1] =	stream.indirect.scatter.add.f32 [tilespmem:s7], [sflag:$0xB], $0x1, s6, s5, $0xb8;
	[tilespmem:$0x4A78] =	vst v63  }
0xd9: {  	_ =	swait.ge [sflag:s9], $0x800  }
0xda: {  	s29 =	sadd.s32 $0xFFFFFFFF, s29;
	[sflag:s9] =	ssyncset.done $0x0  }
0xdb: {  	s0 =	simm.s32 @!p0 $0x1;
	p2 =	sne.s32 s29, $0x0;
	[sflag:s9] =	ssyncadd.s32 $0xFFFFF800  }
.Ltmp2:
0xdc: {  	s31 =	simm.s32 @!p0 $0x1C0E;
	[bflag:$0x0] =	sbarrier.arrive $0xFFFF;
	(pc) =	sbr.rel @p2 .LBB2_4-.Ltmp2, $4  }
0xdd: {  	s25 =	simm.s32 @!p0 $0x20;
	s16 =	simm.s32 @!p0 $0x10;
	s30 =	rddreg [dreg:$0xe]  }
0xde: {  	[hbm:s30@s25], [sflag:s31] =	dma.strided @!p0 [spmem:s3@s16], $0x4F0, s0, $0x10   }
0xdf: {  	_ =	swait.ge @!p0 [sflag:s28], $0x4F0  }
0xe0: {  	s16 =	simm.s32 $0x2800;
	s30 =	rddreg [dreg:$0x3];
	[sflag:s28] =	ssyncset.done @!p0 $0x0  }
0xe1: {  	s26 =	rddreg [dreg:$0x2]  }
.LBB2_6:
0xe2: {  	p1 =	por p0, !p1  }
0xe3: {  	s0 =	simm.s32 @!p0 $0x1C0D;
	[sflag:s28] =	ssyncadd.s32 @!p1 $0xFFFFFB10  }
0xe4: {  	[spmem:s3], [sflag:s0] =	dma.local @!p0 [hbm:s30], $0x4F0  }
0xe5: {  	s0 =	rddreg [dreg:$0x4]  }
0xe6: {  	[tilespmem:s2], [sflag:$0x1] =	stream.linear.gather [hbm4b:s0+s2], $0x800, $0x38;
	[tilespmem:$0x4A78] =	vst v63  }
0xe7: {  	s25 =	rddreg [dreg:$0x5]  }
0xe8: {  	[tilespmem:s8], [sflag:$0x4] =	stream.linear.gather [hbm4b:s25+s2], $0x800, $0x38;
	[tilespmem:$0x4A78] =	vst v63  }
0xe9: {  	s29 =	rddreg [dreg:$0x6]  }
0xea: {  	[tilespmem:s5], [sflag:$0x2] =	stream.linear.gather [hbm4b:s29+s2], $0x800, $0x38;
	[tilespmem:$0x4A78] =	vst v63  }
0xeb: {  	s30 =	rddreg [dreg:$0x7]  }
0xec: {  	[tilespmem:s6], [sflag:$0x5] =	stream.linear.gather [hbm4b:s30+s2], $0x800, $0x38;
	[tilespmem:$0x4A78] =	vst v63  }
0xed: {  	_ =	swait.ge [sflag:s22], $0x800  }
0xee: {  	[sflag:s22] =	ssyncset.done $0x0  }
0xef: {  	[sflag:s22] =	ssyncadd.s32 $0xFFFFF800  }
0xf0: {  	_ =	swait.ge [sflag:s18], $0x800  }
0xf1: {  	[sflag:s18] =	ssyncset.done $0x0  }
0xf2: {  	[sflag:s18] =	ssyncadd.s32 $0xFFFFF800  }
0xf3: {  	[tilespmem:s10], [sflag:$0x7] =	stream.indirect.gather [hbm4b:s4+s5], $0x1, s2, s5, $0xb8;
	[tilespmem:$0x4A78] =	vst v63  }
0xf4: {  	_ = 	snop  }
0xf5: {  	[tilespmem:s7], [sflag:$0x8] =	stream.indirect.gather [hbm4b:s4+s5], $0x1, s5, s5, $0xb8;
	[tilespmem:$0x4A78] =	vst v63  }
0xf6: {  	s0 =	simm.s32 @!p0 $0xD;
	s31 =	rddreg [dreg:$0x8]  }
0xf7: {  	[tilespmem:s23], [sflag:$0x3] =	stream.linear.gather [hbm4b:s31+s2], $0x800, $0x38;
	[tilespmem:$0x4A78] =	vst v63  }
0xf8: {  	_ =	swait.ge @!p0 [sflag:s0], $0x4F0  }
0xf9: {  	[sflag:s0] =	ssyncset.done @!p0 $0x0  }
0xfa: {  	[sflag:s0] =	ssyncadd.s32 @!p0 $0xFFFFFB10  }
0xfb: {  	[bflag:$0x0] =	sbarrier.arrive $0xFFFF  }
0xfc: {  	s25 =	rddreg [dreg:$0x9]  }
0xfd: {  	[tilespmem:s16], [sflag:$0x6] =	stream.linear.gather [hbm4b:s25+s2], $0x800, $0x38;
	[tilespmem:$0x4A78] =	vst v63  }
0xfe: {  	_ =	swait.ge [sflag:s24], $0x800  }
0xff: {  	[sflag:s24] =	ssyncset.done $0x0  }
0x100: {  	[sflag:s24] =	ssyncadd.s32 $0xFFFFF800  }
0x101: {  	[tilespmem:s17], [sflag:$0x9] =	stream.indirect.gather [hbm4b:s4+s5], $0x1, s23, s5, $0xb8;
	[tilespmem:$0x4A78] =	vst v63  }
0x102: {  	_ =	swait.ge [sflag:s15], $0x800  }
0x103: {  	[sflag:s15] =	ssyncset.done $0x0  }
0x104: {  	s28 =	rddreg [dreg:$0xa];
	[sflag:s15] =	ssyncadd.s32 $0xFFFFF800  }
0x105: {  	[tilespmem:s2], [sflag:$0x1] =	stream.linear.gather [hbm4b:s28+s2], $0x800, $0x38;
	[tilespmem:$0x4A78] =	vst v63  }
0x106: {  	_ =	swait.ge [sflag:s14], $0x800  }
0x107: {  	[sflag:s14] =	ssyncset.done $0x0  }
0x108: {  	[sflag:s14] =	ssyncadd.s32 $0xFFFFF800  }
0x109: {  	[spmem:s1] =	stream.indirect.scatter.add.f32 [tilespmem:s10], [sflag:$0xA], $0x1, s8, s5, $0xb8;
	[tilespmem:$0x4A78] =	vst v63  }
0x10a: {  	_ =	swait.ge [sflag:s13], $0x800  }
0x10b: {  	[sflag:s13] =	ssyncset.done $0x0  }
0x10c: {  	s29 =	rddreg [dreg:$0xb];
	[sflag:s13] =	ssyncadd.s32 $0xFFFFF800  }
0x10d: {  	[tilespmem:s8], [sflag:$0x4] =	stream.linear.gather [hbm4b:s29+s2], $0x800, $0x38;
	[tilespmem:$0x4A78] =	vst v63  }
0x10e: {  	_ =	swait.ge [sflag:s22], $0x800  }
0x10f: {  	[sflag:s22] =	ssyncset.done $0x0  }
0x110: {  	[sflag:s22] =	ssyncadd.s32 $0xFFFFF800  }
0x111: {  	[tilespmem:s10], [sflag:$0x7] =	stream.indirect.gather [hbm4b:s4+s5], $0x1, s2, s5, $0xb8;
	[tilespmem:$0x4A78] =	vst v63  }
0x112: {  	_ =	swait.ge [sflag:s12], $0x800  }
0x113: {  	[sflag:s12] =	ssyncset.done $0x0  }
0x114: {  	s30 =	rddreg [dreg:$0xc];
	[sflag:s12] =	ssyncadd.s32 $0xFFFFF800  }
0x115: {  	[tilespmem:s5], [sflag:$0x2] =	stream.linear.gather [hbm4b:s30+s2], $0x800, $0x38;
	[tilespmem:$0x4A78] =	vst v63  }
0x116: {  	_ =	swait.ge [sflag:s11], $0x800  }
0x117: {  	[sflag:s11] =	ssyncset.done $0x0  }
0x118: {  	[sflag:s11] =	ssyncadd.s32 $0xFFFFF800  }
0x119: {  	[spmem:s1] =	stream.indirect.scatter.add.f32 [tilespmem:s7], [sflag:$0xB], $0x1, s6, s5, $0xb8;
	[tilespmem:$0x4A78] =	vst v63  }
0x11a: {  	_ =	swait.ge [sflag:s9], $0x800  }
0x11b: {  	[sflag:s9] =	ssyncset.done $0x0  }
0x11c: {  	s31 =	rddreg [dreg:$0xd];
	[sflag:s9] =	ssyncadd.s32 $0xFFFFF800  }
0x11d: {  	[tilespmem:s6], [sflag:$0x5] =	stream.linear.gather [hbm4b:s31+s2], $0x800, $0x38;
	[tilespmem:$0x4A78] =	vst v63  }
0x11e: {  	_ =	swait.ge [sflag:s18], $0x800  }
0x11f: {  	[sflag:s18] =	ssyncset.done $0x0  }
0x120: {  	[sflag:s18] =	ssyncadd.s32 $0xFFFFF800  }
0x121: {  	[tilespmem:s7], [sflag:$0x8] =	stream.indirect.gather [hbm4b:s4+s5], $0x1, s5, s5, $0xb8;
	[tilespmem:$0x4A78] =	vst v63  }
0x122: {  	_ =	swait.ge [sflag:s21], $0x800  }
0x123: {  	[sflag:s21] =	ssyncset.done $0x0  }
0x124: {  	[sflag:s21] =	ssyncadd.s32 $0xFFFFF800  }
0x125: {  	_ =	swait.ge [sflag:s20], $0x800  }
0x126: {  	[sflag:s20] =	ssyncset.done $0x0  }
0x127: {  	[sflag:s20] =	ssyncadd.s32 $0xFFFFF800  }
0x128: {  	[spmem:s1] =	stream.indirect.scatter.add.f32 [tilespmem:s17], [sflag:$0xC], $0x1, s16, s5, $0xb8;
	[tilespmem:$0x4A78] =	vst v63  }
0x129: {  	_ =	swait.ge [sflag:s19], $0x800  }
0x12a: {  	[sflag:s19] =	ssyncset.done $0x0  }
0x12b: {  	[sflag:s19] =	ssyncadd.s32 $0xFFFFF800  }
0x12c: {  	_ =	swait.ge [sflag:s15], $0x800  }
0x12d: {  	[sflag:s15] =	ssyncset.done $0x0  }
0x12e: {  	[sflag:s15] =	ssyncadd.s32 $0xFFFFF800  }
0x12f: {  	_ =	swait.ge [sflag:s14], $0x800  }
0x130: {  	[sflag:s14] =	ssyncset.done $0x0  }
0x131: {  	[sflag:s14] =	ssyncadd.s32 $0xFFFFF800  }
0x132: {  	[spmem:s1] =	stream.indirect.scatter.add.f32 [tilespmem:s10], [sflag:$0xA], $0x1, s8, s5, $0xb8;
	[tilespmem:$0x4A78] =	vst v63  }
0x133: {  	_ =	swait.ge [sflag:s13], $0x800  }
0x134: {  	[sflag:s13] =	ssyncset.done $0x0  }
0x135: {  	[sflag:s13] =	ssyncadd.s32 $0xFFFFF800  }
0x136: {  	_ =	swait.ge [sflag:s12], $0x800  }
0x137: {  	[sflag:s12] =	ssyncset.done $0x0  }
0x138: {  	[sflag:s12] =	ssyncadd.s32 $0xFFFFF800  }
0x139: {  	_ =	swait.ge [sflag:s11], $0x800  }
0x13a: {  	[sflag:s11] =	ssyncset.done $0x0  }
0x13b: {  	[sflag:s11] =	ssyncadd.s32 $0xFFFFF800  }
0x13c: {  	[spmem:s1] =	stream.indirect.scatter.add.f32 [tilespmem:s7], [sflag:$0xB], $0x1, s6, s5, $0xb8;
	[tilespmem:$0x4A78] =	vst v63  }
0x13d: {  	_ =	swait.ge [sflag:s9], $0x800  }
0x13e: {  	[sflag:s9] =	ssyncset.done $0x0  }
0x13f: {  	[sflag:s9] =	ssyncadd.s32 $0xFFFFF800  }
0x140: {  	s2 =	simm.s32 @!p0 $0x1;
	s4 =	simm.s32 @!p0 $0x20;
	[bflag:$0x0] =	sbarrier.arrive $0xFFFF  }
0x141: {  	s1 =	simm.s32 @!p0 $0x1C0E;
	s5 =	simm.s32 @!p0 $0x10;
	s0 =	rddreg [dreg:$0xe]  }
0x142: {  	[hbm:s0@s4], [sflag:s1] =	dma.strided @!p0 [spmem:s3@s5], $0x4F0, s2, $0x10   }
0x143: {  	s0 =	simm.s32 @!p0 $0xE  }
0x144: {  	_ =	swait.ge @!p0 [sflag:s0], $0x4F0  }
0x145: {  	[sflag:s0] =	ssyncset.done @!p0 $0x0  }
0x146: {  	[sflag:s0] =	ssyncadd.s32 @!p0 $0xFFFFFB10  }
0x147: {  	_ =	sfence.sel $0x180000  }
0x148: {  	[bflag:$0x0] =	sbarrier.arrive $0xFFFF  }
0x149: {  	_ =	strace $0x90000050  }
0x14a: {  	s0 =	sadd.s32 @!p0 $0x100000, s26;
	[bflag:$0x2] =	sbarrier.arrive $0xFFFF  }
0x14b: {  	[sflag:s0] =	ssyncadd.tile.s32 @!p0 $0x1;
	_ =	shalt  }
.LBB2_1:
.Ltmp3:
0x14c: {  	(pc) =	sbr.rel .LBB2_6-.Ltmp3, $2  }
0x14d: {  	_ =	sdelay $0x2  }
0x14e: {  	_ = 	snop  }
.LBB2_3:
.Ltmp4:
0x14f: {  	(pc) =	sbr.rel .LBB2_6-.Ltmp4, $2  }
0x150: {  	_ =	sdelay $0x2  }
0x151: {  	s26 =	rddreg [dreg:$0x2]  }
.Lfunc_end2:
_tile_overlayer_lowered:
.L_overlay_start_2:
0x152: {  	(tag) =	ssettag $0x2  }
0x153: {  	s0 =	rddreg [dreg:$0x0];
	s2 =	stileid.u32  }
0x154: {  	s1 =	rddreg [dreg:$0x1];
	p0 =	sne.s32 s2, $0x0  }
0x155: {  	s3 =	rddreg [dreg:$0x2];
	[bflag:$0x3] =	sbarrier.arrive $0xFFFF;
	s2 =	simm.s32 @!p0 $0x1C0E  }
0x156: {  	[timem:s3], [sflag:s2] =	dma.local @!p0 [hbm:s0], s1  }
0x157: {  	s0 =	simm.s32 @!p0 $0xE  }
0x158: {  	_ =	swait.ge @!p0 [sflag:s0], s1  }
0x159: {  	s1 =	ssub.s32 @!p0 $0x0, s1;
	[sflag:s0] =	ssyncset.done @!p0 $0x0  }
0x15a: {  	[sflag:s0] =	ssyncadd.s32 @!p0 s1  }
0x15b: {  	[bflag:$0x3] =	sbarrier.arrive $0xFFFF  }
0x15c: {  	_ =	shalt  }

</sc_bundles>
